<compile_context>
chip_gen: v7x
topology: tpu7x:2x2x1
jax: 0.10.2.dev20260603
libtpu: 0.0.44.dev20260713+nightly
codegen_flags: <defaults>
</compile_context>

<pallas_src>
import jax
import jax.numpy as jnp
from jax import lax
from jax.experimental import pallas as pl
from jax.experimental.pallas import tpu as pltpu
from jax.experimental.pallas import tpu_sc as plsc
import functools

NUM_EMOTIONS = 1000
SEQ = 32
HID = 768
BATCH = 1024

NC = 2
NS = 16
NW = NC * NS

SC_CHUNKS = 4
SC_W = SEQ // SC_CHUNKS
BG = NW // SC_CHUNKS
B_PER_G = BATCH // BG
ROWS_PER_STREAM = 8
N_STREAMS = B_PER_G // ROWS_PER_STREAM

MASK_PER_W = BATCH // NW


def _mesh_kernel():
    mesh = plsc.VectorSubcoreMesh(core_axis_name="c", subcore_axis_name="s")

    @functools.partial(
        pl.kernel,
        mesh=mesh,
        out_type=[
            jax.ShapeDtypeStruct((BATCH, SEQ, HID), jnp.float32),
            jax.ShapeDtypeStruct((BATCH, SEQ), jnp.int32),
        ],
        scratch_types=[
            pltpu.VMEM((B_PER_G,), jnp.int32),
            pltpu.VMEM((MASK_PER_W,), jnp.int32),
            pltpu.VMEM((MASK_PER_W, SEQ), jnp.int32),
            pltpu.VMEM((ROWS_PER_STREAM, SC_W, HID), jnp.float32),
            pltpu.VMEM((ROWS_PER_STREAM, SC_W, HID), jnp.float32),
            pltpu.SemaphoreType.DMA,
            pltpu.SemaphoreType.DMA,
            pltpu.SemaphoreType.DMA,
        ],
    )
    def body(table_hbm, ids_hbm, mask_hbm, cond_out, mask_out,
             ids_v, mids_v, mrows_v, buf_a, buf_b, sem_a, sem_b, msem):
        wid = lax.axis_index("c") * NS + lax.axis_index("s")
        bg = wid // SC_CHUNKS
        dc = wid % SC_CHUNKS

        base = bg * B_PER_G
        pltpu.sync_copy(ids_hbm.at[pl.ds(base, B_PER_G)], ids_v)

        bufs = (buf_a, buf_b)
        sems = (sem_a, sem_b)

        def gather(g, b):
            return pltpu.async_copy(
                table_hbm.at[ids_v.at[pl.ds(g * ROWS_PER_STREAM, ROWS_PER_STREAM)],
                             pl.ds(dc * SC_W, SC_W), :],
                bufs[b], sems[b])

        hs = [gather(0, 0), gather(1, 1)]

        mbase = wid * MASK_PER_W
        pltpu.sync_copy(ids_hbm.at[pl.ds(mbase, MASK_PER_W)], mids_v)
        handles = []
        for blk in range(MASK_PER_W // 16):
            vec = mids_v[pl.ds(blk * 16, 16)]
            for j in range(16):
                i = blk * 16 + j
                rid = vec[j]
                handles.append(pltpu.async_copy(
                    mask_hbm.at[rid], mrows_v.at[i], msem))

        for g in range(N_STREAMS):
            cur = g % 2
            hs[cur].wait()
            pltpu.sync_copy(
                bufs[cur],
                cond_out.at[pl.ds(base + g * ROWS_PER_STREAM, ROWS_PER_STREAM),
                            pl.ds(dc * SC_W, SC_W), :])
            if g + 2 < N_STREAMS:
                hs[cur] = gather(g + 2, cur)

        for h in handles:
            h.wait()
        pltpu.sync_copy(mrows_v, mask_out.at[pl.ds(mbase, MASK_PER_W), :])

    return body


def kernel(emotion_ids, conditioning, attention_masks):
    ids = emotion_ids.astype(jnp.int32)
    cond_out, mask_out = _mesh_kernel()(conditioning, ids, attention_masks)
    return cond_out, mask_out

# --- scband reference (transcript-rebuilt; emitter-appended) ---
"""Pipeline reference for scband-emotion-embedding-30322469109853 (READ-ONLY COPY).

The authoritative reference and input builder live on the scoring server;
editing this copy changes nothing except your own understanding.
"""

import jax, jax.numpy as jnp
import numpy as np

NUM_EMOTIONS = 1000
HIDDEN_DIM = 768
MAX_SEQ_LEN = 32
BATCH = 1024


def setup_inputs(seed: int = 0) -> dict:
    key = jax.random.key(seed)
    k1, k2 = jax.random.split(key)
    emotion_ids = jax.random.randint(k1, (BATCH,), 0, NUM_EMOTIONS, dtype=jnp.int64 if jax.config.jax_enable_x64 else jnp.int32)
    # learned parameter (original inits to zeros; use small random values so gradients are nontrivial)
    conditioning = jax.random.normal(k2, (NUM_EMOTIONS, MAX_SEQ_LEN, HIDDEN_DIM), dtype=jnp.float32) * 0.02
    # registered buffer (long dtype in torch)
    attention_masks = jnp.zeros((NUM_EMOTIONS, MAX_SEQ_LEN), dtype=jnp.int32)
    return {"emotion_ids": emotion_ids, "conditioning": conditioning, "attention_masks": attention_masks}


def reference(emotion_ids, conditioning, attention_masks):
    # conditioning[emotion_ids] -> gather rows of shape [MAX_SEQ_LEN, HIDDEN_DIM]
    cond_out = jnp.take(conditioning, emotion_ids, axis=0)
    mask_out = jnp.take(attention_masks, emotion_ids, axis=0)
    return (cond_out, mask_out)

if __name__ == "__main__":
    import jax
    _d = setup_inputs()
    print(jax.jit(kernel)(*tuple(_d.values())))

</pallas_src>

<mosaic_0001>
#map = affine_map<(d0, d1) -> (0, 0, 0)>
#map1 = affine_map<(d0, d1) -> (0)>
#map2 = affine_map<(d0, d1) -> (0, 0)>
module attributes {stable_mosaic.version = 14 : i64} {
  func.func @body(%arg0: i32, %arg1: i32, %arg2: memref<1000x32x768xf32, #tpu.memory_space<hbm>>, %arg3: memref<1024xi32, #tpu.memory_space<hbm>>, %arg4: memref<1000x32xi32, #tpu.memory_space<hbm>>, %arg5: memref<1024x32x768xf32, #tpu.memory_space<hbm>>, %arg6: memref<1024x32xi32, #tpu.memory_space<hbm>>, %arg7: memref<128xi32, #tpu.memory_space<vmem>>, %arg8: memref<32xi32, #tpu.memory_space<vmem>>, %arg9: memref<32x32xi32, #tpu.memory_space<vmem>>, %arg10: memref<8x8x768xf32, #tpu.memory_space<vmem>>, %arg11: memref<8x8x768xf32, #tpu.memory_space<vmem>>, %arg12: memref<!tpu.dma_semaphore, #tpu.memory_space<semaphore_mem>>, %arg13: memref<!tpu.dma_semaphore, #tpu.memory_space<semaphore_mem>>, %arg14: memref<!tpu.dma_semaphore, #tpu.memory_space<semaphore_mem>>) attributes {dimension_semantics = [#tpu.dimension_semantics<core_parallel>, #tpu.dimension_semantics<subcore_parallel>], iteration_bounds = array<i64: 2, 16>, scalar_prefetch = 0 : i64, scratch_operands = 8 : i64, tpu.core_type = #tpu.core_type<sc_vector_subcore>, window_params = [{transform_indices = #map}, {transform_indices = #map1}, {transform_indices = #map2}, {transform_indices = #map}, {transform_indices = #map2}]} {
    %mul3A = arith.constant 16 : i32
    %mul3A_0 = arith.muli %arg0, %mul3A : i32
    %add3A = arith.addi %mul3A_0, %arg1 : i32
    %jit3A = arith.constant 4 : i32
    %div3A = arith.divsi %add3A, %jit3A : i32
    %sign3A = arith.constant 0 : i32
    %sign3A_1 = arith.cmpi sgt, %add3A, %sign3A : i32
    %sign3A_2 = arith.extui %sign3A_1 : i1 to i32
    %sign3A_3 = arith.constant 0 : i32
    %sign3A_4 = arith.cmpi slt, %add3A, %sign3A_3 : i32
    %sign3A_5 = arith.extui %sign3A_4 : i1 to i32
    %sign3A_6 = arith.subi %sign3A_2, %sign3A_5 : i32
    %sign3A_7 = arith.constant 0 : i32
    %sign3A_8 = arith.cmpi sgt, %jit3A, %sign3A_7 : i32
    %sign3A_9 = arith.extui %sign3A_8 : i1 to i32
    %sign3A_10 = arith.constant 0 : i32
    %sign3A_11 = arith.cmpi slt, %jit3A, %sign3A_10 : i32
    %sign3A_12 = arith.extui %sign3A_11 : i1 to i32
    %sign3A_13 = arith.subi %sign3A_9, %sign3A_12 : i32
    %ne3A = arith.cmpi ne, %sign3A_6, %sign3A_13 : i32
    %rem3A = arith.remsi %add3A, %jit3A : i32
    %ne3A_14 = arith.constant 0 : i32
    %ne3A_15 = arith.cmpi ne, %rem3A, %ne3A_14 : i32
    %and3A = arith.andi %ne3A, %ne3A_15 : i1
    %sub3A = arith.constant 1 : i32
    %sub3A_16 = arith.subi %div3A, %sub3A : i32
    %select_n3A = arith.select %and3A, %sub3A_16, %div3A : i32
    %jit3A_17 = arith.constant 4 : i32
    %eq3A = arith.constant 0 : i32
    %eq3A_18 = arith.cmpi eq, %jit3A_17, %eq3A : i32
    %jit3A_19 = arith.constant 1 : i32
    %select_n3A_20 = arith.select %eq3A_18, %jit3A_19, %jit3A_17 : i32
    %rem3A_21 = arith.remsi %add3A, %select_n3A_20 : i32
    %ne3A_22 = arith.constant 0 : i32
    %ne3A_23 = arith.cmpi ne, %rem3A_21, %ne3A_22 : i32
    %lt3A = arith.constant 0 : i32
    %lt3A_24 = arith.cmpi slt, %rem3A_21, %lt3A : i32
    %lt3A_25 = arith.constant 0 : i32
    %lt3A_26 = arith.cmpi slt, %select_n3A_20, %lt3A_25 : i32
    %ne3A_27 = arith.xori %lt3A_24, %lt3A_26 : i1
    %and3A_28 = arith.andi %ne3A_27, %ne3A_23 : i1
    %add3A_29 = arith.addi %rem3A_21, %select_n3A_20 : i32
    %select_n3A_30 = arith.select %and3A_28, %add3A_29, %rem3A_21 : i32
    %mul3A_31 = arith.constant 128 : i32
    %mul3A_32 = arith.muli %select_n3A, %mul3A_31 : i32
    "tpu.region"() ({
      %run_scoped3A = tpu.sem_alloc : memref<!tpu.dma_semaphore, #tpu.memory_space<semaphore_mem>>
      %dma_start3A_1188 = tpu.memref_slice %arg3[%mul3A_32] : memref<1024xi32, #tpu.memory_space<hbm>> -> memref<128xi32, #tpu.memory_space<hbm>>
      %dma_start3A_1189 = tpu.memref_slice %arg3[%mul3A_32] : memref<1024xi32, #tpu.memory_space<hbm>> -> memref<128xi32, #tpu.memory_space<hbm>>
      tpu.enqueue_dma source(%dma_start3A_1189 : memref<128xi32, #tpu.memory_space<hbm>>) target(%arg7 : memref<128xi32, #tpu.memory_space<vmem>>) target_semaphore(%run_scoped3A : memref<!tpu.dma_semaphore, #tpu.memory_space<semaphore_mem>>)
      %dma_wait3A_1190 = tpu.memref_slice %arg3[%mul3A_32] : memref<1024xi32, #tpu.memory_space<hbm>> -> memref<128xi32, #tpu.memory_space<hbm>>
      %dma_wait3A_1191 = tpu.memref_slice %arg3[%mul3A_32] : memref<1024xi32, #tpu.memory_space<hbm>> -> memref<128xi32, #tpu.memory_space<hbm>>
      tpu.wait_dma2 semaphore(%run_scoped3A : memref<!tpu.dma_semaphore, #tpu.memory_space<semaphore_mem>>) src(%dma_wait3A_1191 : memref<128xi32, #tpu.memory_space<hbm>>) dst(%arg7 : memref<128xi32, #tpu.memory_space<vmem>>)
      tpu.yield
    }) : () -> ()
    %mul3A_33 = arith.constant 8 : i32
    %mul3A_34 = arith.muli %select_n3A_30, %mul3A_33 : i32
    %dma_start3A = arith.constant 0 : i32
    %dma_start3A_35 = tpu.memref_slice %arg7[%dma_start3A] : memref<128xi32, #tpu.memory_space<vmem>> -> memref<8xi32, #tpu.memory_space<vmem>>
    %dma_start3A_36 = arith.constant 0 : i32
    %dma_start3A_37 = arith.constant 0 : i32
    %dma_start3A_38 = tpu.memref_slice %arg2[%dma_start3A_36, %mul3A_34, %dma_start3A_37] : memref<1000x32x768xf32, #tpu.memory_space<hbm>> -> memref<1000x8x768xf32, #tpu.memory_space<hbm>>
    tpu.enqueue_indirect_dma source(%dma_start3A_38 : memref<1000x8x768xf32, #tpu.memory_space<hbm>>) target(%arg10 : memref<8x8x768xf32, #tpu.memory_space<vmem>>) offsets(%dma_start3A_35 : memref<8xi32, #tpu.memory_space<vmem>>) semaphore(%arg12 : memref<!tpu.dma_semaphore, #tpu.memory_space<semaphore_mem>>)
    %mul3A_39 = arith.constant 8 : i32
    %mul3A_40 = arith.muli %select_n3A_30, %mul3A_39 : i32
    %dma_start3A_41 = arith.constant 8 : i32
    %dma_start3A_42 = tpu.memref_slice %arg7[%dma_start3A_41] : memref<128xi32, #tpu.memory_space<vmem>> -> memref<8xi32, #tpu.memory_space<vmem>>
    %dma_start3A_43 = arith.constant 0 : i32
    %dma_start3A_44 = arith.constant 0 : i32
    %dma_start3A_45 = tpu.memref_slice %arg2[%dma_start3A_43, %mul3A_40, %dma_start3A_44] : memref<1000x32x768xf32, #tpu.memory_space<hbm>> -> memref<1000x8x768xf32, #tpu.memory_space<hbm>>
    tpu.enqueue_indirect_dma source(%dma_start3A_45 : memref<1000x8x768xf32, #tpu.memory_space<hbm>>) target(%arg11 : memref<8x8x768xf32, #tpu.memory_space<vmem>>) offsets(%dma_start3A_42 : memref<8xi32, #tpu.memory_space<vmem>>) semaphore(%arg13 : memref<!tpu.dma_semaphore, #tpu.memory_space<semaphore_mem>>)
    %mul3A_46 = arith.constant 32 : i32
    %mul3A_47 = arith.muli %add3A, %mul3A_46 : i32
    "tpu.region"() ({
      %run_scoped3A = tpu.sem_alloc : memref<!tpu.dma_semaphore, #tpu.memory_space<semaphore_mem>>
      %dma_start3A_1188 = tpu.memref_slice %arg3[%mul3A_47] : memref<1024xi32, #tpu.memory_space<hbm>> -> memref<32xi32, #tpu.memory_space<hbm>>
      %dma_start3A_1189 = tpu.memref_slice %arg3[%mul3A_47] : memref<1024xi32, #tpu.memory_space<hbm>> -> memref<32xi32, #tpu.memory_space<hbm>>
      tpu.enqueue_dma source(%dma_start3A_1189 : memref<32xi32, #tpu.memory_space<hbm>>) target(%arg8 : memref<32xi32, #tpu.memory_space<vmem>>) target_semaphore(%run_scoped3A : memref<!tpu.dma_semaphore, #tpu.memory_space<semaphore_mem>>)
      %dma_wait3A_1190 = tpu.memref_slice %arg3[%mul3A_47] : memref<1024xi32, #tpu.memory_space<hbm>> -> memref<32xi32, #tpu.memory_space<hbm>>
      %dma_wait3A_1191 = tpu.memref_slice %arg3[%mul3A_47] : memref<1024xi32, #tpu.memory_space<hbm>> -> memref<32xi32, #tpu.memory_space<hbm>>
      tpu.wait_dma2 semaphore(%run_scoped3A : memref<!tpu.dma_semaphore, #tpu.memory_space<semaphore_mem>>) src(%dma_wait3A_1191 : memref<32xi32, #tpu.memory_space<hbm>>) dst(%arg8 : memref<32xi32, #tpu.memory_space<vmem>>)
      tpu.yield
    }) : () -> ()
    %get3A = arith.constant 0 : index
    %get3A_48 = tpu.vector_load %arg8[%get3A] {strides = array<i32>} : memref<32xi32, #tpu.memory_space<vmem>>, vector<16xi32>,
    %get3A_49 = vector.shape_cast %get3A_48 : vector<16xi32> to vector<16xi32>
    %slice3A = vector.extract_strided_slice %get3A_49 {offsets = [0], sizes = [1], strides = [1]} : vector<16xi32> to vector<1xi32>
    %squeeze3A = vector.extract %slice3A[0] : i32 from vector<1xi32>
    %dma_start3A_50 = arith.constant 0 : i32
    %dma_start3A_51 = arith.constant 0 : i32
    %dma_start3A_52 = tpu.memref_slice %arg9[%dma_start3A_50, %dma_start3A_51] : memref<32x32xi32, #tpu.memory_space<vmem>> -> memref<1x32xi32, #tpu.memory_space<vmem>>
    %dma_start3A_53 = tpu.memref_squeeze %dma_start3A_52 : memref<1x32xi32, #tpu.memory_space<vmem>> -> memref<32xi32, #tpu.memory_space<vmem>>
    %dma_start3A_54 = arith.constant 0 : i32
    %dma_start3A_55 = tpu.memref_slice %arg4[%squeeze3A, %dma_start3A_54] : memref<1000x32xi32, #tpu.memory_space<hbm>> -> memref<1x32xi32, #tpu.memory_space<hbm>>
    %dma_start3A_56 = tpu.memref_squeeze %dma_start3A_55 : memref<1x32xi32, #tpu.memory_space<hbm>> -> memref<32xi32, #tpu.memory_space<hbm>>
    %dma_start3A_57 = arith.constant 0 : i32
    %dma_start3A_58 = tpu.memref_slice %arg9[%dma_start3A_50, %dma_start3A_57] : memref<32x32xi32, #tpu.memory_space<vmem>> -> memref<1x32xi32, #tpu.memory_space<vmem>>
    %dma_start3A_59 = tpu.memref_squeeze %dma_start3A_58 : memref<1x32xi32, #tpu.memory_space<vmem>> -> memref<32xi32, #tpu.memory_space<vmem>>
    %dma_start3A_60 = arith.constant 0 : i32
    %dma_start3A_61 = tpu.memref_slice %arg4[%squeeze3A, %dma_start3A_60] : memref<1000x32xi32, #tpu.memory_space<hbm>> -> memref<1x32xi32, #tpu.memory_space<hbm>>
    %dma_start3A_62 = tpu.memref_squeeze %dma_start3A_61 : memref<1x32xi32, #tpu.memory_space<hbm>> -> memref<32xi32, #tpu.memory_space<hbm>>
    tpu.enqueue_dma source(%dma_start3A_62 : memref<32xi32, #tpu.memory_space<hbm>>) target(%dma_start3A_59 : memref<32xi32, #tpu.memory_space<vmem>>) target_semaphore(%arg14 : memref<!tpu.dma_semaphore, #tpu.memory_space<semaphore_mem>>)
    %slice3A_63 = vector.extract_strided_slice %get3A_49 {offsets = [1], sizes = [1], strides = [1]} : vector<16xi32> to vector<1xi32>
    %squeeze3A_64 = vector.extract %slice3A_63[0] : i32 from vector<1xi32>
    %dma_start3A_65 = arith.constant 1 : i32
    %dma_start3A_66 = arith.constant 0 : i32
    %dma_start3A_67 = tpu.memref_slice %arg9[%dma_start3A_65, %dma_start3A_66] : memref<32x32xi32, #tpu.memory_space<vmem>> -> memref<1x32xi32, #tpu.memory_space<vmem>>
    %dma_start3A_68 = tpu.memref_squeeze %dma_start3A_67 : memref<1x32xi32, #tpu.memory_space<vmem>> -> memref<32xi32, #tpu.memory_space<vmem>>
    %dma_start3A_69 = arith.constant 0 : i32
    %dma_start3A_70 = tpu.memref_slice %arg4[%squeeze3A_64, %dma_start3A_69] : memref<1000x32xi32, #tpu.memory_space<hbm>> -> memref<1x32xi32, #tpu.memory_space<hbm>>
    %dma_start3A_71 = tpu.memref_squeeze %dma_start3A_70 : memref<1x32xi32, #tpu.memory_space<hbm>> -> memref<32xi32, #tpu.memory_space<hbm>>
    %dma_start3A_72 = arith.constant 0 : i32
    %dma_start3A_73 = tpu.memref_slice %arg9[%dma_start3A_65, %dma_start3A_72] : memref<32x32xi32, #tpu.memory_space<vmem>> -> memref<1x32xi32, #tpu.memory_space<vmem>>
    %dma_start3A_74 = tpu.memref_squeeze %dma_start3A_73 : memref<1x32xi32, #tpu.memory_space<vmem>> -> memref<32xi32, #tpu.memory_space<vmem>>
    %dma_start3A_75 = arith.constant 0 : i32
    %dma_start3A_76 = tpu.memref_slice %arg4[%squeeze3A_64, %dma_start3A_75] : memref<1000x32xi32, #tpu.memory_space<hbm>> -> memref<1x32xi32, #tpu.memory_space<hbm>>
    %dma_start3A_77 = tpu.memref_squeeze %dma_start3A_76 : memref<1x32xi32, #tpu.memory_space<hbm>> -> memref<32xi32, #tpu.memory_space<hbm>>
    tpu.enqueue_dma source(%dma_start3A_77 : memref<32xi32, #tpu.memory_space<hbm>>) target(%dma_start3A_74 : memref<32xi32, #tpu.memory_space<vmem>>) target_semaphore(%arg14 : memref<!tpu.dma_semaphore, #tpu.memory_space<semaphore_mem>>)
    %slice3A_78 = vector.extract_strided_slice %get3A_49 {offsets = [2], sizes = [1], strides = [1]} : vector<16xi32> to vector<1xi32>
    %squeeze3A_79 = vector.extract %slice3A_78[0] : i32 from vector<1xi32>
    %dma_start3A_80 = arith.constant 2 : i32
    %dma_start3A_81 = arith.constant 0 : i32
    %dma_start3A_82 = tpu.memref_slice %arg9[%dma_start3A_80, %dma_start3A_81] : memref<32x32xi32, #tpu.memory_space<vmem>> -> memref<1x32xi32, #tpu.memory_space<vmem>>
    %dma_start3A_83 = tpu.memref_squeeze %dma_start3A_82 : memref<1x32xi32, #tpu.memory_space<vmem>> -> memref<32xi32, #tpu.memory_space<vmem>>
    %dma_start3A_84 = arith.constant 0 : i32
    %dma_start3A_85 = tpu.memref_slice %arg4[%squeeze3A_79, %dma_start3A_84] : memref<1000x32xi32, #tpu.memory_space<hbm>> -> memref<1x32xi32, #tpu.memory_space<hbm>>
    %dma_start3A_86 = tpu.memref_squeeze %dma_start3A_85 : memref<1x32xi32, #tpu.memory_space<hbm>> -> memref<32xi32, #tpu.memory_space<hbm>>
    %dma_start3A_87 = arith.constant 0 : i32
    %dma_start3A_88 = tpu.memref_slice %arg9[%dma_start3A_80, %dma_start3A_87] : memref<32x32xi32, #tpu.memory_space<vmem>> -> memref<1x32xi32, #tpu.memory_space<vmem>>
    %dma_start3A_89 = tpu.memref_squeeze %dma_start3A_88 : memref<1x32xi32, #tpu.memory_space<vmem>> -> memref<32xi32, #tpu.memory_space<vmem>>
    %dma_start3A_90 = arith.constant 0 : i32
    %dma_start3A_91 = tpu.memref_slice %arg4[%squeeze3A_79, %dma_start3A_90] : memref<1000x32xi32, #tpu.memory_space<hbm>> -> memref<1x32xi32, #tpu.memory_space<hbm>>
    %dma_start3A_92 = tpu.memref_squeeze %dma_start3A_91 : memref<1x32xi32, #tpu.memory_space<hbm>> -> memref<32xi32, #tpu.memory_space<hbm>>
    tpu.enqueue_dma source(%dma_start3A_92 : memref<32xi32, #tpu.memory_space<hbm>>) target(%dma_start3A_89 : memref<32xi32, #tpu.memory_space<vmem>>) target_semaphore(%arg14 : memref<!tpu.dma_semaphore, #tpu.memory_space<semaphore_mem>>)
    %slice3A_93 = vector.extract_strided_slice %get3A_49 {offsets = [3], sizes = [1], strides = [1]} : vector<16xi32> to vector<1xi32>
    %squeeze3A_94 = vector.extract %slice3A_93[0] : i32 from vector<1xi32>
    %dma_start3A_95 = arith.constant 3 : i32
    %dma_start3A_96 = arith.constant 0 : i32
    %dma_start3A_97 = tpu.memref_slice %arg9[%dma_start3A_95, %dma_start3A_96] : memref<32x32xi32, #tpu.memory_space<vmem>> -> memref<1x32xi32, #tpu.memory_space<vmem>>
    %dma_start3A_98 = tpu.memref_squeeze %dma_start3A_97 : memref<1x32xi32, #tpu.memory_space<vmem>> -> memref<32xi32, #tpu.memory_space<vmem>>
    %dma_start3A_99 = arith.constant 0 : i32
    %dma_start3A_100 = tpu.memref_slice %arg4[%squeeze3A_94, %dma_start3A_99] : memref<1000x32xi32, #tpu.memory_space<hbm>> -> memref<1x32xi32, #tpu.memory_space<hbm>>
    %dma_start3A_101 = tpu.memref_squeeze %dma_start3A_100 : memref<1x32xi32, #tpu.memory_space<hbm>> -> memref<32xi32, #tpu.memory_space<hbm>>
    %dma_start3A_102 = arith.constant 0 : i32
    %dma_start3A_103 = tpu.memref_slice %arg9[%dma_start3A_95, %dma_start3A_102] : memref<32x32xi32, #tpu.memory_space<vmem>> -> memref<1x32xi32, #tpu.memory_space<vmem>>
    %dma_start3A_104 = tpu.memref_squeeze %dma_start3A_103 : memref<1x32xi32, #tpu.memory_space<vmem>> -> memref<32xi32, #tpu.memory_space<vmem>>
    %dma_start3A_105 = arith.constant 0 : i32
    %dma_start3A_106 = tpu.memref_slice %arg4[%squeeze3A_94, %dma_start3A_105] : memref<1000x32xi32, #tpu.memory_space<hbm>> -> memref<1x32xi32, #tpu.memory_space<hbm>>
    %dma_start3A_107 = tpu.memref_squeeze %dma_start3A_106 : memref<1x32xi32, #tpu.memory_space<hbm>> -> memref<32xi32, #tpu.memory_space<hbm>>
    tpu.enqueue_dma source(%dma_start3A_107 : memref<32xi32, #tpu.memory_space<hbm>>) target(%dma_start3A_104 : memref<32xi32, #tpu.memory_space<vmem>>) target_semaphore(%arg14 : memref<!tpu.dma_semaphore, #tpu.memory_space<semaphore_mem>>)
    %slice3A_108 = vector.extract_strided_slice %get3A_49 {offsets = [4], sizes = [1], strides = [1]} : vector<16xi32> to vector<1xi32>
    %squeeze3A_109 = vector.extract %slice3A_108[0] : i32 from vector<1xi32>
    %dma_start3A_110 = arith.constant 4 : i32
    %dma_start3A_111 = arith.constant 0 : i32
    %dma_start3A_112 = tpu.memref_slice %arg9[%dma_start3A_110, %dma_start3A_111] : memref<32x32xi32, #tpu.memory_space<vmem>> -> memref<1x32xi32, #tpu.memory_space<vmem>>
    %dma_start3A_113 = tpu.memref_squeeze %dma_start3A_112 : memref<1x32xi32, #tpu.memory_space<vmem>> -> memref<32xi32, #tpu.memory_space<vmem>>
    %dma_start3A_114 = arith.constant 0 : i32
    %dma_start3A_115 = tpu.memref_slice %arg4[%squeeze3A_109, %dma_start3A_114] : memref<1000x32xi32, #tpu.memory_space<hbm>> -> memref<1x32xi32, #tpu.memory_space<hbm>>
    %dma_start3A_116 = tpu.memref_squeeze %dma_start3A_115 : memref<1x32xi32, #tpu.memory_space<hbm>> -> memref<32xi32, #tpu.memory_space<hbm>>
    %dma_start3A_117 = arith.constant 0 : i32
    %dma_start3A_118 = tpu.memref_slice %arg9[%dma_start3A_110, %dma_start3A_117] : memref<32x32xi32, #tpu.memory_space<vmem>> -> memref<1x32xi32, #tpu.memory_space<vmem>>
    %dma_start3A_119 = tpu.memref_squeeze %dma_start3A_118 : memref<1x32xi32, #tpu.memory_space<vmem>> -> memref<32xi32, #tpu.memory_space<vmem>>
    %dma_start3A_120 = arith.constant 0 : i32
    %dma_start3A_121 = tpu.memref_slice %arg4[%squeeze3A_109, %dma_start3A_120] : memref<1000x32xi32, #tpu.memory_space<hbm>> -> memref<1x32xi32, #tpu.memory_space<hbm>>
    %dma_start3A_122 = tpu.memref_squeeze %dma_start3A_121 : memref<1x32xi32, #tpu.memory_space<hbm>> -> memref<32xi32, #tpu.memory_space<hbm>>
    tpu.enqueue_dma source(%dma_start3A_122 : memref<32xi32, #tpu.memory_space<hbm>>) target(%dma_start3A_119 : memref<32xi32, #tpu.memory_space<vmem>>) target_semaphore(%arg14 : memref<!tpu.dma_semaphore, #tpu.memory_space<semaphore_mem>>)
    %slice3A_123 = vector.extract_strided_slice %get3A_49 {offsets = [5], sizes = [1], strides = [1]} : vector<16xi32> to vector<1xi32>
    %squeeze3A_124 = vector.extract %slice3A_123[0] : i32 from vector<1xi32>
    %dma_start3A_125 = arith.constant 5 : i32
    %dma_start3A_126 = arith.constant 0 : i32
    %dma_start3A_127 = tpu.memref_slice %arg9[%dma_start3A_125, %dma_start3A_126] : memref<32x32xi32, #tpu.memory_space<vmem>> -> memref<1x32xi32, #tpu.memory_space<vmem>>
    %dma_start3A_128 = tpu.memref_squeeze %dma_start3A_127 : memref<1x32xi32, #tpu.memory_space<vmem>> -> memref<32xi32, #tpu.memory_space<vmem>>
    %dma_start3A_129 = arith.constant 0 : i32
    %dma_start3A_130 = tpu.memref_slice %arg4[%squeeze3A_124, %dma_start3A_129] : memref<1000x32xi32, #tpu.memory_space<hbm>> -> memref<1x32xi32, #tpu.memory_space<hbm>>
    %dma_start3A_131 = tpu.memref_squeeze %dma_start3A_130 : memref<1x32xi32, #tpu.memory_space<hbm>> -> memref<32xi32, #tpu.memory_space<hbm>>
    %dma_start3A_132 = arith.constant 0 : i32
    %dma_start3A_133 = tpu.memref_slice %arg9[%dma_start3A_125, %dma_start3A_132] : memref<32x32xi32, #tpu.memory_space<vmem>> -> memref<1x32xi32, #tpu.memory_space<vmem>>
    %dma_start3A_134 = tpu.memref_squeeze %dma_start3A_133 : memref<1x32xi32, #tpu.memory_space<vmem>> -> memref<32xi32, #tpu.memory_space<vmem>>
    %dma_start3A_135 = arith.constant 0 : i32
    %dma_start3A_136 = tpu.memref_slice %arg4[%squeeze3A_124, %dma_start3A_135] : memref<1000x32xi32, #tpu.memory_space<hbm>> -> memref<1x32xi32, #tpu.memory_space<hbm>>
    %dma_start3A_137 = tpu.memref_squeeze %dma_start3A_136 : memref<1x32xi32, #tpu.memory_space<hbm>> -> memref<32xi32, #tpu.memory_space<hbm>>
    tpu.enqueue_dma source(%dma_start3A_137 : memref<32xi32, #tpu.memory_space<hbm>>) target(%dma_start3A_134 : memref<32xi32, #tpu.memory_space<vmem>>) target_semaphore(%arg14 : memref<!tpu.dma_semaphore, #tpu.memory_space<semaphore_mem>>)
    %slice3A_138 = vector.extract_strided_slice %get3A_49 {offsets = [6], sizes = [1], strides = [1]} : vector<16xi32> to vector<1xi32>
    %squeeze3A_139 = vector.extract %slice3A_138[0] : i32 from vector<1xi32>
    %dma_start3A_140 = arith.constant 6 : i32
    %dma_start3A_141 = arith.constant 0 : i32
    %dma_start3A_142 = tpu.memref_slice %arg9[%dma_start3A_140, %dma_start3A_141] : memref<32x32xi32, #tpu.memory_space<vmem>> -> memref<1x32xi32, #tpu.memory_space<vmem>>
    %dma_start3A_143 = tpu.memref_squeeze %dma_start3A_142 : memref<1x32xi32, #tpu.memory_space<vmem>> -> memref<32xi32, #tpu.memory_space<vmem>>
    %dma_start3A_144 = arith.constant 0 : i32
    %dma_start3A_145 = tpu.memref_slice %arg4[%squeeze3A_139, %dma_start3A_144] : memref<1000x32xi32, #tpu.memory_space<hbm>> -> memref<1x32xi32, #tpu.memory_space<hbm>>
    %dma_start3A_146 = tpu.memref_squeeze %dma_start3A_145 : memref<1x32xi32, #tpu.memory_space<hbm>> -> memref<32xi32, #tpu.memory_space<hbm>>
    %dma_start3A_147 = arith.constant 0 : i32
    %dma_start3A_148 = tpu.memref_slice %arg9[%dma_start3A_140, %dma_start3A_147] : memref<32x32xi32, #tpu.memory_space<vmem>> -> memref<1x32xi32, #tpu.memory_space<vmem>>
    %dma_start3A_149 = tpu.memref_squeeze %dma_start3A_148 : memref<1x32xi32, #tpu.memory_space<vmem>> -> memref<32xi32, #tpu.memory_space<vmem>>
    %dma_start3A_150 = arith.constant 0 : i32
    %dma_start3A_151 = tpu.memref_slice %arg4[%squeeze3A_139, %dma_start3A_150] : memref<1000x32xi32, #tpu.memory_space<hbm>> -> memref<1x32xi32, #tpu.memory_space<hbm>>
    %dma_start3A_152 = tpu.memref_squeeze %dma_start3A_151 : memref<1x32xi32, #tpu.memory_space<hbm>> -> memref<32xi32, #tpu.memory_space<hbm>>
    tpu.enqueue_dma source(%dma_start3A_152 : memref<32xi32, #tpu.memory_space<hbm>>) target(%dma_start3A_149 : memref<32xi32, #tpu.memory_space<vmem>>) target_semaphore(%arg14 : memref<!tpu.dma_semaphore, #tpu.memory_space<semaphore_mem>>)
    %slice3A_153 = vector.extract_strided_slice %get3A_49 {offsets = [7], sizes = [1], strides = [1]} : vector<16xi32> to vector<1xi32>
    %squeeze3A_154 = vector.extract %slice3A_153[0] : i32 from vector<1xi32>
    %dma_start3A_155 = arith.constant 7 : i32
    %dma_start3A_156 = arith.constant 0 : i32
    %dma_start3A_157 = tpu.memref_slice %arg9[%dma_start3A_155, %dma_start3A_156] : memref<32x32xi32, #tpu.memory_space<vmem>> -> memref<1x32xi32, #tpu.memory_space<vmem>>
    %dma_start3A_158 = tpu.memref_squeeze %dma_start3A_157 : memref<1x32xi32, #tpu.memory_space<vmem>> -> memref<32xi32, #tpu.memory_space<vmem>>
    %dma_start3A_159 = arith.constant 0 : i32
    %dma_start3A_160 = tpu.memref_slice %arg4[%squeeze3A_154, %dma_start3A_159] : memref<1000x32xi32, #tpu.memory_space<hbm>> -> memref<1x32xi32, #tpu.memory_space<hbm>>
    %dma_start3A_161 = tpu.memref_squeeze %dma_start3A_160 : memref<1x32xi32, #tpu.memory_space<hbm>> -> memref<32xi32, #tpu.memory_space<hbm>>
    %dma_start3A_162 = arith.constant 0 : i32
    %dma_start3A_163 = tpu.memref_slice %arg9[%dma_start3A_155, %dma_start3A_162] : memref<32x32xi32, #tpu.memory_space<vmem>> -> memref<1x32xi32, #tpu.memory_space<vmem>>
    %dma_start3A_164 = tpu.memref_squeeze %dma_start3A_163 : memref<1x32xi32, #tpu.memory_space<vmem>> -> memref<32xi32, #tpu.memory_space<vmem>>
    %dma_start3A_165 = arith.constant 0 : i32
    %dma_start3A_166 = tpu.memref_slice %arg4[%squeeze3A_154, %dma_start3A_165] : memref<1000x32xi32, #tpu.memory_space<hbm>> -> memref<1x32xi32, #tpu.memory_space<hbm>>
    %dma_start3A_167 = tpu.memref_squeeze %dma_start3A_166 : memref<1x32xi32, #tpu.memory_space<hbm>> -> memref<32xi32, #tpu.memory_space<hbm>>
    tpu.enqueue_dma source(%dma_start3A_167 : memref<32xi32, #tpu.memory_space<hbm>>) target(%dma_start3A_164 : memref<32xi32, #tpu.memory_space<vmem>>) target_semaphore(%arg14 : memref<!tpu.dma_semaphore, #tpu.memory_space<semaphore_mem>>)
    %slice3A_168 = vector.extract_strided_slice %get3A_49 {offsets = [8], sizes = [1], strides = [1]} : vector<16xi32> to vector<1xi32>
    %squeeze3A_169 = vector.extract %slice3A_168[0] : i32 from vector<1xi32>
    %dma_start3A_170 = arith.constant 8 : i32
    %dma_start3A_171 = arith.constant 0 : i32
    %dma_start3A_172 = tpu.memref_slice %arg9[%dma_start3A_170, %dma_start3A_171] : memref<32x32xi32, #tpu.memory_space<vmem>> -> memref<1x32xi32, #tpu.memory_space<vmem>>
    %dma_start3A_173 = tpu.memref_squeeze %dma_start3A_172 : memref<1x32xi32, #tpu.memory_space<vmem>> -> memref<32xi32, #tpu.memory_space<vmem>>
    %dma_start3A_174 = arith.constant 0 : i32
    %dma_start3A_175 = tpu.memref_slice %arg4[%squeeze3A_169, %dma_start3A_174] : memref<1000x32xi32, #tpu.memory_space<hbm>> -> memref<1x32xi32, #tpu.memory_space<hbm>>
    %dma_start3A_176 = tpu.memref_squeeze %dma_start3A_175 : memref<1x32xi32, #tpu.memory_space<hbm>> -> memref<32xi32, #tpu.memory_space<hbm>>
    %dma_start3A_177 = arith.constant 0 : i32
    %dma_start3A_178 = tpu.memref_slice %arg9[%dma_start3A_170, %dma_start3A_177] : memref<32x32xi32, #tpu.memory_space<vmem>> -> memref<1x32xi32, #tpu.memory_space<vmem>>
    %dma_start3A_179 = tpu.memref_squeeze %dma_start3A_178 : memref<1x32xi32, #tpu.memory_space<vmem>> -> memref<32xi32, #tpu.memory_space<vmem>>
    %dma_start3A_180 = arith.constant 0 : i32
    %dma_start3A_181 = tpu.memref_slice %arg4[%squeeze3A_169, %dma_start3A_180] : memref<1000x32xi32, #tpu.memory_space<hbm>> -> memref<1x32xi32, #tpu.memory_space<hbm>>
    %dma_start3A_182 = tpu.memref_squeeze %dma_start3A_181 : memref<1x32xi32, #tpu.memory_space<hbm>> -> memref<32xi32, #tpu.memory_space<hbm>>
    tpu.enqueue_dma source(%dma_start3A_182 : memref<32xi32, #tpu.memory_space<hbm>>) target(%dma_start3A_179 : memref<32xi32, #tpu.memory_space<vmem>>) target_semaphore(%arg14 : memref<!tpu.dma_semaphore, #tpu.memory_space<semaphore_mem>>)
    %slice3A_183 = vector.extract_strided_slice %get3A_49 {offsets = [9], sizes = [1], strides = [1]} : vector<16xi32> to vector<1xi32>
    %squeeze3A_184 = vector.extract %slice3A_183[0] : i32 from vector<1xi32>
    %dma_start3A_185 = arith.constant 9 : i32
    %dma_start3A_186 = arith.constant 0 : i32
    %dma_start3A_187 = tpu.memref_slice %arg9[%dma_start3A_185, %dma_start3A_186] : memref<32x32xi32, #tpu.memory_space<vmem>> -> memref<1x32xi32, #tpu.memory_space<vmem>>
    %dma_start3A_188 = tpu.memref_squeeze %dma_start3A_187 : memref<1x32xi32, #tpu.memory_space<vmem>> -> memref<32xi32, #tpu.memory_space<vmem>>
    %dma_start3A_189 = arith.constant 0 : i32
    %dma_start3A_190 = tpu.memref_slice %arg4[%squeeze3A_184, %dma_start3A_189] : memref<1000x32xi32, #tpu.memory_space<hbm>> -> memref<1x32xi32, #tpu.memory_space<hbm>>
    %dma_start3A_191 = tpu.memref_squeeze %dma_start3A_190 : memref<1x32xi32, #tpu.memory_space<hbm>> -> memref<32xi32, #tpu.memory_space<hbm>>
    %dma_start3A_192 = arith.constant 0 : i32
    %dma_start3A_193 = tpu.memref_slice %arg9[%dma_start3A_185, %dma_start3A_192] : memref<32x32xi32, #tpu.memory_space<vmem>> -> memref<1x32xi32, #tpu.memory_space<vmem>>
    %dma_start3A_194 = tpu.memref_squeeze %dma_start3A_193 : memref<1x32xi32, #tpu.memory_space<vmem>> -> memref<32xi32, #tpu.memory_space<vmem>>
    %dma_start3A_195 = arith.constant 0 : i32
    %dma_start3A_196 = tpu.memref_slice %arg4[%squeeze3A_184, %dma_start3A_195] : memref<1000x32xi32, #tpu.memory_space<hbm>> -> memref<1x32xi32, #tpu.memory_space<hbm>>
    %dma_start3A_197 = tpu.memref_squeeze %dma_start3A_196 : memref<1x32xi32, #tpu.memory_space<hbm>> -> memref<32xi32, #tpu.memory_space<hbm>>
    tpu.enqueue_dma source(%dma_start3A_197 : memref<32xi32, #tpu.memory_space<hbm>>) target(%dma_start3A_194 : memref<32xi32, #tpu.memory_space<vmem>>) target_semaphore(%arg14 : memref<!tpu.dma_semaphore, #tpu.memory_space<semaphore_mem>>)
    %slice3A_198 = vector.extract_strided_slice %get3A_49 {offsets = [10], sizes = [1], strides = [1]} : vector<16xi32> to vector<1xi32>
    %squeeze3A_199 = vector.extract %slice3A_198[0] : i32 from vector<1xi32>
    %dma_start3A_200 = arith.constant 10 : i32
    %dma_start3A_201 = arith.constant 0 : i32
    %dma_start3A_202 = tpu.memref_slice %arg9[%dma_start3A_200, %dma_start3A_201] : memref<32x32xi32, #tpu.memory_space<vmem>> -> memref<1x32xi32, #tpu.memory_space<vmem>>
    %dma_start3A_203 = tpu.memref_squeeze %dma_start3A_202 : memref<1x32xi32, #tpu.memory_space<vmem>> -> memref<32xi32, #tpu.memory_space<vmem>>
    %dma_start3A_204 = arith.constant 0 : i32
    %dma_start3A_205 = tpu.memref_slice %arg4[%squeeze3A_199, %dma_start3A_204] : memref<1000x32xi32, #tpu.memory_space<hbm>> -> memref<1x32xi32, #tpu.memory_space<hbm>>
    %dma_start3A_206 = tpu.memref_squeeze %dma_start3A_205 : memref<1x32xi32, #tpu.memory_space<hbm>> -> memref<32xi32, #tpu.memory_space<hbm>>
    %dma_start3A_207 = arith.constant 0 : i32
    %dma_start3A_208 = tpu.memref_slice %arg9[%dma_start3A_200, %dma_start3A_207] : memref<32x32xi32, #tpu.memory_space<vmem>> -> memref<1x32xi32, #tpu.memory_space<vmem>>
    %dma_start3A_209 = tpu.memref_squeeze %dma_start3A_208 : memref<1x32xi32, #tpu.memory_space<vmem>> -> memref<32xi32, #tpu.memory_space<vmem>>
    %dma_start3A_210 = arith.constant 0 : i32
    %dma_start3A_211 = tpu.memref_slice %arg4[%squeeze3A_199, %dma_start3A_210] : memref<1000x32xi32, #tpu.memory_space<hbm>> -> memref<1x32xi32, #tpu.memory_space<hbm>>
    %dma_start3A_212 = tpu.memref_squeeze %dma_start3A_211 : memref<1x32xi32, #tpu.memory_space<hbm>> -> memref<32xi32, #tpu.memory_space<hbm>>
    tpu.enqueue_dma source(%dma_start3A_212 : memref<32xi32, #tpu.memory_space<hbm>>) target(%dma_start3A_209 : memref<32xi32, #tpu.memory_space<vmem>>) target_semaphore(%arg14 : memref<!tpu.dma_semaphore, #tpu.memory_space<semaphore_mem>>)
    %slice3A_213 = vector.extract_strided_slice %get3A_49 {offsets = [11], sizes = [1], strides = [1]} : vector<16xi32> to vector<1xi32>
    %squeeze3A_214 = vector.extract %slice3A_213[0] : i32 from vector<1xi32>
    %dma_start3A_215 = arith.constant 11 : i32
    %dma_start3A_216 = arith.constant 0 : i32
    %dma_start3A_217 = tpu.memref_slice %arg9[%dma_start3A_215, %dma_start3A_216] : memref<32x32xi32, #tpu.memory_space<vmem>> -> memref<1x32xi32, #tpu.memory_space<vmem>>
    %dma_start3A_218 = tpu.memref_squeeze %dma_start3A_217 : memref<1x32xi32, #tpu.memory_space<vmem>> -> memref<32xi32, #tpu.memory_space<vmem>>
    %dma_start3A_219 = arith.constant 0 : i32
    %dma_start3A_220 = tpu.memref_slice %arg4[%squeeze3A_214, %dma_start3A_219] : memref<1000x32xi32, #tpu.memory_space<hbm>> -> memref<1x32xi32, #tpu.memory_space<hbm>>
    %dma_start3A_221 = tpu.memref_squeeze %dma_start3A_220 : memref<1x32xi32, #tpu.memory_space<hbm>> -> memref<32xi32, #tpu.memory_space<hbm>>
    %dma_start3A_222 = arith.constant 0 : i32
    %dma_start3A_223 = tpu.memref_slice %arg9[%dma_start3A_215, %dma_start3A_222] : memref<32x32xi32, #tpu.memory_space<vmem>> -> memref<1x32xi32, #tpu.memory_space<vmem>>
    %dma_start3A_224 = tpu.memref_squeeze %dma_start3A_223 : memref<1x32xi32, #tpu.memory_space<vmem>> -> memref<32xi32, #tpu.memory_space<vmem>>
    %dma_start3A_225 = arith.constant 0 : i32
    %dma_start3A_226 = tpu.memref_slice %arg4[%squeeze3A_214, %dma_start3A_225] : memref<1000x32xi32, #tpu.memory_space<hbm>> -> memref<1x32xi32, #tpu.memory_space<hbm>>
    %dma_start3A_227 = tpu.memref_squeeze %dma_start3A_226 : memref<1x32xi32, #tpu.memory_space<hbm>> -> memref<32xi32, #tpu.memory_space<hbm>>
    tpu.enqueue_dma source(%dma_start3A_227 : memref<32xi32, #tpu.memory_space<hbm>>) target(%dma_start3A_224 : memref<32xi32, #tpu.memory_space<vmem>>) target_semaphore(%arg14 : memref<!tpu.dma_semaphore, #tpu.memory_space<semaphore_mem>>)
    %slice3A_228 = vector.extract_strided_slice %get3A_49 {offsets = [12], sizes = [1], strides = [1]} : vector<16xi32> to vector<1xi32>
    %squeeze3A_229 = vector.extract %slice3A_228[0] : i32 from vector<1xi32>
    %dma_start3A_230 = arith.constant 12 : i32
    %dma_start3A_231 = arith.constant 0 : i32
    %dma_start3A_232 = tpu.memref_slice %arg9[%dma_start3A_230, %dma_start3A_231] : memref<32x32xi32, #tpu.memory_space<vmem>> -> memref<1x32xi32, #tpu.memory_space<vmem>>
    %dma_start3A_233 = tpu.memref_squeeze %dma_start3A_232 : memref<1x32xi32, #tpu.memory_space<vmem>> -> memref<32xi32, #tpu.memory_space<vmem>>
    %dma_start3A_234 = arith.constant 0 : i32
    %dma_start3A_235 = tpu.memref_slice %arg4[%squeeze3A_229, %dma_start3A_234] : memref<1000x32xi32, #tpu.memory_space<hbm>> -> memref<1x32xi32, #tpu.memory_space<hbm>>
    %dma_start3A_236 = tpu.memref_squeeze %dma_start3A_235 : memref<1x32xi32, #tpu.memory_space<hbm>> -> memref<32xi32, #tpu.memory_space<hbm>>
    %dma_start3A_237 = arith.constant 0 : i32
    %dma_start3A_238 = tpu.memref_slice %arg9[%dma_start3A_230, %dma_start3A_237] : memref<32x32xi32, #tpu.memory_space<vmem>> -> memref<1x32xi32, #tpu.memory_space<vmem>>
    %dma_start3A_239 = tpu.memref_squeeze %dma_start3A_238 : memref<1x32xi32, #tpu.memory_space<vmem>> -> memref<32xi32, #tpu.memory_space<vmem>>
    %dma_start3A_240 = arith.constant 0 : i32
    %dma_start3A_241 = tpu.memref_slice %arg4[%squeeze3A_229, %dma_start3A_240] : memref<1000x32xi32, #tpu.memory_space<hbm>> -> memref<1x32xi32, #tpu.memory_space<hbm>>
    %dma_start3A_242 = tpu.memref_squeeze %dma_start3A_241 : memref<1x32xi32, #tpu.memory_space<hbm>> -> memref<32xi32, #tpu.memory_space<hbm>>
    tpu.enqueue_dma source(%dma_start3A_242 : memref<32xi32, #tpu.memory_space<hbm>>) target(%dma_start3A_239 : memref<32xi32, #tpu.memory_space<vmem>>) target_semaphore(%arg14 : memref<!tpu.dma_semaphore, #tpu.memory_space<semaphore_mem>>)
    %slice3A_243 = vector.extract_strided_slice %get3A_49 {offsets = [13], sizes = [1], strides = [1]} : vector<16xi32> to vector<1xi32>
    %squeeze3A_244 = vector.extract %slice3A_243[0] : i32 from vector<1xi32>
    %dma_start3A_245 = arith.constant 13 : i32
    %dma_start3A_246 = arith.constant 0 : i32
    %dma_start3A_247 = tpu.memref_slice %arg9[%dma_start3A_245, %dma_start3A_246] : memref<32x32xi32, #tpu.memory_space<vmem>> -> memref<1x32xi32, #tpu.memory_space<vmem>>
    %dma_start3A_248 = tpu.memref_squeeze %dma_start3A_247 : memref<1x32xi32, #tpu.memory_space<vmem>> -> memref<32xi32, #tpu.memory_space<vmem>>
    %dma_start3A_249 = arith.constant 0 : i32
    %dma_start3A_250 = tpu.memref_slice %arg4[%squeeze3A_244, %dma_start3A_249] : memref<1000x32xi32, #tpu.memory_space<hbm>> -> memref<1x32xi32, #tpu.memory_space<hbm>>
    %dma_start3A_251 = tpu.memref_squeeze %dma_start3A_250 : memref<1x32xi32, #tpu.memory_space<hbm>> -> memref<32xi32, #tpu.memory_space<hbm>>
    %dma_start3A_252 = arith.constant 0 : i32
    %dma_start3A_253 = tpu.memref_slice %arg9[%dma_start3A_245, %dma_start3A_252] : memref<32x32xi32, #tpu.memory_space<vmem>> -> memref<1x32xi32, #tpu.memory_space<vmem>>
    %dma_start3A_254 = tpu.memref_squeeze %dma_start3A_253 : memref<1x32xi32, #tpu.memory_space<vmem>> -> memref<32xi32, #tpu.memory_space<vmem>>
    %dma_start3A_255 = arith.constant 0 : i32
    %dma_start3A_256 = tpu.memref_slice %arg4[%squeeze3A_244, %dma_start3A_255] : memref<1000x32xi32, #tpu.memory_space<hbm>> -> memref<1x32xi32, #tpu.memory_space<hbm>>
    %dma_start3A_257 = tpu.memref_squeeze %dma_start3A_256 : memref<1x32xi32, #tpu.memory_space<hbm>> -> memref<32xi32, #tpu.memory_space<hbm>>
    tpu.enqueue_dma source(%dma_start3A_257 : memref<32xi32, #tpu.memory_space<hbm>>) target(%dma_start3A_254 : memref<32xi32, #tpu.memory_space<vmem>>) target_semaphore(%arg14 : memref<!tpu.dma_semaphore, #tpu.memory_space<semaphore_mem>>)
    %slice3A_258 = vector.extract_strided_slice %get3A_49 {offsets = [14], sizes = [1], strides = [1]} : vector<16xi32> to vector<1xi32>
    %squeeze3A_259 = vector.extract %slice3A_258[0] : i32 from vector<1xi32>
    %dma_start3A_260 = arith.constant 14 : i32
    %dma_start3A_261 = arith.constant 0 : i32
    %dma_start3A_262 = tpu.memref_slice %arg9[%dma_start3A_260, %dma_start3A_261] : memref<32x32xi32, #tpu.memory_space<vmem>> -> memref<1x32xi32, #tpu.memory_space<vmem>>
    %dma_start3A_263 = tpu.memref_squeeze %dma_start3A_262 : memref<1x32xi32, #tpu.memory_space<vmem>> -> memref<32xi32, #tpu.memory_space<vmem>>
    %dma_start3A_264 = arith.constant 0 : i32
    %dma_start3A_265 = tpu.memref_slice %arg4[%squeeze3A_259, %dma_start3A_264] : memref<1000x32xi32, #tpu.memory_space<hbm>> -> memref<1x32xi32, #tpu.memory_space<hbm>>
    %dma_start3A_266 = tpu.memref_squeeze %dma_start3A_265 : memref<1x32xi32, #tpu.memory_space<hbm>> -> memref<32xi32, #tpu.memory_space<hbm>>
    %dma_start3A_267 = arith.constant 0 : i32
    %dma_start3A_268 = tpu.memref_slice %arg9[%dma_start3A_260, %dma_start3A_267] : memref<32x32xi32, #tpu.memory_space<vmem>> -> memref<1x32xi32, #tpu.memory_space<vmem>>
    %dma_start3A_269 = tpu.memref_squeeze %dma_start3A_268 : memref<1x32xi32, #tpu.memory_space<vmem>> -> memref<32xi32, #tpu.memory_space<vmem>>
    %dma_start3A_270 = arith.constant 0 : i32
    %dma_start3A_271 = tpu.memref_slice %arg4[%squeeze3A_259, %dma_start3A_270] : memref<1000x32xi32, #tpu.memory_space<hbm>> -> memref<1x32xi32, #tpu.memory_space<hbm>>
    %dma_start3A_272 = tpu.memref_squeeze %dma_start3A_271 : memref<1x32xi32, #tpu.memory_space<hbm>> -> memref<32xi32, #tpu.memory_space<hbm>>
    tpu.enqueue_dma source(%dma_start3A_272 : memref<32xi32, #tpu.memory_space<hbm>>) target(%dma_start3A_269 : memref<32xi32, #tpu.memory_space<vmem>>) target_semaphore(%arg14 : memref<!tpu.dma_semaphore, #tpu.memory_space<semaphore_mem>>)
    %slice3A_273 = vector.extract_strided_slice %get3A_49 {offsets = [15], sizes = [1], strides = [1]} : vector<16xi32> to vector<1xi32>
    %squeeze3A_274 = vector.extract %slice3A_273[0] : i32 from vector<1xi32>
    %dma_start3A_275 = arith.constant 15 : i32
    %dma_start3A_276 = arith.constant 0 : i32
    %dma_start3A_277 = tpu.memref_slice %arg9[%dma_start3A_275, %dma_start3A_276] : memref<32x32xi32, #tpu.memory_space<vmem>> -> memref<1x32xi32, #tpu.memory_space<vmem>>
    %dma_start3A_278 = tpu.memref_squeeze %dma_start3A_277 : memref<1x32xi32, #tpu.memory_space<vmem>> -> memref<32xi32, #tpu.memory_space<vmem>>
    %dma_start3A_279 = arith.constant 0 : i32
    %dma_start3A_280 = tpu.memref_slice %arg4[%squeeze3A_274, %dma_start3A_279] : memref<1000x32xi32, #tpu.memory_space<hbm>> -> memref<1x32xi32, #tpu.memory_space<hbm>>
    %dma_start3A_281 = tpu.memref_squeeze %dma_start3A_280 : memref<1x32xi32, #tpu.memory_space<hbm>> -> memref<32xi32, #tpu.memory_space<hbm>>
    %dma_start3A_282 = arith.constant 0 : i32
    %dma_start3A_283 = tpu.memref_slice %arg9[%dma_start3A_275, %dma_start3A_282] : memref<32x32xi32, #tpu.memory_space<vmem>> -> memref<1x32xi32, #tpu.memory_space<vmem>>
    %dma_start3A_284 = tpu.memref_squeeze %dma_start3A_283 : memref<1x32xi32, #tpu.memory_space<vmem>> -> memref<32xi32, #tpu.memory_space<vmem>>
    %dma_start3A_285 = arith.constant 0 : i32
    %dma_start3A_286 = tpu.memref_slice %arg4[%squeeze3A_274, %dma_start3A_285] : memref<1000x32xi32, #tpu.memory_space<hbm>> -> memref<1x32xi32, #tpu.memory_space<hbm>>
    %dma_start3A_287 = tpu.memref_squeeze %dma_start3A_286 : memref<1x32xi32, #tpu.memory_space<hbm>> -> memref<32xi32, #tpu.memory_space<hbm>>
    tpu.enqueue_dma source(%dma_start3A_287 : memref<32xi32, #tpu.memory_space<hbm>>) target(%dma_start3A_284 : memref<32xi32, #tpu.memory_space<vmem>>) target_semaphore(%arg14 : memref<!tpu.dma_semaphore, #tpu.memory_space<semaphore_mem>>)
    %get3A_288 = arith.constant 16 : index
    %get3A_289 = tpu.vector_load %arg8[%get3A_288] {strides = array<i32>} : memref<32xi32, #tpu.memory_space<vmem>>, vector<16xi32>,
    %get3A_290 = vector.shape_cast %get3A_289 : vector<16xi32> to vector<16xi32>
    %slice3A_291 = vector.extract_strided_slice %get3A_290 {offsets = [0], sizes = [1], strides = [1]} : vector<16xi32> to vector<1xi32>
    %squeeze3A_292 = vector.extract %slice3A_291[0] : i32 from vector<1xi32>
    %dma_start3A_293 = arith.constant 16 : i32
    %dma_start3A_294 = arith.constant 0 : i32
    %dma_start3A_295 = tpu.memref_slice %arg9[%dma_start3A_293, %dma_start3A_294] : memref<32x32xi32, #tpu.memory_space<vmem>> -> memref<1x32xi32, #tpu.memory_space<vmem>>
    %dma_start3A_296 = tpu.memref_squeeze %dma_start3A_295 : memref<1x32xi32, #tpu.memory_space<vmem>> -> memref<32xi32, #tpu.memory_space<vmem>>
    %dma_start3A_297 = arith.constant 0 : i32
    %dma_start3A_298 = tpu.memref_slice %arg4[%squeeze3A_292, %dma_start3A_297] : memref<1000x32xi32, #tpu.memory_space<hbm>> -> memref<1x32xi32, #tpu.memory_space<hbm>>
    %dma_start3A_299 = tpu.memref_squeeze %dma_start3A_298 : memref<1x32xi32, #tpu.memory_space<hbm>> -> memref<32xi32, #tpu.memory_space<hbm>>
    %dma_start3A_300 = arith.constant 0 : i32
    %dma_start3A_301 = tpu.memref_slice %arg9[%dma_start3A_293, %dma_start3A_300] : memref<32x32xi32, #tpu.memory_space<vmem>> -> memref<1x32xi32, #tpu.memory_space<vmem>>
    %dma_start3A_302 = tpu.memref_squeeze %dma_start3A_301 : memref<1x32xi32, #tpu.memory_space<vmem>> -> memref<32xi32, #tpu.memory_space<vmem>>
    %dma_start3A_303 = arith.constant 0 : i32
    %dma_start3A_304 = tpu.memref_slice %arg4[%squeeze3A_292, %dma_start3A_303] : memref<1000x32xi32, #tpu.memory_space<hbm>> -> memref<1x32xi32, #tpu.memory_space<hbm>>
    %dma_start3A_305 = tpu.memref_squeeze %dma_start3A_304 : memref<1x32xi32, #tpu.memory_space<hbm>> -> memref<32xi32, #tpu.memory_space<hbm>>
    tpu.enqueue_dma source(%dma_start3A_305 : memref<32xi32, #tpu.memory_space<hbm>>) target(%dma_start3A_302 : memref<32xi32, #tpu.memory_space<vmem>>) target_semaphore(%arg14 : memref<!tpu.dma_semaphore, #tpu.memory_space<semaphore_mem>>)
    %slice3A_306 = vector.extract_strided_slice %get3A_290 {offsets = [1], sizes = [1], strides = [1]} : vector<16xi32> to vector<1xi32>
    %squeeze3A_307 = vector.extract %slice3A_306[0] : i32 from vector<1xi32>
    %dma_start3A_308 = arith.constant 17 : i32
    %dma_start3A_309 = arith.constant 0 : i32
    %dma_start3A_310 = tpu.memref_slice %arg9[%dma_start3A_308, %dma_start3A_309] : memref<32x32xi32, #tpu.memory_space<vmem>> -> memref<1x32xi32, #tpu.memory_space<vmem>>
    %dma_start3A_311 = tpu.memref_squeeze %dma_start3A_310 : memref<1x32xi32, #tpu.memory_space<vmem>> -> memref<32xi32, #tpu.memory_space<vmem>>
    %dma_start3A_312 = arith.constant 0 : i32
    %dma_start3A_313 = tpu.memref_slice %arg4[%squeeze3A_307, %dma_start3A_312] : memref<1000x32xi32, #tpu.memory_space<hbm>> -> memref<1x32xi32, #tpu.memory_space<hbm>>
    %dma_start3A_314 = tpu.memref_squeeze %dma_start3A_313 : memref<1x32xi32, #tpu.memory_space<hbm>> -> memref<32xi32, #tpu.memory_space<hbm>>
    %dma_start3A_315 = arith.constant 0 : i32
    %dma_start3A_316 = tpu.memref_slice %arg9[%dma_start3A_308, %dma_start3A_315] : memref<32x32xi32, #tpu.memory_space<vmem>> -> memref<1x32xi32, #tpu.memory_space<vmem>>
    %dma_start3A_317 = tpu.memref_squeeze %dma_start3A_316 : memref<1x32xi32, #tpu.memory_space<vmem>> -> memref<32xi32, #tpu.memory_space<vmem>>
    %dma_start3A_318 = arith.constant 0 : i32
    %dma_start3A_319 = tpu.memref_slice %arg4[%squeeze3A_307, %dma_start3A_318] : memref<1000x32xi32, #tpu.memory_space<hbm>> -> memref<1x32xi32, #tpu.memory_space<hbm>>
    %dma_start3A_320 = tpu.memref_squeeze %dma_start3A_319 : memref<1x32xi32, #tpu.memory_space<hbm>> -> memref<32xi32, #tpu.memory_space<hbm>>
    tpu.enqueue_dma source(%dma_start3A_320 : memref<32xi32, #tpu.memory_space<hbm>>) target(%dma_start3A_317 : memref<32xi32, #tpu.memory_space<vmem>>) target_semaphore(%arg14 : memref<!tpu.dma_semaphore, #tpu.memory_space<semaphore_mem>>)
    %slice3A_321 = vector.extract_strided_slice %get3A_290 {offsets = [2], sizes = [1], strides = [1]} : vector<16xi32> to vector<1xi32>
    %squeeze3A_322 = vector.extract %slice3A_321[0] : i32 from vector<1xi32>
    %dma_start3A_323 = arith.constant 18 : i32
    %dma_start3A_324 = arith.constant 0 : i32
    %dma_start3A_325 = tpu.memref_slice %arg9[%dma_start3A_323, %dma_start3A_324] : memref<32x32xi32, #tpu.memory_space<vmem>> -> memref<1x32xi32, #tpu.memory_space<vmem>>
    %dma_start3A_326 = tpu.memref_squeeze %dma_start3A_325 : memref<1x32xi32, #tpu.memory_space<vmem>> -> memref<32xi32, #tpu.memory_space<vmem>>
    %dma_start3A_327 = arith.constant 0 : i32
    %dma_start3A_328 = tpu.memref_slice %arg4[%squeeze3A_322, %dma_start3A_327] : memref<1000x32xi32, #tpu.memory_space<hbm>> -> memref<1x32xi32, #tpu.memory_space<hbm>>
    %dma_start3A_329 = tpu.memref_squeeze %dma_start3A_328 : memref<1x32xi32, #tpu.memory_space<hbm>> -> memref<32xi32, #tpu.memory_space<hbm>>
    %dma_start3A_330 = arith.constant 0 : i32
    %dma_start3A_331 = tpu.memref_slice %arg9[%dma_start3A_323, %dma_start3A_330] : memref<32x32xi32, #tpu.memory_space<vmem>> -> memref<1x32xi32, #tpu.memory_space<vmem>>
    %dma_start3A_332 = tpu.memref_squeeze %dma_start3A_331 : memref<1x32xi32, #tpu.memory_space<vmem>> -> memref<32xi32, #tpu.memory_space<vmem>>
    %dma_start3A_333 = arith.constant 0 : i32
    %dma_start3A_334 = tpu.memref_slice %arg4[%squeeze3A_322, %dma_start3A_333] : memref<1000x32xi32, #tpu.memory_space<hbm>> -> memref<1x32xi32, #tpu.memory_space<hbm>>
    %dma_start3A_335 = tpu.memref_squeeze %dma_start3A_334 : memref<1x32xi32, #tpu.memory_space<hbm>> -> memref<32xi32, #tpu.memory_space<hbm>>
    tpu.enqueue_dma source(%dma_start3A_335 : memref<32xi32, #tpu.memory_space<hbm>>) target(%dma_start3A_332 : memref<32xi32, #tpu.memory_space<vmem>>) target_semaphore(%arg14 : memref<!tpu.dma_semaphore, #tpu.memory_space<semaphore_mem>>)
    %slice3A_336 = vector.extract_strided_slice %get3A_290 {offsets = [3], sizes = [1], strides = [1]} : vector<16xi32> to vector<1xi32>
    %squeeze3A_337 = vector.extract %slice3A_336[0] : i32 from vector<1xi32>
    %dma_start3A_338 = arith.constant 19 : i32
    %dma_start3A_339 = arith.constant 0 : i32
    %dma_start3A_340 = tpu.memref_slice %arg9[%dma_start3A_338, %dma_start3A_339] : memref<32x32xi32, #tpu.memory_space<vmem>> -> memref<1x32xi32, #tpu.memory_space<vmem>>
    %dma_start3A_341 = tpu.memref_squeeze %dma_start3A_340 : memref<1x32xi32, #tpu.memory_space<vmem>> -> memref<32xi32, #tpu.memory_space<vmem>>
    %dma_start3A_342 = arith.constant 0 : i32
    %dma_start3A_343 = tpu.memref_slice %arg4[%squeeze3A_337, %dma_start3A_342] : memref<1000x32xi32, #tpu.memory_space<hbm>> -> memref<1x32xi32, #tpu.memory_space<hbm>>
    %dma_start3A_344 = tpu.memref_squeeze %dma_start3A_343 : memref<1x32xi32, #tpu.memory_space<hbm>> -> memref<32xi32, #tpu.memory_space<hbm>>
    %dma_start3A_345 = arith.constant 0 : i32
    %dma_start3A_346 = tpu.memref_slice %arg9[%dma_start3A_338, %dma_start3A_345] : memref<32x32xi32, #tpu.memory_space<vmem>> -> memref<1x32xi32, #tpu.memory_space<vmem>>
    %dma_start3A_347 = tpu.memref_squeeze %dma_start3A_346 : memref<1x32xi32, #tpu.memory_space<vmem>> -> memref<32xi32, #tpu.memory_space<vmem>>
    %dma_start3A_348 = arith.constant 0 : i32
    %dma_start3A_349 = tpu.memref_slice %arg4[%squeeze3A_337, %dma_start3A_348] : memref<1000x32xi32, #tpu.memory_space<hbm>> -> memref<1x32xi32, #tpu.memory_space<hbm>>
    %dma_start3A_350 = tpu.memref_squeeze %dma_start3A_349 : memref<1x32xi32, #tpu.memory_space<hbm>> -> memref<32xi32, #tpu.memory_space<hbm>>
    tpu.enqueue_dma source(%dma_start3A_350 : memref<32xi32, #tpu.memory_space<hbm>>) target(%dma_start3A_347 : memref<32xi32, #tpu.memory_space<vmem>>) target_semaphore(%arg14 : memref<!tpu.dma_semaphore, #tpu.memory_space<semaphore_mem>>)
    %slice3A_351 = vector.extract_strided_slice %get3A_290 {offsets = [4], sizes = [1], strides = [1]} : vector<16xi32> to vector<1xi32>
    %squeeze3A_352 = vector.extract %slice3A_351[0] : i32 from vector<1xi32>
    %dma_start3A_353 = arith.constant 20 : i32
    %dma_start3A_354 = arith.constant 0 : i32
    %dma_start3A_355 = tpu.memref_slice %arg9[%dma_start3A_353, %dma_start3A_354] : memref<32x32xi32, #tpu.memory_space<vmem>> -> memref<1x32xi32, #tpu.memory_space<vmem>>
    %dma_start3A_356 = tpu.memref_squeeze %dma_start3A_355 : memref<1x32xi32, #tpu.memory_space<vmem>> -> memref<32xi32, #tpu.memory_space<vmem>>
    %dma_start3A_357 = arith.constant 0 : i32
    %dma_start3A_358 = tpu.memref_slice %arg4[%squeeze3A_352, %dma_start3A_357] : memref<1000x32xi32, #tpu.memory_space<hbm>> -> memref<1x32xi32, #tpu.memory_space<hbm>>
    %dma_start3A_359 = tpu.memref_squeeze %dma_start3A_358 : memref<1x32xi32, #tpu.memory_space<hbm>> -> memref<32xi32, #tpu.memory_space<hbm>>
    %dma_start3A_360 = arith.constant 0 : i32
    %dma_start3A_361 = tpu.memref_slice %arg9[%dma_start3A_353, %dma_start3A_360] : memref<32x32xi32, #tpu.memory_space<vmem>> -> memref<1x32xi32, #tpu.memory_space<vmem>>
    %dma_start3A_362 = tpu.memref_squeeze %dma_start3A_361 : memref<1x32xi32, #tpu.memory_space<vmem>> -> memref<32xi32, #tpu.memory_space<vmem>>
    %dma_start3A_363 = arith.constant 0 : i32
    %dma_start3A_364 = tpu.memref_slice %arg4[%squeeze3A_352, %dma_start3A_363] : memref<1000x32xi32, #tpu.memory_space<hbm>> -> memref<1x32xi32, #tpu.memory_space<hbm>>
    %dma_start3A_365 = tpu.memref_squeeze %dma_start3A_364 : memref<1x32xi32, #tpu.memory_space<hbm>> -> memref<32xi32, #tpu.memory_space<hbm>>
    tpu.enqueue_dma source(%dma_start3A_365 : memref<32xi32, #tpu.memory_space<hbm>>) target(%dma_start3A_362 : memref<32xi32, #tpu.memory_space<vmem>>) target_semaphore(%arg14 : memref<!tpu.dma_semaphore, #tpu.memory_space<semaphore_mem>>)
    %slice3A_366 = vector.extract_strided_slice %get3A_290 {offsets = [5], sizes = [1], strides = [1]} : vector<16xi32> to vector<1xi32>
    %squeeze3A_367 = vector.extract %slice3A_366[0] : i32 from vector<1xi32>
    %dma_start3A_368 = arith.constant 21 : i32
    %dma_start3A_369 = arith.constant 0 : i32
    %dma_start3A_370 = tpu.memref_slice %arg9[%dma_start3A_368, %dma_start3A_369] : memref<32x32xi32, #tpu.memory_space<vmem>> -> memref<1x32xi32, #tpu.memory_space<vmem>>
    %dma_start3A_371 = tpu.memref_squeeze %dma_start3A_370 : memref<1x32xi32, #tpu.memory_space<vmem>> -> memref<32xi32, #tpu.memory_space<vmem>>
    %dma_start3A_372 = arith.constant 0 : i32
    %dma_start3A_373 = tpu.memref_slice %arg4[%squeeze3A_367, %dma_start3A_372] : memref<1000x32xi32, #tpu.memory_space<hbm>> -> memref<1x32xi32, #tpu.memory_space<hbm>>
    %dma_start3A_374 = tpu.memref_squeeze %dma_start3A_373 : memref<1x32xi32, #tpu.memory_space<hbm>> -> memref<32xi32, #tpu.memory_space<hbm>>
    %dma_start3A_375 = arith.constant 0 : i32
    %dma_start3A_376 = tpu.memref_slice %arg9[%dma_start3A_368, %dma_start3A_375] : memref<32x32xi32, #tpu.memory_space<vmem>> -> memref<1x32xi32, #tpu.memory_space<vmem>>
    %dma_start3A_377 = tpu.memref_squeeze %dma_start3A_376 : memref<1x32xi32, #tpu.memory_space<vmem>> -> memref<32xi32, #tpu.memory_space<vmem>>
    %dma_start3A_378 = arith.constant 0 : i32
    %dma_start3A_379 = tpu.memref_slice %arg4[%squeeze3A_367, %dma_start3A_378] : memref<1000x32xi32, #tpu.memory_space<hbm>> -> memref<1x32xi32, #tpu.memory_space<hbm>>
    %dma_start3A_380 = tpu.memref_squeeze %dma_start3A_379 : memref<1x32xi32, #tpu.memory_space<hbm>> -> memref<32xi32, #tpu.memory_space<hbm>>
    tpu.enqueue_dma source(%dma_start3A_380 : memref<32xi32, #tpu.memory_space<hbm>>) target(%dma_start3A_377 : memref<32xi32, #tpu.memory_space<vmem>>) target_semaphore(%arg14 : memref<!tpu.dma_semaphore, #tpu.memory_space<semaphore_mem>>)
    %slice3A_381 = vector.extract_strided_slice %get3A_290 {offsets = [6], sizes = [1], strides = [1]} : vector<16xi32> to vector<1xi32>
    %squeeze3A_382 = vector.extract %slice3A_381[0] : i32 from vector<1xi32>
    %dma_start3A_383 = arith.constant 22 : i32
    %dma_start3A_384 = arith.constant 0 : i32
    %dma_start3A_385 = tpu.memref_slice %arg9[%dma_start3A_383, %dma_start3A_384] : memref<32x32xi32, #tpu.memory_space<vmem>> -> memref<1x32xi32, #tpu.memory_space<vmem>>
    %dma_start3A_386 = tpu.memref_squeeze %dma_start3A_385 : memref<1x32xi32, #tpu.memory_space<vmem>> -> memref<32xi32, #tpu.memory_space<vmem>>
    %dma_start3A_387 = arith.constant 0 : i32
    %dma_start3A_388 = tpu.memref_slice %arg4[%squeeze3A_382, %dma_start3A_387] : memref<1000x32xi32, #tpu.memory_space<hbm>> -> memref<1x32xi32, #tpu.memory_space<hbm>>
    %dma_start3A_389 = tpu.memref_squeeze %dma_start3A_388 : memref<1x32xi32, #tpu.memory_space<hbm>> -> memref<32xi32, #tpu.memory_space<hbm>>
    %dma_start3A_390 = arith.constant 0 : i32
    %dma_start3A_391 = tpu.memref_slice %arg9[%dma_start3A_383, %dma_start3A_390] : memref<32x32xi32, #tpu.memory_space<vmem>> -> memref<1x32xi32, #tpu.memory_space<vmem>>
    %dma_start3A_392 = tpu.memref_squeeze %dma_start3A_391 : memref<1x32xi32, #tpu.memory_space<vmem>> -> memref<32xi32, #tpu.memory_space<vmem>>
    %dma_start3A_393 = arith.constant 0 : i32
    %dma_start3A_394 = tpu.memref_slice %arg4[%squeeze3A_382, %dma_start3A_393] : memref<1000x32xi32, #tpu.memory_space<hbm>> -> memref<1x32xi32, #tpu.memory_space<hbm>>
    %dma_start3A_395 = tpu.memref_squeeze %dma_start3A_394 : memref<1x32xi32, #tpu.memory_space<hbm>> -> memref<32xi32, #tpu.memory_space<hbm>>
    tpu.enqueue_dma source(%dma_start3A_395 : memref<32xi32, #tpu.memory_space<hbm>>) target(%dma_start3A_392 : memref<32xi32, #tpu.memory_space<vmem>>) target_semaphore(%arg14 : memref<!tpu.dma_semaphore, #tpu.memory_space<semaphore_mem>>)
    %slice3A_396 = vector.extract_strided_slice %get3A_290 {offsets = [7], sizes = [1], strides = [1]} : vector<16xi32> to vector<1xi32>
    %squeeze3A_397 = vector.extract %slice3A_396[0] : i32 from vector<1xi32>
    %dma_start3A_398 = arith.constant 23 : i32
    %dma_start3A_399 = arith.constant 0 : i32
    %dma_start3A_400 = tpu.memref_slice %arg9[%dma_start3A_398, %dma_start3A_399] : memref<32x32xi32, #tpu.memory_space<vmem>> -> memref<1x32xi32, #tpu.memory_space<vmem>>
    %dma_start3A_401 = tpu.memref_squeeze %dma_start3A_400 : memref<1x32xi32, #tpu.memory_space<vmem>> -> memref<32xi32, #tpu.memory_space<vmem>>
    %dma_start3A_402 = arith.constant 0 : i32
    %dma_start3A_403 = tpu.memref_slice %arg4[%squeeze3A_397, %dma_start3A_402] : memref<1000x32xi32, #tpu.memory_space<hbm>> -> memref<1x32xi32, #tpu.memory_space<hbm>>
    %dma_start3A_404 = tpu.memref_squeeze %dma_start3A_403 : memref<1x32xi32, #tpu.memory_space<hbm>> -> memref<32xi32, #tpu.memory_space<hbm>>
    %dma_start3A_405 = arith.constant 0 : i32
    %dma_start3A_406 = tpu.memref_slice %arg9[%dma_start3A_398, %dma_start3A_405] : memref<32x32xi32, #tpu.memory_space<vmem>> -> memref<1x32xi32, #tpu.memory_space<vmem>>
    %dma_start3A_407 = tpu.memref_squeeze %dma_start3A_406 : memref<1x32xi32, #tpu.memory_space<vmem>> -> memref<32xi32, #tpu.memory_space<vmem>>
    %dma_start3A_408 = arith.constant 0 : i32
    %dma_start3A_409 = tpu.memref_slice %arg4[%squeeze3A_397, %dma_start3A_408] : memref<1000x32xi32, #tpu.memory_space<hbm>> -> memref<1x32xi32, #tpu.memory_space<hbm>>
    %dma_start3A_410 = tpu.memref_squeeze %dma_start3A_409 : memref<1x32xi32, #tpu.memory_space<hbm>> -> memref<32xi32, #tpu.memory_space<hbm>>
    tpu.enqueue_dma source(%dma_start3A_410 : memref<32xi32, #tpu.memory_space<hbm>>) target(%dma_start3A_407 : memref<32xi32, #tpu.memory_space<vmem>>) target_semaphore(%arg14 : memref<!tpu.dma_semaphore, #tpu.memory_space<semaphore_mem>>)
    %slice3A_411 = vector.extract_strided_slice %get3A_290 {offsets = [8], sizes = [1], strides = [1]} : vector<16xi32> to vector<1xi32>
    %squeeze3A_412 = vector.extract %slice3A_411[0] : i32 from vector<1xi32>
    %dma_start3A_413 = arith.constant 24 : i32
    %dma_start3A_414 = arith.constant 0 : i32
    %dma_start3A_415 = tpu.memref_slice %arg9[%dma_start3A_413, %dma_start3A_414] : memref<32x32xi32, #tpu.memory_space<vmem>> -> memref<1x32xi32, #tpu.memory_space<vmem>>
    %dma_start3A_416 = tpu.memref_squeeze %dma_start3A_415 : memref<1x32xi32, #tpu.memory_space<vmem>> -> memref<32xi32, #tpu.memory_space<vmem>>
    %dma_start3A_417 = arith.constant 0 : i32
    %dma_start3A_418 = tpu.memref_slice %arg4[%squeeze3A_412, %dma_start3A_417] : memref<1000x32xi32, #tpu.memory_space<hbm>> -> memref<1x32xi32, #tpu.memory_space<hbm>>
    %dma_start3A_419 = tpu.memref_squeeze %dma_start3A_418 : memref<1x32xi32, #tpu.memory_space<hbm>> -> memref<32xi32, #tpu.memory_space<hbm>>
    %dma_start3A_420 = arith.constant 0 : i32
    %dma_start3A_421 = tpu.memref_slice %arg9[%dma_start3A_413, %dma_start3A_420] : memref<32x32xi32, #tpu.memory_space<vmem>> -> memref<1x32xi32, #tpu.memory_space<vmem>>
    %dma_start3A_422 = tpu.memref_squeeze %dma_start3A_421 : memref<1x32xi32, #tpu.memory_space<vmem>> -> memref<32xi32, #tpu.memory_space<vmem>>
    %dma_start3A_423 = arith.constant 0 : i32
    %dma_start3A_424 = tpu.memref_slice %arg4[%squeeze3A_412, %dma_start3A_423] : memref<1000x32xi32, #tpu.memory_space<hbm>> -> memref<1x32xi32, #tpu.memory_space<hbm>>
    %dma_start3A_425 = tpu.memref_squeeze %dma_start3A_424 : memref<1x32xi32, #tpu.memory_space<hbm>> -> memref<32xi32, #tpu.memory_space<hbm>>
    tpu.enqueue_dma source(%dma_start3A_425 : memref<32xi32, #tpu.memory_space<hbm>>) target(%dma_start3A_422 : memref<32xi32, #tpu.memory_space<vmem>>) target_semaphore(%arg14 : memref<!tpu.dma_semaphore, #tpu.memory_space<semaphore_mem>>)
    %slice3A_426 = vector.extract_strided_slice %get3A_290 {offsets = [9], sizes = [1], strides = [1]} : vector<16xi32> to vector<1xi32>
    %squeeze3A_427 = vector.extract %slice3A_426[0] : i32 from vector<1xi32>
    %dma_start3A_428 = arith.constant 25 : i32
    %dma_start3A_429 = arith.constant 0 : i32
    %dma_start3A_430 = tpu.memref_slice %arg9[%dma_start3A_428, %dma_start3A_429] : memref<32x32xi32, #tpu.memory_space<vmem>> -> memref<1x32xi32, #tpu.memory_space<vmem>>
    %dma_start3A_431 = tpu.memref_squeeze %dma_start3A_430 : memref<1x32xi32, #tpu.memory_space<vmem>> -> memref<32xi32, #tpu.memory_space<vmem>>
    %dma_start3A_432 = arith.constant 0 : i32
    %dma_start3A_433 = tpu.memref_slice %arg4[%squeeze3A_427, %dma_start3A_432] : memref<1000x32xi32, #tpu.memory_space<hbm>> -> memref<1x32xi32, #tpu.memory_space<hbm>>
    %dma_start3A_434 = tpu.memref_squeeze %dma_start3A_433 : memref<1x32xi32, #tpu.memory_space<hbm>> -> memref<32xi32, #tpu.memory_space<hbm>>
    %dma_start3A_435 = arith.constant 0 : i32
    %dma_start3A_436 = tpu.memref_slice %arg9[%dma_start3A_428, %dma_start3A_435] : memref<32x32xi32, #tpu.memory_space<vmem>> -> memref<1x32xi32, #tpu.memory_space<vmem>>
    %dma_start3A_437 = tpu.memref_squeeze %dma_start3A_436 : memref<1x32xi32, #tpu.memory_space<vmem>> -> memref<32xi32, #tpu.memory_space<vmem>>
    %dma_start3A_438 = arith.constant 0 : i32
    %dma_start3A_439 = tpu.memref_slice %arg4[%squeeze3A_427, %dma_start3A_438] : memref<1000x32xi32, #tpu.memory_space<hbm>> -> memref<1x32xi32, #tpu.memory_space<hbm>>
    %dma_start3A_440 = tpu.memref_squeeze %dma_start3A_439 : memref<1x32xi32, #tpu.memory_space<hbm>> -> memref<32xi32, #tpu.memory_space<hbm>>
    tpu.enqueue_dma source(%dma_start3A_440 : memref<32xi32, #tpu.memory_space<hbm>>) target(%dma_start3A_437 : memref<32xi32, #tpu.memory_space<vmem>>) target_semaphore(%arg14 : memref<!tpu.dma_semaphore, #tpu.memory_space<semaphore_mem>>)
    %slice3A_441 = vector.extract_strided_slice %get3A_290 {offsets = [10], sizes = [1], strides = [1]} : vector<16xi32> to vector<1xi32>
    %squeeze3A_442 = vector.extract %slice3A_441[0] : i32 from vector<1xi32>
    %dma_start3A_443 = arith.constant 26 : i32
    %dma_start3A_444 = arith.constant 0 : i32
    %dma_start3A_445 = tpu.memref_slice %arg9[%dma_start3A_443, %dma_start3A_444] : memref<32x32xi32, #tpu.memory_space<vmem>> -> memref<1x32xi32, #tpu.memory_space<vmem>>
    %dma_start3A_446 = tpu.memref_squeeze %dma_start3A_445 : memref<1x32xi32, #tpu.memory_space<vmem>> -> memref<32xi32, #tpu.memory_space<vmem>>
    %dma_start3A_447 = arith.constant 0 : i32
    %dma_start3A_448 = tpu.memref_slice %arg4[%squeeze3A_442, %dma_start3A_447] : memref<1000x32xi32, #tpu.memory_space<hbm>> -> memref<1x32xi32, #tpu.memory_space<hbm>>
    %dma_start3A_449 = tpu.memref_squeeze %dma_start3A_448 : memref<1x32xi32, #tpu.memory_space<hbm>> -> memref<32xi32, #tpu.memory_space<hbm>>
    %dma_start3A_450 = arith.constant 0 : i32
    %dma_start3A_451 = tpu.memref_slice %arg9[%dma_start3A_443, %dma_start3A_450] : memref<32x32xi32, #tpu.memory_space<vmem>> -> memref<1x32xi32, #tpu.memory_space<vmem>>
    %dma_start3A_452 = tpu.memref_squeeze %dma_start3A_451 : memref<1x32xi32, #tpu.memory_space<vmem>> -> memref<32xi32, #tpu.memory_space<vmem>>
    %dma_start3A_453 = arith.constant 0 : i32
    %dma_start3A_454 = tpu.memref_slice %arg4[%squeeze3A_442, %dma_start3A_453] : memref<1000x32xi32, #tpu.memory_space<hbm>> -> memref<1x32xi32, #tpu.memory_space<hbm>>
    %dma_start3A_455 = tpu.memref_squeeze %dma_start3A_454 : memref<1x32xi32, #tpu.memory_space<hbm>> -> memref<32xi32, #tpu.memory_space<hbm>>
    tpu.enqueue_dma source(%dma_start3A_455 : memref<32xi32, #tpu.memory_space<hbm>>) target(%dma_start3A_452 : memref<32xi32, #tpu.memory_space<vmem>>) target_semaphore(%arg14 : memref<!tpu.dma_semaphore, #tpu.memory_space<semaphore_mem>>)
    %slice3A_456 = vector.extract_strided_slice %get3A_290 {offsets = [11], sizes = [1], strides = [1]} : vector<16xi32> to vector<1xi32>
    %squeeze3A_457 = vector.extract %slice3A_456[0] : i32 from vector<1xi32>
    %dma_start3A_458 = arith.constant 27 : i32
    %dma_start3A_459 = arith.constant 0 : i32
    %dma_start3A_460 = tpu.memref_slice %arg9[%dma_start3A_458, %dma_start3A_459] : memref<32x32xi32, #tpu.memory_space<vmem>> -> memref<1x32xi32, #tpu.memory_space<vmem>>
    %dma_start3A_461 = tpu.memref_squeeze %dma_start3A_460 : memref<1x32xi32, #tpu.memory_space<vmem>> -> memref<32xi32, #tpu.memory_space<vmem>>
    %dma_start3A_462 = arith.constant 0 : i32
    %dma_start3A_463 = tpu.memref_slice %arg4[%squeeze3A_457, %dma_start3A_462] : memref<1000x32xi32, #tpu.memory_space<hbm>> -> memref<1x32xi32, #tpu.memory_space<hbm>>
    %dma_start3A_464 = tpu.memref_squeeze %dma_start3A_463 : memref<1x32xi32, #tpu.memory_space<hbm>> -> memref<32xi32, #tpu.memory_space<hbm>>
    %dma_start3A_465 = arith.constant 0 : i32
    %dma_start3A_466 = tpu.memref_slice %arg9[%dma_start3A_458, %dma_start3A_465] : memref<32x32xi32, #tpu.memory_space<vmem>> -> memref<1x32xi32, #tpu.memory_space<vmem>>
    %dma_start3A_467 = tpu.memref_squeeze %dma_start3A_466 : memref<1x32xi32, #tpu.memory_space<vmem>> -> memref<32xi32, #tpu.memory_space<vmem>>
    %dma_start3A_468 = arith.constant 0 : i32
    %dma_start3A_469 = tpu.memref_slice %arg4[%squeeze3A_457, %dma_start3A_468] : memref<1000x32xi32, #tpu.memory_space<hbm>> -> memref<1x32xi32, #tpu.memory_space<hbm>>
    %dma_start3A_470 = tpu.memref_squeeze %dma_start3A_469 : memref<1x32xi32, #tpu.memory_space<hbm>> -> memref<32xi32, #tpu.memory_space<hbm>>
    tpu.enqueue_dma source(%dma_start3A_470 : memref<32xi32, #tpu.memory_space<hbm>>) target(%dma_start3A_467 : memref<32xi32, #tpu.memory_space<vmem>>) target_semaphore(%arg14 : memref<!tpu.dma_semaphore, #tpu.memory_space<semaphore_mem>>)
    %slice3A_471 = vector.extract_strided_slice %get3A_290 {offsets = [12], sizes = [1], strides = [1]} : vector<16xi32> to vector<1xi32>
    %squeeze3A_472 = vector.extract %slice3A_471[0] : i32 from vector<1xi32>
    %dma_start3A_473 = arith.constant 28 : i32
    %dma_start3A_474 = arith.constant 0 : i32
    %dma_start3A_475 = tpu.memref_slice %arg9[%dma_start3A_473, %dma_start3A_474] : memref<32x32xi32, #tpu.memory_space<vmem>> -> memref<1x32xi32, #tpu.memory_space<vmem>>
    %dma_start3A_476 = tpu.memref_squeeze %dma_start3A_475 : memref<1x32xi32, #tpu.memory_space<vmem>> -> memref<32xi32, #tpu.memory_space<vmem>>
    %dma_start3A_477 = arith.constant 0 : i32
    %dma_start3A_478 = tpu.memref_slice %arg4[%squeeze3A_472, %dma_start3A_477] : memref<1000x32xi32, #tpu.memory_space<hbm>> -> memref<1x32xi32, #tpu.memory_space<hbm>>
    %dma_start3A_479 = tpu.memref_squeeze %dma_start3A_478 : memref<1x32xi32, #tpu.memory_space<hbm>> -> memref<32xi32, #tpu.memory_space<hbm>>
    %dma_start3A_480 = arith.constant 0 : i32
    %dma_start3A_481 = tpu.memref_slice %arg9[%dma_start3A_473, %dma_start3A_480] : memref<32x32xi32, #tpu.memory_space<vmem>> -> memref<1x32xi32, #tpu.memory_space<vmem>>
    %dma_start3A_482 = tpu.memref_squeeze %dma_start3A_481 : memref<1x32xi32, #tpu.memory_space<vmem>> -> memref<32xi32, #tpu.memory_space<vmem>>
    %dma_start3A_483 = arith.constant 0 : i32
    %dma_start3A_484 = tpu.memref_slice %arg4[%squeeze3A_472, %dma_start3A_483] : memref<1000x32xi32, #tpu.memory_space<hbm>> -> memref<1x32xi32, #tpu.memory_space<hbm>>
    %dma_start3A_485 = tpu.memref_squeeze %dma_start3A_484 : memref<1x32xi32, #tpu.memory_space<hbm>> -> memref<32xi32, #tpu.memory_space<hbm>>
    tpu.enqueue_dma source(%dma_start3A_485 : memref<32xi32, #tpu.memory_space<hbm>>) target(%dma_start3A_482 : memref<32xi32, #tpu.memory_space<vmem>>) target_semaphore(%arg14 : memref<!tpu.dma_semaphore, #tpu.memory_space<semaphore_mem>>)
    %slice3A_486 = vector.extract_strided_slice %get3A_290 {offsets = [13], sizes = [1], strides = [1]} : vector<16xi32> to vector<1xi32>
    %squeeze3A_487 = vector.extract %slice3A_486[0] : i32 from vector<1xi32>
    %dma_start3A_488 = arith.constant 29 : i32
    %dma_start3A_489 = arith.constant 0 : i32
    %dma_start3A_490 = tpu.memref_slice %arg9[%dma_start3A_488, %dma_start3A_489] : memref<32x32xi32, #tpu.memory_space<vmem>> -> memref<1x32xi32, #tpu.memory_space<vmem>>
    %dma_start3A_491 = tpu.memref_squeeze %dma_start3A_490 : memref<1x32xi32, #tpu.memory_space<vmem>> -> memref<32xi32, #tpu.memory_space<vmem>>
    %dma_start3A_492 = arith.constant 0 : i32
    %dma_start3A_493 = tpu.memref_slice %arg4[%squeeze3A_487, %dma_start3A_492] : memref<1000x32xi32, #tpu.memory_space<hbm>> -> memref<1x32xi32, #tpu.memory_space<hbm>>
    %dma_start3A_494 = tpu.memref_squeeze %dma_start3A_493 : memref<1x32xi32, #tpu.memory_space<hbm>> -> memref<32xi32, #tpu.memory_space<hbm>>
    %dma_start3A_495 = arith.constant 0 : i32
    %dma_start3A_496 = tpu.memref_slice %arg9[%dma_start3A_488, %dma_start3A_495] : memref<32x32xi32, #tpu.memory_space<vmem>> -> memref<1x32xi32, #tpu.memory_space<vmem>>
    %dma_start3A_497 = tpu.memref_squeeze %dma_start3A_496 : memref<1x32xi32, #tpu.memory_space<vmem>> -> memref<32xi32, #tpu.memory_space<vmem>>
    %dma_start3A_498 = arith.constant 0 : i32
    %dma_start3A_499 = tpu.memref_slice %arg4[%squeeze3A_487, %dma_start3A_498] : memref<1000x32xi32, #tpu.memory_space<hbm>> -> memref<1x32xi32, #tpu.memory_space<hbm>>
    %dma_start3A_500 = tpu.memref_squeeze %dma_start3A_499 : memref<1x32xi32, #tpu.memory_space<hbm>> -> memref<32xi32, #tpu.memory_space<hbm>>
    tpu.enqueue_dma source(%dma_start3A_500 : memref<32xi32, #tpu.memory_space<hbm>>) target(%dma_start3A_497 : memref<32xi32, #tpu.memory_space<vmem>>) target_semaphore(%arg14 : memref<!tpu.dma_semaphore, #tpu.memory_space<semaphore_mem>>)
    %slice3A_501 = vector.extract_strided_slice %get3A_290 {offsets = [14], sizes = [1], strides = [1]} : vector<16xi32> to vector<1xi32>
    %squeeze3A_502 = vector.extract %slice3A_501[0] : i32 from vector<1xi32>
    %dma_start3A_503 = arith.constant 30 : i32
    %dma_start3A_504 = arith.constant 0 : i32
    %dma_start3A_505 = tpu.memref_slice %arg9[%dma_start3A_503, %dma_start3A_504] : memref<32x32xi32, #tpu.memory_space<vmem>> -> memref<1x32xi32, #tpu.memory_space<vmem>>
    %dma_start3A_506 = tpu.memref_squeeze %dma_start3A_505 : memref<1x32xi32, #tpu.memory_space<vmem>> -> memref<32xi32, #tpu.memory_space<vmem>>
    %dma_start3A_507 = arith.constant 0 : i32
    %dma_start3A_508 = tpu.memref_slice %arg4[%squeeze3A_502, %dma_start3A_507] : memref<1000x32xi32, #tpu.memory_space<hbm>> -> memref<1x32xi32, #tpu.memory_space<hbm>>
    %dma_start3A_509 = tpu.memref_squeeze %dma_start3A_508 : memref<1x32xi32, #tpu.memory_space<hbm>> -> memref<32xi32, #tpu.memory_space<hbm>>
    %dma_start3A_510 = arith.constant 0 : i32
    %dma_start3A_511 = tpu.memref_slice %arg9[%dma_start3A_503, %dma_start3A_510] : memref<32x32xi32, #tpu.memory_space<vmem>> -> memref<1x32xi32, #tpu.memory_space<vmem>>
    %dma_start3A_512 = tpu.memref_squeeze %dma_start3A_511 : memref<1x32xi32, #tpu.memory_space<vmem>> -> memref<32xi32, #tpu.memory_space<vmem>>
    %dma_start3A_513 = arith.constant 0 : i32
    %dma_start3A_514 = tpu.memref_slice %arg4[%squeeze3A_502, %dma_start3A_513] : memref<1000x32xi32, #tpu.memory_space<hbm>> -> memref<1x32xi32, #tpu.memory_space<hbm>>
    %dma_start3A_515 = tpu.memref_squeeze %dma_start3A_514 : memref<1x32xi32, #tpu.memory_space<hbm>> -> memref<32xi32, #tpu.memory_space<hbm>>
    tpu.enqueue_dma source(%dma_start3A_515 : memref<32xi32, #tpu.memory_space<hbm>>) target(%dma_start3A_512 : memref<32xi32, #tpu.memory_space<vmem>>) target_semaphore(%arg14 : memref<!tpu.dma_semaphore, #tpu.memory_space<semaphore_mem>>)
    %slice3A_516 = vector.extract_strided_slice %get3A_290 {offsets = [15], sizes = [1], strides = [1]} : vector<16xi32> to vector<1xi32>
    %squeeze3A_517 = vector.extract %slice3A_516[0] : i32 from vector<1xi32>
    %dma_start3A_518 = arith.constant 31 : i32
    %dma_start3A_519 = arith.constant 0 : i32
    %dma_start3A_520 = tpu.memref_slice %arg9[%dma_start3A_518, %dma_start3A_519] : memref<32x32xi32, #tpu.memory_space<vmem>> -> memref<1x32xi32, #tpu.memory_space<vmem>>
    %dma_start3A_521 = tpu.memref_squeeze %dma_start3A_520 : memref<1x32xi32, #tpu.memory_space<vmem>> -> memref<32xi32, #tpu.memory_space<vmem>>
    %dma_start3A_522 = arith.constant 0 : i32
    %dma_start3A_523 = tpu.memref_slice %arg4[%squeeze3A_517, %dma_start3A_522] : memref<1000x32xi32, #tpu.memory_space<hbm>> -> memref<1x32xi32, #tpu.memory_space<hbm>>
    %dma_start3A_524 = tpu.memref_squeeze %dma_start3A_523 : memref<1x32xi32, #tpu.memory_space<hbm>> -> memref<32xi32, #tpu.memory_space<hbm>>
    %dma_start3A_525 = arith.constant 0 : i32
    %dma_start3A_526 = tpu.memref_slice %arg9[%dma_start3A_518, %dma_start3A_525] : memref<32x32xi32, #tpu.memory_space<vmem>> -> memref<1x32xi32, #tpu.memory_space<vmem>>
    %dma_start3A_527 = tpu.memref_squeeze %dma_start3A_526 : memref<1x32xi32, #tpu.memory_space<vmem>> -> memref<32xi32, #tpu.memory_space<vmem>>
    %dma_start3A_528 = arith.constant 0 : i32
    %dma_start3A_529 = tpu.memref_slice %arg4[%squeeze3A_517, %dma_start3A_528] : memref<1000x32xi32, #tpu.memory_space<hbm>> -> memref<1x32xi32, #tpu.memory_space<hbm>>
    %dma_start3A_530 = tpu.memref_squeeze %dma_start3A_529 : memref<1x32xi32, #tpu.memory_space<hbm>> -> memref<32xi32, #tpu.memory_space<hbm>>
    tpu.enqueue_dma source(%dma_start3A_530 : memref<32xi32, #tpu.memory_space<hbm>>) target(%dma_start3A_527 : memref<32xi32, #tpu.memory_space<vmem>>) target_semaphore(%arg14 : memref<!tpu.dma_semaphore, #tpu.memory_space<semaphore_mem>>)
    %dma_wait3A = arith.constant 0 : i32
    %dma_wait3A_531 = tpu.memref_slice %arg7[%dma_wait3A] : memref<128xi32, #tpu.memory_space<vmem>> -> memref<8xi32, #tpu.memory_space<vmem>>
    %dma_wait3A_532 = arith.constant 0 : i32
    %dma_wait3A_533 = arith.constant 0 : i32
    %dma_wait3A_534 = tpu.memref_slice %arg2[%dma_wait3A_532, %mul3A_34, %dma_wait3A_533] : memref<1000x32x768xf32, #tpu.memory_space<hbm>> -> memref<1000x8x768xf32, #tpu.memory_space<hbm>>
    tpu.wait_indirect_dma semaphore(%arg12 : memref<!tpu.dma_semaphore, #tpu.memory_space<semaphore_mem>>) src(%dma_wait3A_534 : memref<1000x8x768xf32, #tpu.memory_space<hbm>>) dst(%arg10 : memref<8x8x768xf32, #tpu.memory_space<vmem>>)
    %add3A_535 = arith.constant 0 : i32
    %add3A_536 = arith.addi %mul3A_32, %add3A_535 : i32
    %mul3A_537 = arith.constant 8 : i32
    %mul3A_538 = arith.muli %select_n3A_30, %mul3A_537 : i32
    "tpu.region"() ({
      %run_scoped3A = tpu.sem_alloc : memref<!tpu.dma_semaphore, #tpu.memory_space<semaphore_mem>>
      %dma_start3A_1188 = arith.constant 0 : i32
      %dma_start3A_1189 = tpu.memref_slice %arg5[%add3A_536, %mul3A_538, %dma_start3A_1188] : memref<1024x32x768xf32, #tpu.memory_space<hbm>> -> memref<8x8x768xf32, #tpu.memory_space<hbm>>
      %dma_start3A_1190 = arith.constant 0 : i32
      %dma_start3A_1191 = tpu.memref_slice %arg5[%add3A_536, %mul3A_538, %dma_start3A_1190] : memref<1024x32x768xf32, #tpu.memory_space<hbm>> -> memref<8x8x768xf32, #tpu.memory_space<hbm>>
      tpu.enqueue_dma source(%arg10 : memref<8x8x768xf32, #tpu.memory_space<vmem>>) target(%dma_start3A_1191 : memref<8x8x768xf32, #tpu.memory_space<hbm>>) target_semaphore(%run_scoped3A : memref<!tpu.dma_semaphore, #tpu.memory_space<semaphore_mem>>)
      %dma_wait3A_1192 = arith.constant 0 : i32
      %dma_wait3A_1193 = tpu.memref_slice %arg5[%add3A_536, %mul3A_538, %dma_wait3A_1192] : memref<1024x32x768xf32, #tpu.memory_space<hbm>> -> memref<8x8x768xf32, #tpu.memory_space<hbm>>
      %dma_wait3A_1194 = arith.constant 0 : i32
      %dma_wait3A_1195 = tpu.memref_slice %arg5[%add3A_536, %mul3A_538, %dma_wait3A_1194] : memref<1024x32x768xf32, #tpu.memory_space<hbm>> -> memref<8x8x768xf32, #tpu.memory_space<hbm>>
      tpu.wait_dma2 semaphore(%run_scoped3A : memref<!tpu.dma_semaphore, #tpu.memory_space<semaphore_mem>>) src(%arg10 : memref<8x8x768xf32, #tpu.memory_space<vmem>>) dst(%dma_wait3A_1195 : memref<8x8x768xf32, #tpu.memory_space<hbm>>)
      tpu.yield
    }) : () -> ()
    %mul3A_539 = arith.constant 8 : i32
    %mul3A_540 = arith.muli %select_n3A_30, %mul3A_539 : i32
    %dma_start3A_541 = arith.constant 16 : i32
    %dma_start3A_542 = tpu.memref_slice %arg7[%dma_start3A_541] : memref<128xi32, #tpu.memory_space<vmem>> -> memref<8xi32, #tpu.memory_space<vmem>>
    %dma_start3A_543 = arith.constant 0 : i32
    %dma_start3A_544 = arith.constant 0 : i32
    %dma_start3A_545 = tpu.memref_slice %arg2[%dma_start3A_543, %mul3A_540, %dma_start3A_544] : memref<1000x32x768xf32, #tpu.memory_space<hbm>> -> memref<1000x8x768xf32, #tpu.memory_space<hbm>>
    tpu.enqueue_indirect_dma source(%dma_start3A_545 : memref<1000x8x768xf32, #tpu.memory_space<hbm>>) target(%arg10 : memref<8x8x768xf32, #tpu.memory_space<vmem>>) offsets(%dma_start3A_542 : memref<8xi32, #tpu.memory_space<vmem>>) semaphore(%arg12 : memref<!tpu.dma_semaphore, #tpu.memory_space<semaphore_mem>>)
    %dma_wait3A_546 = arith.constant 8 : i32
    %dma_wait3A_547 = tpu.memref_slice %arg7[%dma_wait3A_546] : memref<128xi32, #tpu.memory_space<vmem>> -> memref<8xi32, #tpu.memory_space<vmem>>
    %dma_wait3A_548 = arith.constant 0 : i32
    %dma_wait3A_549 = arith.constant 0 : i32
    %dma_wait3A_550 = tpu.memref_slice %arg2[%dma_wait3A_548, %mul3A_40, %dma_wait3A_549] : memref<1000x32x768xf32, #tpu.memory_space<hbm>> -> memref<1000x8x768xf32, #tpu.memory_space<hbm>>
    tpu.wait_indirect_dma semaphore(%arg13 : memref<!tpu.dma_semaphore, #tpu.memory_space<semaphore_mem>>) src(%dma_wait3A_550 : memref<1000x8x768xf32, #tpu.memory_space<hbm>>) dst(%arg11 : memref<8x8x768xf32, #tpu.memory_space<vmem>>)
    %add3A_551 = arith.constant 8 : i32
    %add3A_552 = arith.addi %mul3A_32, %add3A_551 : i32
    %mul3A_553 = arith.constant 8 : i32
    %mul3A_554 = arith.muli %select_n3A_30, %mul3A_553 : i32
    "tpu.region"() ({
      %run_scoped3A = tpu.sem_alloc : memref<!tpu.dma_semaphore, #tpu.memory_space<semaphore_mem>>
      %dma_start3A_1188 = arith.constant 0 : i32
      %dma_start3A_1189 = tpu.memref_slice %arg5[%add3A_552, %mul3A_554, %dma_start3A_1188] : memref<1024x32x768xf32, #tpu.memory_space<hbm>> -> memref<8x8x768xf32, #tpu.memory_space<hbm>>
      %dma_start3A_1190 = arith.constant 0 : i32
      %dma_start3A_1191 = tpu.memref_slice %arg5[%add3A_552, %mul3A_554, %dma_start3A_1190] : memref<1024x32x768xf32, #tpu.memory_space<hbm>> -> memref<8x8x768xf32, #tpu.memory_space<hbm>>
      tpu.enqueue_dma source(%arg11 : memref<8x8x768xf32, #tpu.memory_space<vmem>>) target(%dma_start3A_1191 : memref<8x8x768xf32, #tpu.memory_space<hbm>>) target_semaphore(%run_scoped3A : memref<!tpu.dma_semaphore, #tpu.memory_space<semaphore_mem>>)
      %dma_wait3A_1192 = arith.constant 0 : i32
      %dma_wait3A_1193 = tpu.memref_slice %arg5[%add3A_552, %mul3A_554, %dma_wait3A_1192] : memref<1024x32x768xf32, #tpu.memory_space<hbm>> -> memref<8x8x768xf32, #tpu.memory_space<hbm>>
      %dma_wait3A_1194 = arith.constant 0 : i32
      %dma_wait3A_1195 = tpu.memref_slice %arg5[%add3A_552, %mul3A_554, %dma_wait3A_1194] : memref<1024x32x768xf32, #tpu.memory_space<hbm>> -> memref<8x8x768xf32, #tpu.memory_space<hbm>>
      tpu.wait_dma2 semaphore(%run_scoped3A : memref<!tpu.dma_semaphore, #tpu.memory_space<semaphore_mem>>) src(%arg11 : memref<8x8x768xf32, #tpu.memory_space<vmem>>) dst(%dma_wait3A_1195 : memref<8x8x768xf32, #tpu.memory_space<hbm>>)
      tpu.yield
    }) : () -> ()
    %mul3A_555 = arith.constant 8 : i32
    %mul3A_556 = arith.muli %select_n3A_30, %mul3A_555 : i32
    %dma_start3A_557 = arith.constant 24 : i32
    %dma_start3A_558 = tpu.memref_slice %arg7[%dma_start3A_557] : memref<128xi32, #tpu.memory_space<vmem>> -> memref<8xi32, #tpu.memory_space<vmem>>
    %dma_start3A_559 = arith.constant 0 : i32
    %dma_start3A_560 = arith.constant 0 : i32
    %dma_start3A_561 = tpu.memref_slice %arg2[%dma_start3A_559, %mul3A_556, %dma_start3A_560] : memref<1000x32x768xf32, #tpu.memory_space<hbm>> -> memref<1000x8x768xf32, #tpu.memory_space<hbm>>
    tpu.enqueue_indirect_dma source(%dma_start3A_561 : memref<1000x8x768xf32, #tpu.memory_space<hbm>>) target(%arg11 : memref<8x8x768xf32, #tpu.memory_space<vmem>>) offsets(%dma_start3A_558 : memref<8xi32, #tpu.memory_space<vmem>>) semaphore(%arg13 : memref<!tpu.dma_semaphore, #tpu.memory_space<semaphore_mem>>)
    %dma_wait3A_562 = arith.constant 16 : i32
    %dma_wait3A_563 = tpu.memref_slice %arg7[%dma_wait3A_562] : memref<128xi32, #tpu.memory_space<vmem>> -> memref<8xi32, #tpu.memory_space<vmem>>
    %dma_wait3A_564 = arith.constant 0 : i32
    %dma_wait3A_565 = arith.constant 0 : i32
    %dma_wait3A_566 = tpu.memref_slice %arg2[%dma_wait3A_564, %mul3A_540, %dma_wait3A_565] : memref<1000x32x768xf32, #tpu.memory_space<hbm>> -> memref<1000x8x768xf32, #tpu.memory_space<hbm>>
    tpu.wait_indirect_dma semaphore(%arg12 : memref<!tpu.dma_semaphore, #tpu.memory_space<semaphore_mem>>) src(%dma_wait3A_566 : memref<1000x8x768xf32, #tpu.memory_space<hbm>>) dst(%arg10 : memref<8x8x768xf32, #tpu.memory_space<vmem>>)
    %add3A_567 = arith.constant 16 : i32
    %add3A_568 = arith.addi %mul3A_32, %add3A_567 : i32
    %mul3A_569 = arith.constant 8 : i32
    %mul3A_570 = arith.muli %select_n3A_30, %mul3A_569 : i32
    "tpu.region"() ({
      %run_scoped3A = tpu.sem_alloc : memref<!tpu.dma_semaphore, #tpu.memory_space<semaphore_mem>>
      %dma_start3A_1188 = arith.constant 0 : i32
      %dma_start3A_1189 = tpu.memref_slice %arg5[%add3A_568, %mul3A_570, %dma_start3A_1188] : memref<1024x32x768xf32, #tpu.memory_space<hbm>> -> memref<8x8x768xf32, #tpu.memory_space<hbm>>
      %dma_start3A_1190 = arith.constant 0 : i32
      %dma_start3A_1191 = tpu.memref_slice %arg5[%add3A_568, %mul3A_570, %dma_start3A_1190] : memref<1024x32x768xf32, #tpu.memory_space<hbm>> -> memref<8x8x768xf32, #tpu.memory_space<hbm>>
      tpu.enqueue_dma source(%arg10 : memref<8x8x768xf32, #tpu.memory_space<vmem>>) target(%dma_start3A_1191 : memref<8x8x768xf32, #tpu.memory_space<hbm>>) target_semaphore(%run_scoped3A : memref<!tpu.dma_semaphore, #tpu.memory_space<semaphore_mem>>)
      %dma_wait3A_1192 = arith.constant 0 : i32
      %dma_wait3A_1193 = tpu.memref_slice %arg5[%add3A_568, %mul3A_570, %dma_wait3A_1192] : memref<1024x32x768xf32, #tpu.memory_space<hbm>> -> memref<8x8x768xf32, #tpu.memory_space<hbm>>
      %dma_wait3A_1194 = arith.constant 0 : i32
      %dma_wait3A_1195 = tpu.memref_slice %arg5[%add3A_568, %mul3A_570, %dma_wait3A_1194] : memref<1024x32x768xf32, #tpu.memory_space<hbm>> -> memref<8x8x768xf32, #tpu.memory_space<hbm>>
      tpu.wait_dma2 semaphore(%run_scoped3A : memref<!tpu.dma_semaphore, #tpu.memory_space<semaphore_mem>>) src(%arg10 : memref<8x8x768xf32, #tpu.memory_space<vmem>>) dst(%dma_wait3A_1195 : memref<8x8x768xf32, #tpu.memory_space<hbm>>)
      tpu.yield
    }) : () -> ()
    %mul3A_571 = arith.constant 8 : i32
    %mul3A_572 = arith.muli %select_n3A_30, %mul3A_571 : i32
    %dma_start3A_573 = arith.constant 32 : i32
    %dma_start3A_574 = tpu.memref_slice %arg7[%dma_start3A_573] : memref<128xi32, #tpu.memory_space<vmem>> -> memref<8xi32, #tpu.memory_space<vmem>>
    %dma_start3A_575 = arith.constant 0 : i32
    %dma_start3A_576 = arith.constant 0 : i32
    %dma_start3A_577 = tpu.memref_slice %arg2[%dma_start3A_575, %mul3A_572, %dma_start3A_576] : memref<1000x32x768xf32, #tpu.memory_space<hbm>> -> memref<1000x8x768xf32, #tpu.memory_space<hbm>>
    tpu.enqueue_indirect_dma source(%dma_start3A_577 : memref<1000x8x768xf32, #tpu.memory_space<hbm>>) target(%arg10 : memref<8x8x768xf32, #tpu.memory_space<vmem>>) offsets(%dma_start3A_574 : memref<8xi32, #tpu.memory_space<vmem>>) semaphore(%arg12 : memref<!tpu.dma_semaphore, #tpu.memory_space<semaphore_mem>>)
    %dma_wait3A_578 = arith.constant 24 : i32
    %dma_wait3A_579 = tpu.memref_slice %arg7[%dma_wait3A_578] : memref<128xi32, #tpu.memory_space<vmem>> -> memref<8xi32, #tpu.memory_space<vmem>>
    %dma_wait3A_580 = arith.constant 0 : i32
    %dma_wait3A_581 = arith.constant 0 : i32
    %dma_wait3A_582 = tpu.memref_slice %arg2[%dma_wait3A_580, %mul3A_556, %dma_wait3A_581] : memref<1000x32x768xf32, #tpu.memory_space<hbm>> -> memref<1000x8x768xf32, #tpu.memory_space<hbm>>
    tpu.wait_indirect_dma semaphore(%arg13 : memref<!tpu.dma_semaphore, #tpu.memory_space<semaphore_mem>>) src(%dma_wait3A_582 : memref<1000x8x768xf32, #tpu.memory_space<hbm>>) dst(%arg11 : memref<8x8x768xf32, #tpu.memory_space<vmem>>)
    %add3A_583 = arith.constant 24 : i32
    %add3A_584 = arith.addi %mul3A_32, %add3A_583 : i32
    %mul3A_585 = arith.constant 8 : i32
    %mul3A_586 = arith.muli %select_n3A_30, %mul3A_585 : i32
    "tpu.region"() ({
      %run_scoped3A = tpu.sem_alloc : memref<!tpu.dma_semaphore, #tpu.memory_space<semaphore_mem>>
      %dma_start3A_1188 = arith.constant 0 : i32
      %dma_start3A_1189 = tpu.memref_slice %arg5[%add3A_584, %mul3A_586, %dma_start3A_1188] : memref<1024x32x768xf32, #tpu.memory_space<hbm>> -> memref<8x8x768xf32, #tpu.memory_space<hbm>>
      %dma_start3A_1190 = arith.constant 0 : i32
      %dma_start3A_1191 = tpu.memref_slice %arg5[%add3A_584, %mul3A_586, %dma_start3A_1190] : memref<1024x32x768xf32, #tpu.memory_space<hbm>> -> memref<8x8x768xf32, #tpu.memory_space<hbm>>
      tpu.enqueue_dma source(%arg11 : memref<8x8x768xf32, #tpu.memory_space<vmem>>) target(%dma_start3A_1191 : memref<8x8x768xf32, #tpu.memory_space<hbm>>) target_semaphore(%run_scoped3A : memref<!tpu.dma_semaphore, #tpu.memory_space<semaphore_mem>>)
      %dma_wait3A_1192 = arith.constant 0 : i32
      %dma_wait3A_1193 = tpu.memref_slice %arg5[%add3A_584, %mul3A_586, %dma_wait3A_1192] : memref<1024x32x768xf32, #tpu.memory_space<hbm>> -> memref<8x8x768xf32, #tpu.memory_space<hbm>>
      %dma_wait3A_1194 = arith.constant 0 : i32
      %dma_wait3A_1195 = tpu.memref_slice %arg5[%add3A_584, %mul3A_586, %dma_wait3A_1194] : memref<1024x32x768xf32, #tpu.memory_space<hbm>> -> memref<8x8x768xf32, #tpu.memory_space<hbm>>
      tpu.wait_dma2 semaphore(%run_scoped3A : memref<!tpu.dma_semaphore, #tpu.memory_space<semaphore_mem>>) src(%arg11 : memref<8x8x768xf32, #tpu.memory_space<vmem>>) dst(%dma_wait3A_1195 : memref<8x8x768xf32, #tpu.memory_space<hbm>>)
      tpu.yield
    }) : () -> ()
    %mul3A_587 = arith.constant 8 : i32
    %mul3A_588 = arith.muli %select_n3A_30, %mul3A_587 : i32
    %dma_start3A_589 = arith.constant 40 : i32
    %dma_start3A_590 = tpu.memref_slice %arg7[%dma_start3A_589] : memref<128xi32, #tpu.memory_space<vmem>> -> memref<8xi32, #tpu.memory_space<vmem>>
    %dma_start3A_591 = arith.constant 0 : i32
    %dma_start3A_592 = arith.constant 0 : i32
    %dma_start3A_593 = tpu.memref_slice %arg2[%dma_start3A_591, %mul3A_588, %dma_start3A_592] : memref<1000x32x768xf32, #tpu.memory_space<hbm>> -> memref<1000x8x768xf32, #tpu.memory_space<hbm>>
    tpu.enqueue_indirect_dma source(%dma_start3A_593 : memref<1000x8x768xf32, #tpu.memory_space<hbm>>) target(%arg11 : memref<8x8x768xf32, #tpu.memory_space<vmem>>) offsets(%dma_start3A_590 : memref<8xi32, #tpu.memory_space<vmem>>) semaphore(%arg13 : memref<!tpu.dma_semaphore, #tpu.memory_space<semaphore_mem>>)
    %dma_wait3A_594 = arith.constant 32 : i32
    %dma_wait3A_595 = tpu.memref_slice %arg7[%dma_wait3A_594] : memref<128xi32, #tpu.memory_space<vmem>> -> memref<8xi32, #tpu.memory_space<vmem>>
    %dma_wait3A_596 = arith.constant 0 : i32
    %dma_wait3A_597 = arith.constant 0 : i32
    %dma_wait3A_598 = tpu.memref_slice %arg2[%dma_wait3A_596, %mul3A_572, %dma_wait3A_597] : memref<1000x32x768xf32, #tpu.memory_space<hbm>> -> memref<1000x8x768xf32, #tpu.memory_space<hbm>>
    tpu.wait_indirect_dma semaphore(%arg12 : memref<!tpu.dma_semaphore, #tpu.memory_space<semaphore_mem>>) src(%dma_wait3A_598 : memref<1000x8x768xf32, #tpu.memory_space<hbm>>) dst(%arg10 : memref<8x8x768xf32, #tpu.memory_space<vmem>>)
    %add3A_599 = arith.constant 32 : i32
    %add3A_600 = arith.addi %mul3A_32, %add3A_599 : i32
    %mul3A_601 = arith.constant 8 : i32
    %mul3A_602 = arith.muli %select_n3A_30, %mul3A_601 : i32
    "tpu.region"() ({
      %run_scoped3A = tpu.sem_alloc : memref<!tpu.dma_semaphore, #tpu.memory_space<semaphore_mem>>
      %dma_start3A_1188 = arith.constant 0 : i32
      %dma_start3A_1189 = tpu.memref_slice %arg5[%add3A_600, %mul3A_602, %dma_start3A_1188] : memref<1024x32x768xf32, #tpu.memory_space<hbm>> -> memref<8x8x768xf32, #tpu.memory_space<hbm>>
      %dma_start3A_1190 = arith.constant 0 : i32
      %dma_start3A_1191 = tpu.memref_slice %arg5[%add3A_600, %mul3A_602, %dma_start3A_1190] : memref<1024x32x768xf32, #tpu.memory_space<hbm>> -> memref<8x8x768xf32, #tpu.memory_space<hbm>>
      tpu.enqueue_dma source(%arg10 : memref<8x8x768xf32, #tpu.memory_space<vmem>>) target(%dma_start3A_1191 : memref<8x8x768xf32, #tpu.memory_space<hbm>>) target_semaphore(%run_scoped3A : memref<!tpu.dma_semaphore, #tpu.memory_space<semaphore_mem>>)
      %dma_wait3A_1192 = arith.constant 0 : i32
      %dma_wait3A_1193 = tpu.memref_slice %arg5[%add3A_600, %mul3A_602, %dma_wait3A_1192] : memref<1024x32x768xf32, #tpu.memory_space<hbm>> -> memref<8x8x768xf32, #tpu.memory_space<hbm>>
      %dma_wait3A_1194 = arith.constant 0 : i32
      %dma_wait3A_1195 = tpu.memref_slice %arg5[%add3A_600, %mul3A_602, %dma_wait3A_1194] : memref<1024x32x768xf32, #tpu.memory_space<hbm>> -> memref<8x8x768xf32, #tpu.memory_space<hbm>>
      tpu.wait_dma2 semaphore(%run_scoped3A : memref<!tpu.dma_semaphore, #tpu.memory_space<semaphore_mem>>) src(%arg10 : memref<8x8x768xf32, #tpu.memory_space<vmem>>) dst(%dma_wait3A_1195 : memref<8x8x768xf32, #tpu.memory_space<hbm>>)
      tpu.yield
    }) : () -> ()
    %mul3A_603 = arith.constant 8 : i32
    %mul3A_604 = arith.muli %select_n3A_30, %mul3A_603 : i32
    %dma_start3A_605 = arith.constant 48 : i32
    %dma_start3A_606 = tpu.memref_slice %arg7[%dma_start3A_605] : memref<128xi32, #tpu.memory_space<vmem>> -> memref<8xi32, #tpu.memory_space<vmem>>
    %dma_start3A_607 = arith.constant 0 : i32
    %dma_start3A_608 = arith.constant 0 : i32
    %dma_start3A_609 = tpu.memref_slice %arg2[%dma_start3A_607, %mul3A_604, %dma_start3A_608] : memref<1000x32x768xf32, #tpu.memory_space<hbm>> -> memref<1000x8x768xf32, #tpu.memory_space<hbm>>
    tpu.enqueue_indirect_dma source(%dma_start3A_609 : memref<1000x8x768xf32, #tpu.memory_space<hbm>>) target(%arg10 : memref<8x8x768xf32, #tpu.memory_space<vmem>>) offsets(%dma_start3A_606 : memref<8xi32, #tpu.memory_space<vmem>>) semaphore(%arg12 : memref<!tpu.dma_semaphore, #tpu.memory_space<semaphore_mem>>)
    %dma_wait3A_610 = arith.constant 40 : i32
    %dma_wait3A_611 = tpu.memref_slice %arg7[%dma_wait3A_610] : memref<128xi32, #tpu.memory_space<vmem>> -> memref<8xi32, #tpu.memory_space<vmem>>
    %dma_wait3A_612 = arith.constant 0 : i32
    %dma_wait3A_613 = arith.constant 0 : i32
    %dma_wait3A_614 = tpu.memref_slice %arg2[%dma_wait3A_612, %mul3A_588, %dma_wait3A_613] : memref<1000x32x768xf32, #tpu.memory_space<hbm>> -> memref<1000x8x768xf32, #tpu.memory_space<hbm>>
    tpu.wait_indirect_dma semaphore(%arg13 : memref<!tpu.dma_semaphore, #tpu.memory_space<semaphore_mem>>) src(%dma_wait3A_614 : memref<1000x8x768xf32, #tpu.memory_space<hbm>>) dst(%arg11 : memref<8x8x768xf32, #tpu.memory_space<vmem>>)
    %add3A_615 = arith.constant 40 : i32
    %add3A_616 = arith.addi %mul3A_32, %add3A_615 : i32
    %mul3A_617 = arith.constant 8 : i32
    %mul3A_618 = arith.muli %select_n3A_30, %mul3A_617 : i32
    "tpu.region"() ({
      %run_scoped3A = tpu.sem_alloc : memref<!tpu.dma_semaphore, #tpu.memory_space<semaphore_mem>>
      %dma_start3A_1188 = arith.constant 0 : i32
      %dma_start3A_1189 = tpu.memref_slice %arg5[%add3A_616, %mul3A_618, %dma_start3A_1188] : memref<1024x32x768xf32, #tpu.memory_space<hbm>> -> memref<8x8x768xf32, #tpu.memory_space<hbm>>
      %dma_start3A_1190 = arith.constant 0 : i32
      %dma_start3A_1191 = tpu.memref_slice %arg5[%add3A_616, %mul3A_618, %dma_start3A_1190] : memref<1024x32x768xf32, #tpu.memory_space<hbm>> -> memref<8x8x768xf32, #tpu.memory_space<hbm>>
      tpu.enqueue_dma source(%arg11 : memref<8x8x768xf32, #tpu.memory_space<vmem>>) target(%dma_start3A_1191 : memref<8x8x768xf32, #tpu.memory_space<hbm>>) target_semaphore(%run_scoped3A : memref<!tpu.dma_semaphore, #tpu.memory_space<semaphore_mem>>)
      %dma_wait3A_1192 = arith.constant 0 : i32
      %dma_wait3A_1193 = tpu.memref_slice %arg5[%add3A_616, %mul3A_618, %dma_wait3A_1192] : memref<1024x32x768xf32, #tpu.memory_space<hbm>> -> memref<8x8x768xf32, #tpu.memory_space<hbm>>
      %dma_wait3A_1194 = arith.constant 0 : i32
      %dma_wait3A_1195 = tpu.memref_slice %arg5[%add3A_616, %mul3A_618, %dma_wait3A_1194] : memref<1024x32x768xf32, #tpu.memory_space<hbm>> -> memref<8x8x768xf32, #tpu.memory_space<hbm>>
      tpu.wait_dma2 semaphore(%run_scoped3A : memref<!tpu.dma_semaphore, #tpu.memory_space<semaphore_mem>>) src(%arg11 : memref<8x8x768xf32, #tpu.memory_space<vmem>>) dst(%dma_wait3A_1195 : memref<8x8x768xf32, #tpu.memory_space<hbm>>)
      tpu.yield
    }) : () -> ()
    %mul3A_619 = arith.constant 8 : i32
    %mul3A_620 = arith.muli %select_n3A_30, %mul3A_619 : i32
    %dma_start3A_621 = arith.constant 56 : i32
    %dma_start3A_622 = tpu.memref_slice %arg7[%dma_start3A_621] : memref<128xi32, #tpu.memory_space<vmem>> -> memref<8xi32, #tpu.memory_space<vmem>>
    %dma_start3A_623 = arith.constant 0 : i32
    %dma_start3A_624 = arith.constant 0 : i32
    %dma_start3A_625 = tpu.memref_slice %arg2[%dma_start3A_623, %mul3A_620, %dma_start3A_624] : memref<1000x32x768xf32, #tpu.memory_space<hbm>> -> memref<1000x8x768xf32, #tpu.memory_space<hbm>>
    tpu.enqueue_indirect_dma source(%dma_start3A_625 : memref<1000x8x768xf32, #tpu.memory_space<hbm>>) target(%arg11 : memref<8x8x768xf32, #tpu.memory_space<vmem>>) offsets(%dma_start3A_622 : memref<8xi32, #tpu.memory_space<vmem>>) semaphore(%arg13 : memref<!tpu.dma_semaphore, #tpu.memory_space<semaphore_mem>>)
    %dma_wait3A_626 = arith.constant 48 : i32
    %dma_wait3A_627 = tpu.memref_slice %arg7[%dma_wait3A_626] : memref<128xi32, #tpu.memory_space<vmem>> -> memref<8xi32, #tpu.memory_space<vmem>>
    %dma_wait3A_628 = arith.constant 0 : i32
    %dma_wait3A_629 = arith.constant 0 : i32
    %dma_wait3A_630 = tpu.memref_slice %arg2[%dma_wait3A_628, %mul3A_604, %dma_wait3A_629] : memref<1000x32x768xf32, #tpu.memory_space<hbm>> -> memref<1000x8x768xf32, #tpu.memory_space<hbm>>
    tpu.wait_indirect_dma semaphore(%arg12 : memref<!tpu.dma_semaphore, #tpu.memory_space<semaphore_mem>>) src(%dma_wait3A_630 : memref<1000x8x768xf32, #tpu.memory_space<hbm>>) dst(%arg10 : memref<8x8x768xf32, #tpu.memory_space<vmem>>)
    %add3A_631 = arith.constant 48 : i32
    %add3A_632 = arith.addi %mul3A_32, %add3A_631 : i32
    %mul3A_633 = arith.constant 8 : i32
    %mul3A_634 = arith.muli %select_n3A_30, %mul3A_633 : i32
    "tpu.region"() ({
      %run_scoped3A = tpu.sem_alloc : memref<!tpu.dma_semaphore, #tpu.memory_space<semaphore_mem>>
      %dma_start3A_1188 = arith.constant 0 : i32
      %dma_start3A_1189 = tpu.memref_slice %arg5[%add3A_632, %mul3A_634, %dma_start3A_1188] : memref<1024x32x768xf32, #tpu.memory_space<hbm>> -> memref<8x8x768xf32, #tpu.memory_space<hbm>>
      %dma_start3A_1190 = arith.constant 0 : i32
      %dma_start3A_1191 = tpu.memref_slice %arg5[%add3A_632, %mul3A_634, %dma_start3A_1190] : memref<1024x32x768xf32, #tpu.memory_space<hbm>> -> memref<8x8x768xf32, #tpu.memory_space<hbm>>
      tpu.enqueue_dma source(%arg10 : memref<8x8x768xf32, #tpu.memory_space<vmem>>) target(%dma_start3A_1191 : memref<8x8x768xf32, #tpu.memory_space<hbm>>) target_semaphore(%run_scoped3A : memref<!tpu.dma_semaphore, #tpu.memory_space<semaphore_mem>>)
      %dma_wait3A_1192 = arith.constant 0 : i32
      %dma_wait3A_1193 = tpu.memref_slice %arg5[%add3A_632, %mul3A_634, %dma_wait3A_1192] : memref<1024x32x768xf32, #tpu.memory_space<hbm>> -> memref<8x8x768xf32, #tpu.memory_space<hbm>>
      %dma_wait3A_1194 = arith.constant 0 : i32
      %dma_wait3A_1195 = tpu.memref_slice %arg5[%add3A_632, %mul3A_634, %dma_wait3A_1194] : memref<1024x32x768xf32, #tpu.memory_space<hbm>> -> memref<8x8x768xf32, #tpu.memory_space<hbm>>
      tpu.wait_dma2 semaphore(%run_scoped3A : memref<!tpu.dma_semaphore, #tpu.memory_space<semaphore_mem>>) src(%arg10 : memref<8x8x768xf32, #tpu.memory_space<vmem>>) dst(%dma_wait3A_1195 : memref<8x8x768xf32, #tpu.memory_space<hbm>>)
      tpu.yield
    }) : () -> ()
    %mul3A_635 = arith.constant 8 : i32
    %mul3A_636 = arith.muli %select_n3A_30, %mul3A_635 : i32
    %dma_start3A_637 = arith.constant 64 : i32
    %dma_start3A_638 = tpu.memref_slice %arg7[%dma_start3A_637] : memref<128xi32, #tpu.memory_space<vmem>> -> memref<8xi32, #tpu.memory_space<vmem>>
    %dma_start3A_639 = arith.constant 0 : i32
    %dma_start3A_640 = arith.constant 0 : i32
    %dma_start3A_641 = tpu.memref_slice %arg2[%dma_start3A_639, %mul3A_636, %dma_start3A_640] : memref<1000x32x768xf32, #tpu.memory_space<hbm>> -> memref<1000x8x768xf32, #tpu.memory_space<hbm>>
    tpu.enqueue_indirect_dma source(%dma_start3A_641 : memref<1000x8x768xf32, #tpu.memory_space<hbm>>) target(%arg10 : memref<8x8x768xf32, #tpu.memory_space<vmem>>) offsets(%dma_start3A_638 : memref<8xi32, #tpu.memory_space<vmem>>) semaphore(%arg12 : memref<!tpu.dma_semaphore, #tpu.memory_space<semaphore_mem>>)
    %dma_wait3A_642 = arith.constant 56 : i32
    %dma_wait3A_643 = tpu.memref_slice %arg7[%dma_wait3A_642] : memref<128xi32, #tpu.memory_space<vmem>> -> memref<8xi32, #tpu.memory_space<vmem>>
    %dma_wait3A_644 = arith.constant 0 : i32
    %dma_wait3A_645 = arith.constant 0 : i32
    %dma_wait3A_646 = tpu.memref_slice %arg2[%dma_wait3A_644, %mul3A_620, %dma_wait3A_645] : memref<1000x32x768xf32, #tpu.memory_space<hbm>> -> memref<1000x8x768xf32, #tpu.memory_space<hbm>>
    tpu.wait_indirect_dma semaphore(%arg13 : memref<!tpu.dma_semaphore, #tpu.memory_space<semaphore_mem>>) src(%dma_wait3A_646 : memref<1000x8x768xf32, #tpu.memory_space<hbm>>) dst(%arg11 : memref<8x8x768xf32, #tpu.memory_space<vmem>>)
    %add3A_647 = arith.constant 56 : i32
    %add3A_648 = arith.addi %mul3A_32, %add3A_647 : i32
    %mul3A_649 = arith.constant 8 : i32
    %mul3A_650 = arith.muli %select_n3A_30, %mul3A_649 : i32
    "tpu.region"() ({
      %run_scoped3A = tpu.sem_alloc : memref<!tpu.dma_semaphore, #tpu.memory_space<semaphore_mem>>
      %dma_start3A_1188 = arith.constant 0 : i32
      %dma_start3A_1189 = tpu.memref_slice %arg5[%add3A_648, %mul3A_650, %dma_start3A_1188] : memref<1024x32x768xf32, #tpu.memory_space<hbm>> -> memref<8x8x768xf32, #tpu.memory_space<hbm>>
      %dma_start3A_1190 = arith.constant 0 : i32
      %dma_start3A_1191 = tpu.memref_slice %arg5[%add3A_648, %mul3A_650, %dma_start3A_1190] : memref<1024x32x768xf32, #tpu.memory_space<hbm>> -> memref<8x8x768xf32, #tpu.memory_space<hbm>>
      tpu.enqueue_dma source(%arg11 : memref<8x8x768xf32, #tpu.memory_space<vmem>>) target(%dma_start3A_1191 : memref<8x8x768xf32, #tpu.memory_space<hbm>>) target_semaphore(%run_scoped3A : memref<!tpu.dma_semaphore, #tpu.memory_space<semaphore_mem>>)
      %dma_wait3A_1192 = arith.constant 0 : i32
      %dma_wait3A_1193 = tpu.memref_slice %arg5[%add3A_648, %mul3A_650, %dma_wait3A_1192] : memref<1024x32x768xf32, #tpu.memory_space<hbm>> -> memref<8x8x768xf32, #tpu.memory_space<hbm>>
      %dma_wait3A_1194 = arith.constant 0 : i32
      %dma_wait3A_1195 = tpu.memref_slice %arg5[%add3A_648, %mul3A_650, %dma_wait3A_1194] : memref<1024x32x768xf32, #tpu.memory_space<hbm>> -> memref<8x8x768xf32, #tpu.memory_space<hbm>>
      tpu.wait_dma2 semaphore(%run_scoped3A : memref<!tpu.dma_semaphore, #tpu.memory_space<semaphore_mem>>) src(%arg11 : memref<8x8x768xf32, #tpu.memory_space<vmem>>) dst(%dma_wait3A_1195 : memref<8x8x768xf32, #tpu.memory_space<hbm>>)
      tpu.yield
    }) : () -> ()
    %mul3A_651 = arith.constant 8 : i32
    %mul3A_652 = arith.muli %select_n3A_30, %mul3A_651 : i32
    %dma_start3A_653 = arith.constant 72 : i32
    %dma_start3A_654 = tpu.memref_slice %arg7[%dma_start3A_653] : memref<128xi32, #tpu.memory_space<vmem>> -> memref<8xi32, #tpu.memory_space<vmem>>
    %dma_start3A_655 = arith.constant 0 : i32
    %dma_start3A_656 = arith.constant 0 : i32
    %dma_start3A_657 = tpu.memref_slice %arg2[%dma_start3A_655, %mul3A_652, %dma_start3A_656] : memref<1000x32x768xf32, #tpu.memory_space<hbm>> -> memref<1000x8x768xf32, #tpu.memory_space<hbm>>
    tpu.enqueue_indirect_dma source(%dma_start3A_657 : memref<1000x8x768xf32, #tpu.memory_space<hbm>>) target(%arg11 : memref<8x8x768xf32, #tpu.memory_space<vmem>>) offsets(%dma_start3A_654 : memref<8xi32, #tpu.memory_space<vmem>>) semaphore(%arg13 : memref<!tpu.dma_semaphore, #tpu.memory_space<semaphore_mem>>)
    %dma_wait3A_658 = arith.constant 64 : i32
    %dma_wait3A_659 = tpu.memref_slice %arg7[%dma_wait3A_658] : memref<128xi32, #tpu.memory_space<vmem>> -> memref<8xi32, #tpu.memory_space<vmem>>
    %dma_wait3A_660 = arith.constant 0 : i32
    %dma_wait3A_661 = arith.constant 0 : i32
    %dma_wait3A_662 = tpu.memref_slice %arg2[%dma_wait3A_660, %mul3A_636, %dma_wait3A_661] : memref<1000x32x768xf32, #tpu.memory_space<hbm>> -> memref<1000x8x768xf32, #tpu.memory_space<hbm>>
    tpu.wait_indirect_dma semaphore(%arg12 : memref<!tpu.dma_semaphore, #tpu.memory_space<semaphore_mem>>) src(%dma_wait3A_662 : memref<1000x8x768xf32, #tpu.memory_space<hbm>>) dst(%arg10 : memref<8x8x768xf32, #tpu.memory_space<vmem>>)
    %add3A_663 = arith.constant 64 : i32
    %add3A_664 = arith.addi %mul3A_32, %add3A_663 : i32
    %mul3A_665 = arith.constant 8 : i32
    %mul3A_666 = arith.muli %select_n3A_30, %mul3A_665 : i32
    "tpu.region"() ({
      %run_scoped3A = tpu.sem_alloc : memref<!tpu.dma_semaphore, #tpu.memory_space<semaphore_mem>>
      %dma_start3A_1188 = arith.constant 0 : i32
      %dma_start3A_1189 = tpu.memref_slice %arg5[%add3A_664, %mul3A_666, %dma_start3A_1188] : memref<1024x32x768xf32, #tpu.memory_space<hbm>> -> memref<8x8x768xf32, #tpu.memory_space<hbm>>
      %dma_start3A_1190 = arith.constant 0 : i32
      %dma_start3A_1191 = tpu.memref_slice %arg5[%add3A_664, %mul3A_666, %dma_start3A_1190] : memref<1024x32x768xf32, #tpu.memory_space<hbm>> -> memref<8x8x768xf32, #tpu.memory_space<hbm>>
      tpu.enqueue_dma source(%arg10 : memref<8x8x768xf32, #tpu.memory_space<vmem>>) target(%dma_start3A_1191 : memref<8x8x768xf32, #tpu.memory_space<hbm>>) target_semaphore(%run_scoped3A : memref<!tpu.dma_semaphore, #tpu.memory_space<semaphore_mem>>)
      %dma_wait3A_1192 = arith.constant 0 : i32
      %dma_wait3A_1193 = tpu.memref_slice %arg5[%add3A_664, %mul3A_666, %dma_wait3A_1192] : memref<1024x32x768xf32, #tpu.memory_space<hbm>> -> memref<8x8x768xf32, #tpu.memory_space<hbm>>
      %dma_wait3A_1194 = arith.constant 0 : i32
      %dma_wait3A_1195 = tpu.memref_slice %arg5[%add3A_664, %mul3A_666, %dma_wait3A_1194] : memref<1024x32x768xf32, #tpu.memory_space<hbm>> -> memref<8x8x768xf32, #tpu.memory_space<hbm>>
      tpu.wait_dma2 semaphore(%run_scoped3A : memref<!tpu.dma_semaphore, #tpu.memory_space<semaphore_mem>>) src(%arg10 : memref<8x8x768xf32, #tpu.memory_space<vmem>>) dst(%dma_wait3A_1195 : memref<8x8x768xf32, #tpu.memory_space<hbm>>)
      tpu.yield
    }) : () -> ()
    %mul3A_667 = arith.constant 8 : i32
    %mul3A_668 = arith.muli %select_n3A_30, %mul3A_667 : i32
    %dma_start3A_669 = arith.constant 80 : i32
    %dma_start3A_670 = tpu.memref_slice %arg7[%dma_start3A_669] : memref<128xi32, #tpu.memory_space<vmem>> -> memref<8xi32, #tpu.memory_space<vmem>>
    %dma_start3A_671 = arith.constant 0 : i32
    %dma_start3A_672 = arith.constant 0 : i32
    %dma_start3A_673 = tpu.memref_slice %arg2[%dma_start3A_671, %mul3A_668, %dma_start3A_672] : memref<1000x32x768xf32, #tpu.memory_space<hbm>> -> memref<1000x8x768xf32, #tpu.memory_space<hbm>>
    tpu.enqueue_indirect_dma source(%dma_start3A_673 : memref<1000x8x768xf32, #tpu.memory_space<hbm>>) target(%arg10 : memref<8x8x768xf32, #tpu.memory_space<vmem>>) offsets(%dma_start3A_670 : memref<8xi32, #tpu.memory_space<vmem>>) semaphore(%arg12 : memref<!tpu.dma_semaphore, #tpu.memory_space<semaphore_mem>>)
    %dma_wait3A_674 = arith.constant 72 : i32
    %dma_wait3A_675 = tpu.memref_slice %arg7[%dma_wait3A_674] : memref<128xi32, #tpu.memory_space<vmem>> -> memref<8xi32, #tpu.memory_space<vmem>>
    %dma_wait3A_676 = arith.constant 0 : i32
    %dma_wait3A_677 = arith.constant 0 : i32
    %dma_wait3A_678 = tpu.memref_slice %arg2[%dma_wait3A_676, %mul3A_652, %dma_wait3A_677] : memref<1000x32x768xf32, #tpu.memory_space<hbm>> -> memref<1000x8x768xf32, #tpu.memory_space<hbm>>
    tpu.wait_indirect_dma semaphore(%arg13 : memref<!tpu.dma_semaphore, #tpu.memory_space<semaphore_mem>>) src(%dma_wait3A_678 : memref<1000x8x768xf32, #tpu.memory_space<hbm>>) dst(%arg11 : memref<8x8x768xf32, #tpu.memory_space<vmem>>)
    %add3A_679 = arith.constant 72 : i32
    %add3A_680 = arith.addi %mul3A_32, %add3A_679 : i32
    %mul3A_681 = arith.constant 8 : i32
    %mul3A_682 = arith.muli %select_n3A_30, %mul3A_681 : i32
    "tpu.region"() ({
      %run_scoped3A = tpu.sem_alloc : memref<!tpu.dma_semaphore, #tpu.memory_space<semaphore_mem>>
      %dma_start3A_1188 = arith.constant 0 : i32
      %dma_start3A_1189 = tpu.memref_slice %arg5[%add3A_680, %mul3A_682, %dma_start3A_1188] : memref<1024x32x768xf32, #tpu.memory_space<hbm>> -> memref<8x8x768xf32, #tpu.memory_space<hbm>>
      %dma_start3A_1190 = arith.constant 0 : i32
      %dma_start3A_1191 = tpu.memref_slice %arg5[%add3A_680, %mul3A_682, %dma_start3A_1190] : memref<1024x32x768xf32, #tpu.memory_space<hbm>> -> memref<8x8x768xf32, #tpu.memory_space<hbm>>
      tpu.enqueue_dma source(%arg11 : memref<8x8x768xf32, #tpu.memory_space<vmem>>) target(%dma_start3A_1191 : memref<8x8x768xf32, #tpu.memory_space<hbm>>) target_semaphore(%run_scoped3A : memref<!tpu.dma_semaphore, #tpu.memory_space<semaphore_mem>>)
      %dma_wait3A_1192 = arith.constant 0 : i32
      %dma_wait3A_1193 = tpu.memref_slice %arg5[%add3A_680, %mul3A_682, %dma_wait3A_1192] : memref<1024x32x768xf32, #tpu.memory_space<hbm>> -> memref<8x8x768xf32, #tpu.memory_space<hbm>>
      %dma_wait3A_1194 = arith.constant 0 : i32
      %dma_wait3A_1195 = tpu.memref_slice %arg5[%add3A_680, %mul3A_682, %dma_wait3A_1194] : memref<1024x32x768xf32, #tpu.memory_space<hbm>> -> memref<8x8x768xf32, #tpu.memory_space<hbm>>
      tpu.wait_dma2 semaphore(%run_scoped3A : memref<!tpu.dma_semaphore, #tpu.memory_space<semaphore_mem>>) src(%arg11 : memref<8x8x768xf32, #tpu.memory_space<vmem>>) dst(%dma_wait3A_1195 : memref<8x8x768xf32, #tpu.memory_space<hbm>>)
      tpu.yield
    }) : () -> ()
    %mul3A_683 = arith.constant 8 : i32
    %mul3A_684 = arith.muli %select_n3A_30, %mul3A_683 : i32
    %dma_start3A_685 = arith.constant 88 : i32
    %dma_start3A_686 = tpu.memref_slice %arg7[%dma_start3A_685] : memref<128xi32, #tpu.memory_space<vmem>> -> memref<8xi32, #tpu.memory_space<vmem>>
    %dma_start3A_687 = arith.constant 0 : i32
    %dma_start3A_688 = arith.constant 0 : i32
    %dma_start3A_689 = tpu.memref_slice %arg2[%dma_start3A_687, %mul3A_684, %dma_start3A_688] : memref<1000x32x768xf32, #tpu.memory_space<hbm>> -> memref<1000x8x768xf32, #tpu.memory_space<hbm>>
    tpu.enqueue_indirect_dma source(%dma_start3A_689 : memref<1000x8x768xf32, #tpu.memory_space<hbm>>) target(%arg11 : memref<8x8x768xf32, #tpu.memory_space<vmem>>) offsets(%dma_start3A_686 : memref<8xi32, #tpu.memory_space<vmem>>) semaphore(%arg13 : memref<!tpu.dma_semaphore, #tpu.memory_space<semaphore_mem>>)
    %dma_wait3A_690 = arith.constant 80 : i32
    %dma_wait3A_691 = tpu.memref_slice %arg7[%dma_wait3A_690] : memref<128xi32, #tpu.memory_space<vmem>> -> memref<8xi32, #tpu.memory_space<vmem>>
    %dma_wait3A_692 = arith.constant 0 : i32
    %dma_wait3A_693 = arith.constant 0 : i32
    %dma_wait3A_694 = tpu.memref_slice %arg2[%dma_wait3A_692, %mul3A_668, %dma_wait3A_693] : memref<1000x32x768xf32, #tpu.memory_space<hbm>> -> memref<1000x8x768xf32, #tpu.memory_space<hbm>>
    tpu.wait_indirect_dma semaphore(%arg12 : memref<!tpu.dma_semaphore, #tpu.memory_space<semaphore_mem>>) src(%dma_wait3A_694 : memref<1000x8x768xf32, #tpu.memory_space<hbm>>) dst(%arg10 : memref<8x8x768xf32, #tpu.memory_space<vmem>>)
    %add3A_695 = arith.constant 80 : i32
    %add3A_696 = arith.addi %mul3A_32, %add3A_695 : i32
    %mul3A_697 = arith.constant 8 : i32
    %mul3A_698 = arith.muli %select_n3A_30, %mul3A_697 : i32
    "tpu.region"() ({
      %run_scoped3A = tpu.sem_alloc : memref<!tpu.dma_semaphore, #tpu.memory_space<semaphore_mem>>
      %dma_start3A_1188 = arith.constant 0 : i32
      %dma_start3A_1189 = tpu.memref_slice %arg5[%add3A_696, %mul3A_698, %dma_start3A_1188] : memref<1024x32x768xf32, #tpu.memory_space<hbm>> -> memref<8x8x768xf32, #tpu.memory_space<hbm>>
      %dma_start3A_1190 = arith.constant 0 : i32
      %dma_start3A_1191 = tpu.memref_slice %arg5[%add3A_696, %mul3A_698, %dma_start3A_1190] : memref<1024x32x768xf32, #tpu.memory_space<hbm>> -> memref<8x8x768xf32, #tpu.memory_space<hbm>>
      tpu.enqueue_dma source(%arg10 : memref<8x8x768xf32, #tpu.memory_space<vmem>>) target(%dma_start3A_1191 : memref<8x8x768xf32, #tpu.memory_space<hbm>>) target_semaphore(%run_scoped3A : memref<!tpu.dma_semaphore, #tpu.memory_space<semaphore_mem>>)
      %dma_wait3A_1192 = arith.constant 0 : i32
      %dma_wait3A_1193 = tpu.memref_slice %arg5[%add3A_696, %mul3A_698, %dma_wait3A_1192] : memref<1024x32x768xf32, #tpu.memory_space<hbm>> -> memref<8x8x768xf32, #tpu.memory_space<hbm>>
      %dma_wait3A_1194 = arith.constant 0 : i32
      %dma_wait3A_1195 = tpu.memref_slice %arg5[%add3A_696, %mul3A_698, %dma_wait3A_1194] : memref<1024x32x768xf32, #tpu.memory_space<hbm>> -> memref<8x8x768xf32, #tpu.memory_space<hbm>>
      tpu.wait_dma2 semaphore(%run_scoped3A : memref<!tpu.dma_semaphore, #tpu.memory_space<semaphore_mem>>) src(%arg10 : memref<8x8x768xf32, #tpu.memory_space<vmem>>) dst(%dma_wait3A_1195 : memref<8x8x768xf32, #tpu.memory_space<hbm>>)
      tpu.yield
    }) : () -> ()
    %mul3A_699 = arith.constant 8 : i32
    %mul3A_700 = arith.muli %select_n3A_30, %mul3A_699 : i32
    %dma_start3A_701 = arith.constant 96 : i32
    %dma_start3A_702 = tpu.memref_slice %arg7[%dma_start3A_701] : memref<128xi32, #tpu.memory_space<vmem>> -> memref<8xi32, #tpu.memory_space<vmem>>
    %dma_start3A_703 = arith.constant 0 : i32
    %dma_start3A_704 = arith.constant 0 : i32
    %dma_start3A_705 = tpu.memref_slice %arg2[%dma_start3A_703, %mul3A_700, %dma_start3A_704] : memref<1000x32x768xf32, #tpu.memory_space<hbm>> -> memref<1000x8x768xf32, #tpu.memory_space<hbm>>
    tpu.enqueue_indirect_dma source(%dma_start3A_705 : memref<1000x8x768xf32, #tpu.memory_space<hbm>>) target(%arg10 : memref<8x8x768xf32, #tpu.memory_space<vmem>>) offsets(%dma_start3A_702 : memref<8xi32, #tpu.memory_space<vmem>>) semaphore(%arg12 : memref<!tpu.dma_semaphore, #tpu.memory_space<semaphore_mem>>)
    %dma_wait3A_706 = arith.constant 88 : i32
    %dma_wait3A_707 = tpu.memref_slice %arg7[%dma_wait3A_706] : memref<128xi32, #tpu.memory_space<vmem>> -> memref<8xi32, #tpu.memory_space<vmem>>
    %dma_wait3A_708 = arith.constant 0 : i32
    %dma_wait3A_709 = arith.constant 0 : i32
    %dma_wait3A_710 = tpu.memref_slice %arg2[%dma_wait3A_708, %mul3A_684, %dma_wait3A_709] : memref<1000x32x768xf32, #tpu.memory_space<hbm>> -> memref<1000x8x768xf32, #tpu.memory_space<hbm>>
    tpu.wait_indirect_dma semaphore(%arg13 : memref<!tpu.dma_semaphore, #tpu.memory_space<semaphore_mem>>) src(%dma_wait3A_710 : memref<1000x8x768xf32, #tpu.memory_space<hbm>>) dst(%arg11 : memref<8x8x768xf32, #tpu.memory_space<vmem>>)
    %add3A_711 = arith.constant 88 : i32
    %add3A_712 = arith.addi %mul3A_32, %add3A_711 : i32
    %mul3A_713 = arith.constant 8 : i32
    %mul3A_714 = arith.muli %select_n3A_30, %mul3A_713 : i32
    "tpu.region"() ({
      %run_scoped3A = tpu.sem_alloc : memref<!tpu.dma_semaphore, #tpu.memory_space<semaphore_mem>>
      %dma_start3A_1188 = arith.constant 0 : i32
      %dma_start3A_1189 = tpu.memref_slice %arg5[%add3A_712, %mul3A_714, %dma_start3A_1188] : memref<1024x32x768xf32, #tpu.memory_space<hbm>> -> memref<8x8x768xf32, #tpu.memory_space<hbm>>
      %dma_start3A_1190 = arith.constant 0 : i32
      %dma_start3A_1191 = tpu.memref_slice %arg5[%add3A_712, %mul3A_714, %dma_start3A_1190] : memref<1024x32x768xf32, #tpu.memory_space<hbm>> -> memref<8x8x768xf32, #tpu.memory_space<hbm>>
      tpu.enqueue_dma source(%arg11 : memref<8x8x768xf32, #tpu.memory_space<vmem>>) target(%dma_start3A_1191 : memref<8x8x768xf32, #tpu.memory_space<hbm>>) target_semaphore(%run_scoped3A : memref<!tpu.dma_semaphore, #tpu.memory_space<semaphore_mem>>)
      %dma_wait3A_1192 = arith.constant 0 : i32
      %dma_wait3A_1193 = tpu.memref_slice %arg5[%add3A_712, %mul3A_714, %dma_wait3A_1192] : memref<1024x32x768xf32, #tpu.memory_space<hbm>> -> memref<8x8x768xf32, #tpu.memory_space<hbm>>
      %dma_wait3A_1194 = arith.constant 0 : i32
      %dma_wait3A_1195 = tpu.memref_slice %arg5[%add3A_712, %mul3A_714, %dma_wait3A_1194] : memref<1024x32x768xf32, #tpu.memory_space<hbm>> -> memref<8x8x768xf32, #tpu.memory_space<hbm>>
      tpu.wait_dma2 semaphore(%run_scoped3A : memref<!tpu.dma_semaphore, #tpu.memory_space<semaphore_mem>>) src(%arg11 : memref<8x8x768xf32, #tpu.memory_space<vmem>>) dst(%dma_wait3A_1195 : memref<8x8x768xf32, #tpu.memory_space<hbm>>)
      tpu.yield
    }) : () -> ()
    %mul3A_715 = arith.constant 8 : i32
    %mul3A_716 = arith.muli %select_n3A_30, %mul3A_715 : i32
    %dma_start3A_717 = arith.constant 104 : i32
    %dma_start3A_718 = tpu.memref_slice %arg7[%dma_start3A_717] : memref<128xi32, #tpu.memory_space<vmem>> -> memref<8xi32, #tpu.memory_space<vmem>>
    %dma_start3A_719 = arith.constant 0 : i32
    %dma_start3A_720 = arith.constant 0 : i32
    %dma_start3A_721 = tpu.memref_slice %arg2[%dma_start3A_719, %mul3A_716, %dma_start3A_720] : memref<1000x32x768xf32, #tpu.memory_space<hbm>> -> memref<1000x8x768xf32, #tpu.memory_space<hbm>>
    tpu.enqueue_indirect_dma source(%dma_start3A_721 : memref<1000x8x768xf32, #tpu.memory_space<hbm>>) target(%arg11 : memref<8x8x768xf32, #tpu.memory_space<vmem>>) offsets(%dma_start3A_718 : memref<8xi32, #tpu.memory_space<vmem>>) semaphore(%arg13 : memref<!tpu.dma_semaphore, #tpu.memory_space<semaphore_mem>>)
    %dma_wait3A_722 = arith.constant 96 : i32
    %dma_wait3A_723 = tpu.memref_slice %arg7[%dma_wait3A_722] : memref<128xi32, #tpu.memory_space<vmem>> -> memref<8xi32, #tpu.memory_space<vmem>>
    %dma_wait3A_724 = arith.constant 0 : i32
    %dma_wait3A_725 = arith.constant 0 : i32
    %dma_wait3A_726 = tpu.memref_slice %arg2[%dma_wait3A_724, %mul3A_700, %dma_wait3A_725] : memref<1000x32x768xf32, #tpu.memory_space<hbm>> -> memref<1000x8x768xf32, #tpu.memory_space<hbm>>
    tpu.wait_indirect_dma semaphore(%arg12 : memref<!tpu.dma_semaphore, #tpu.memory_space<semaphore_mem>>) src(%dma_wait3A_726 : memref<1000x8x768xf32, #tpu.memory_space<hbm>>) dst(%arg10 : memref<8x8x768xf32, #tpu.memory_space<vmem>>)
    %add3A_727 = arith.constant 96 : i32
    %add3A_728 = arith.addi %mul3A_32, %add3A_727 : i32
    %mul3A_729 = arith.constant 8 : i32
    %mul3A_730 = arith.muli %select_n3A_30, %mul3A_729 : i32
    "tpu.region"() ({
      %run_scoped3A = tpu.sem_alloc : memref<!tpu.dma_semaphore, #tpu.memory_space<semaphore_mem>>
      %dma_start3A_1188 = arith.constant 0 : i32
      %dma_start3A_1189 = tpu.memref_slice %arg5[%add3A_728, %mul3A_730, %dma_start3A_1188] : memref<1024x32x768xf32, #tpu.memory_space<hbm>> -> memref<8x8x768xf32, #tpu.memory_space<hbm>>
      %dma_start3A_1190 = arith.constant 0 : i32
      %dma_start3A_1191 = tpu.memref_slice %arg5[%add3A_728, %mul3A_730, %dma_start3A_1190] : memref<1024x32x768xf32, #tpu.memory_space<hbm>> -> memref<8x8x768xf32, #tpu.memory_space<hbm>>
      tpu.enqueue_dma source(%arg10 : memref<8x8x768xf32, #tpu.memory_space<vmem>>) target(%dma_start3A_1191 : memref<8x8x768xf32, #tpu.memory_space<hbm>>) target_semaphore(%run_scoped3A : memref<!tpu.dma_semaphore, #tpu.memory_space<semaphore_mem>>)
      %dma_wait3A_1192 = arith.constant 0 : i32
      %dma_wait3A_1193 = tpu.memref_slice %arg5[%add3A_728, %mul3A_730, %dma_wait3A_1192] : memref<1024x32x768xf32, #tpu.memory_space<hbm>> -> memref<8x8x768xf32, #tpu.memory_space<hbm>>
      %dma_wait3A_1194 = arith.constant 0 : i32
      %dma_wait3A_1195 = tpu.memref_slice %arg5[%add3A_728, %mul3A_730, %dma_wait3A_1194] : memref<1024x32x768xf32, #tpu.memory_space<hbm>> -> memref<8x8x768xf32, #tpu.memory_space<hbm>>
      tpu.wait_dma2 semaphore(%run_scoped3A : memref<!tpu.dma_semaphore, #tpu.memory_space<semaphore_mem>>) src(%arg10 : memref<8x8x768xf32, #tpu.memory_space<vmem>>) dst(%dma_wait3A_1195 : memref<8x8x768xf32, #tpu.memory_space<hbm>>)
      tpu.yield
    }) : () -> ()
    %mul3A_731 = arith.constant 8 : i32
    %mul3A_732 = arith.muli %select_n3A_30, %mul3A_731 : i32
    %dma_start3A_733 = arith.constant 112 : i32
    %dma_start3A_734 = tpu.memref_slice %arg7[%dma_start3A_733] : memref<128xi32, #tpu.memory_space<vmem>> -> memref<8xi32, #tpu.memory_space<vmem>>
    %dma_start3A_735 = arith.constant 0 : i32
    %dma_start3A_736 = arith.constant 0 : i32
    %dma_start3A_737 = tpu.memref_slice %arg2[%dma_start3A_735, %mul3A_732, %dma_start3A_736] : memref<1000x32x768xf32, #tpu.memory_space<hbm>> -> memref<1000x8x768xf32, #tpu.memory_space<hbm>>
    tpu.enqueue_indirect_dma source(%dma_start3A_737 : memref<1000x8x768xf32, #tpu.memory_space<hbm>>) target(%arg10 : memref<8x8x768xf32, #tpu.memory_space<vmem>>) offsets(%dma_start3A_734 : memref<8xi32, #tpu.memory_space<vmem>>) semaphore(%arg12 : memref<!tpu.dma_semaphore, #tpu.memory_space<semaphore_mem>>)
    %dma_wait3A_738 = arith.constant 104 : i32
    %dma_wait3A_739 = tpu.memref_slice %arg7[%dma_wait3A_738] : memref<128xi32, #tpu.memory_space<vmem>> -> memref<8xi32, #tpu.memory_space<vmem>>
    %dma_wait3A_740 = arith.constant 0 : i32
    %dma_wait3A_741 = arith.constant 0 : i32
    %dma_wait3A_742 = tpu.memref_slice %arg2[%dma_wait3A_740, %mul3A_716, %dma_wait3A_741] : memref<1000x32x768xf32, #tpu.memory_space<hbm>> -> memref<1000x8x768xf32, #tpu.memory_space<hbm>>
    tpu.wait_indirect_dma semaphore(%arg13 : memref<!tpu.dma_semaphore, #tpu.memory_space<semaphore_mem>>) src(%dma_wait3A_742 : memref<1000x8x768xf32, #tpu.memory_space<hbm>>) dst(%arg11 : memref<8x8x768xf32, #tpu.memory_space<vmem>>)
    %add3A_743 = arith.constant 104 : i32
    %add3A_744 = arith.addi %mul3A_32, %add3A_743 : i32
    %mul3A_745 = arith.constant 8 : i32
    %mul3A_746 = arith.muli %select_n3A_30, %mul3A_745 : i32
    "tpu.region"() ({
      %run_scoped3A = tpu.sem_alloc : memref<!tpu.dma_semaphore, #tpu.memory_space<semaphore_mem>>
      %dma_start3A_1188 = arith.constant 0 : i32
      %dma_start3A_1189 = tpu.memref_slice %arg5[%add3A_744, %mul3A_746, %dma_start3A_1188] : memref<1024x32x768xf32, #tpu.memory_space<hbm>> -> memref<8x8x768xf32, #tpu.memory_space<hbm>>
      %dma_start3A_1190 = arith.constant 0 : i32
      %dma_start3A_1191 = tpu.memref_slice %arg5[%add3A_744, %mul3A_746, %dma_start3A_1190] : memref<1024x32x768xf32, #tpu.memory_space<hbm>> -> memref<8x8x768xf32, #tpu.memory_space<hbm>>
      tpu.enqueue_dma source(%arg11 : memref<8x8x768xf32, #tpu.memory_space<vmem>>) target(%dma_start3A_1191 : memref<8x8x768xf32, #tpu.memory_space<hbm>>) target_semaphore(%run_scoped3A : memref<!tpu.dma_semaphore, #tpu.memory_space<semaphore_mem>>)
      %dma_wait3A_1192 = arith.constant 0 : i32
      %dma_wait3A_1193 = tpu.memref_slice %arg5[%add3A_744, %mul3A_746, %dma_wait3A_1192] : memref<1024x32x768xf32, #tpu.memory_space<hbm>> -> memref<8x8x768xf32, #tpu.memory_space<hbm>>
      %dma_wait3A_1194 = arith.constant 0 : i32
      %dma_wait3A_1195 = tpu.memref_slice %arg5[%add3A_744, %mul3A_746, %dma_wait3A_1194] : memref<1024x32x768xf32, #tpu.memory_space<hbm>> -> memref<8x8x768xf32, #tpu.memory_space<hbm>>
      tpu.wait_dma2 semaphore(%run_scoped3A : memref<!tpu.dma_semaphore, #tpu.memory_space<semaphore_mem>>) src(%arg11 : memref<8x8x768xf32, #tpu.memory_space<vmem>>) dst(%dma_wait3A_1195 : memref<8x8x768xf32, #tpu.memory_space<hbm>>)
      tpu.yield
    }) : () -> ()
    %mul3A_747 = arith.constant 8 : i32
    %mul3A_748 = arith.muli %select_n3A_30, %mul3A_747 : i32
    %dma_start3A_749 = arith.constant 120 : i32
    %dma_start3A_750 = tpu.memref_slice %arg7[%dma_start3A_749] : memref<128xi32, #tpu.memory_space<vmem>> -> memref<8xi32, #tpu.memory_space<vmem>>
    %dma_start3A_751 = arith.constant 0 : i32
    %dma_start3A_752 = arith.constant 0 : i32
    %dma_start3A_753 = tpu.memref_slice %arg2[%dma_start3A_751, %mul3A_748, %dma_start3A_752] : memref<1000x32x768xf32, #tpu.memory_space<hbm>> -> memref<1000x8x768xf32, #tpu.memory_space<hbm>>
    tpu.enqueue_indirect_dma source(%dma_start3A_753 : memref<1000x8x768xf32, #tpu.memory_space<hbm>>) target(%arg11 : memref<8x8x768xf32, #tpu.memory_space<vmem>>) offsets(%dma_start3A_750 : memref<8xi32, #tpu.memory_space<vmem>>) semaphore(%arg13 : memref<!tpu.dma_semaphore, #tpu.memory_space<semaphore_mem>>)
    %dma_wait3A_754 = arith.constant 112 : i32
    %dma_wait3A_755 = tpu.memref_slice %arg7[%dma_wait3A_754] : memref<128xi32, #tpu.memory_space<vmem>> -> memref<8xi32, #tpu.memory_space<vmem>>
    %dma_wait3A_756 = arith.constant 0 : i32
    %dma_wait3A_757 = arith.constant 0 : i32
    %dma_wait3A_758 = tpu.memref_slice %arg2[%dma_wait3A_756, %mul3A_732, %dma_wait3A_757] : memref<1000x32x768xf32, #tpu.memory_space<hbm>> -> memref<1000x8x768xf32, #tpu.memory_space<hbm>>
    tpu.wait_indirect_dma semaphore(%arg12 : memref<!tpu.dma_semaphore, #tpu.memory_space<semaphore_mem>>) src(%dma_wait3A_758 : memref<1000x8x768xf32, #tpu.memory_space<hbm>>) dst(%arg10 : memref<8x8x768xf32, #tpu.memory_space<vmem>>)
    %add3A_759 = arith.constant 112 : i32
    %add3A_760 = arith.addi %mul3A_32, %add3A_759 : i32
    %mul3A_761 = arith.constant 8 : i32
    %mul3A_762 = arith.muli %select_n3A_30, %mul3A_761 : i32
    "tpu.region"() ({
      %run_scoped3A = tpu.sem_alloc : memref<!tpu.dma_semaphore, #tpu.memory_space<semaphore_mem>>
      %dma_start3A_1188 = arith.constant 0 : i32
      %dma_start3A_1189 = tpu.memref_slice %arg5[%add3A_760, %mul3A_762, %dma_start3A_1188] : memref<1024x32x768xf32, #tpu.memory_space<hbm>> -> memref<8x8x768xf32, #tpu.memory_space<hbm>>
      %dma_start3A_1190 = arith.constant 0 : i32
      %dma_start3A_1191 = tpu.memref_slice %arg5[%add3A_760, %mul3A_762, %dma_start3A_1190] : memref<1024x32x768xf32, #tpu.memory_space<hbm>> -> memref<8x8x768xf32, #tpu.memory_space<hbm>>
      tpu.enqueue_dma source(%arg10 : memref<8x8x768xf32, #tpu.memory_space<vmem>>) target(%dma_start3A_1191 : memref<8x8x768xf32, #tpu.memory_space<hbm>>) target_semaphore(%run_scoped3A : memref<!tpu.dma_semaphore, #tpu.memory_space<semaphore_mem>>)
      %dma_wait3A_1192 = arith.constant 0 : i32
      %dma_wait3A_1193 = tpu.memref_slice %arg5[%add3A_760, %mul3A_762, %dma_wait3A_1192] : memref<1024x32x768xf32, #tpu.memory_space<hbm>> -> memref<8x8x768xf32, #tpu.memory_space<hbm>>
      %dma_wait3A_1194 = arith.constant 0 : i32
      %dma_wait3A_1195 = tpu.memref_slice %arg5[%add3A_760, %mul3A_762, %dma_wait3A_1194] : memref<1024x32x768xf32, #tpu.memory_space<hbm>> -> memref<8x8x768xf32, #tpu.memory_space<hbm>>
      tpu.wait_dma2 semaphore(%run_scoped3A : memref<!tpu.dma_semaphore, #tpu.memory_space<semaphore_mem>>) src(%arg10 : memref<8x8x768xf32, #tpu.memory_space<vmem>>) dst(%dma_wait3A_1195 : memref<8x8x768xf32, #tpu.memory_space<hbm>>)
      tpu.yield
    }) : () -> ()
    %dma_wait3A_763 = arith.constant 120 : i32
    %dma_wait3A_764 = tpu.memref_slice %arg7[%dma_wait3A_763] : memref<128xi32, #tpu.memory_space<vmem>> -> memref<8xi32, #tpu.memory_space<vmem>>
    %dma_wait3A_765 = arith.constant 0 : i32
    %dma_wait3A_766 = arith.constant 0 : i32
    %dma_wait3A_767 = tpu.memref_slice %arg2[%dma_wait3A_765, %mul3A_748, %dma_wait3A_766] : memref<1000x32x768xf32, #tpu.memory_space<hbm>> -> memref<1000x8x768xf32, #tpu.memory_space<hbm>>
    tpu.wait_indirect_dma semaphore(%arg13 : memref<!tpu.dma_semaphore, #tpu.memory_space<semaphore_mem>>) src(%dma_wait3A_767 : memref<1000x8x768xf32, #tpu.memory_space<hbm>>) dst(%arg11 : memref<8x8x768xf32, #tpu.memory_space<vmem>>)
    %add3A_768 = arith.constant 120 : i32
    %add3A_769 = arith.addi %mul3A_32, %add3A_768 : i32
    %mul3A_770 = arith.constant 8 : i32
    %mul3A_771 = arith.muli %select_n3A_30, %mul3A_770 : i32
    "tpu.region"() ({
      %run_scoped3A = tpu.sem_alloc : memref<!tpu.dma_semaphore, #tpu.memory_space<semaphore_mem>>
      %dma_start3A_1188 = arith.constant 0 : i32
      %dma_start3A_1189 = tpu.memref_slice %arg5[%add3A_769, %mul3A_771, %dma_start3A_1188] : memref<1024x32x768xf32, #tpu.memory_space<hbm>> -> memref<8x8x768xf32, #tpu.memory_space<hbm>>
      %dma_start3A_1190 = arith.constant 0 : i32
      %dma_start3A_1191 = tpu.memref_slice %arg5[%add3A_769, %mul3A_771, %dma_start3A_1190] : memref<1024x32x768xf32, #tpu.memory_space<hbm>> -> memref<8x8x768xf32, #tpu.memory_space<hbm>>
      tpu.enqueue_dma source(%arg11 : memref<8x8x768xf32, #tpu.memory_space<vmem>>) target(%dma_start3A_1191 : memref<8x8x768xf32, #tpu.memory_space<hbm>>) target_semaphore(%run_scoped3A : memref<!tpu.dma_semaphore, #tpu.memory_space<semaphore_mem>>)
      %dma_wait3A_1192 = arith.constant 0 : i32
      %dma_wait3A_1193 = tpu.memref_slice %arg5[%add3A_769, %mul3A_771, %dma_wait3A_1192] : memref<1024x32x768xf32, #tpu.memory_space<hbm>> -> memref<8x8x768xf32, #tpu.memory_space<hbm>>
      %dma_wait3A_1194 = arith.constant 0 : i32
      %dma_wait3A_1195 = tpu.memref_slice %arg5[%add3A_769, %mul3A_771, %dma_wait3A_1194] : memref<1024x32x768xf32, #tpu.memory_space<hbm>> -> memref<8x8x768xf32, #tpu.memory_space<hbm>>
      tpu.wait_dma2 semaphore(%run_scoped3A : memref<!tpu.dma_semaphore, #tpu.memory_space<semaphore_mem>>) src(%arg11 : memref<8x8x768xf32, #tpu.memory_space<vmem>>) dst(%dma_wait3A_1195 : memref<8x8x768xf32, #tpu.memory_space<hbm>>)
      tpu.yield
    }) : () -> ()
    %dma_wait3A_772 = arith.constant 0 : i32
    %dma_wait3A_773 = arith.constant 0 : i32
    %dma_wait3A_774 = tpu.memref_slice %arg9[%dma_wait3A_772, %dma_wait3A_773] : memref<32x32xi32, #tpu.memory_space<vmem>> -> memref<1x32xi32, #tpu.memory_space<vmem>>
    %dma_wait3A_775 = tpu.memref_squeeze %dma_wait3A_774 : memref<1x32xi32, #tpu.memory_space<vmem>> -> memref<32xi32, #tpu.memory_space<vmem>>
    %dma_wait3A_776 = arith.constant 0 : i32
    %dma_wait3A_777 = tpu.memref_slice %arg4[%squeeze3A, %dma_wait3A_776] : memref<1000x32xi32, #tpu.memory_space<hbm>> -> memref<1x32xi32, #tpu.memory_space<hbm>>
    %dma_wait3A_778 = tpu.memref_squeeze %dma_wait3A_777 : memref<1x32xi32, #tpu.memory_space<hbm>> -> memref<32xi32, #tpu.memory_space<hbm>>
    %dma_wait3A_779 = arith.constant 0 : i32
    %dma_wait3A_780 = tpu.memref_slice %arg9[%dma_wait3A_772, %dma_wait3A_779] : memref<32x32xi32, #tpu.memory_space<vmem>> -> memref<1x32xi32, #tpu.memory_space<vmem>>
    %dma_wait3A_781 = tpu.memref_squeeze %dma_wait3A_780 : memref<1x32xi32, #tpu.memory_space<vmem>> -> memref<32xi32, #tpu.memory_space<vmem>>
    %dma_wait3A_782 = arith.constant 0 : i32
    %dma_wait3A_783 = tpu.memref_slice %arg4[%squeeze3A, %dma_wait3A_782] : memref<1000x32xi32, #tpu.memory_space<hbm>> -> memref<1x32xi32, #tpu.memory_space<hbm>>
    %dma_wait3A_784 = tpu.memref_squeeze %dma_wait3A_783 : memref<1x32xi32, #tpu.memory_space<hbm>> -> memref<32xi32, #tpu.memory_space<hbm>>
    tpu.wait_dma2 semaphore(%arg14 : memref<!tpu.dma_semaphore, #tpu.memory_space<semaphore_mem>>) src(%dma_wait3A_784 : memref<32xi32, #tpu.memory_space<hbm>>) dst(%dma_wait3A_781 : memref<32xi32, #tpu.memory_space<vmem>>)
    %dma_wait3A_785 = arith.constant 1 : i32
    %dma_wait3A_786 = arith.constant 0 : i32
    %dma_wait3A_787 = tpu.memref_slice %arg9[%dma_wait3A_785, %dma_wait3A_786] : memref<32x32xi32, #tpu.memory_space<vmem>> -> memref<1x32xi32, #tpu.memory_space<vmem>>
    %dma_wait3A_788 = tpu.memref_squeeze %dma_wait3A_787 : memref<1x32xi32, #tpu.memory_space<vmem>> -> memref<32xi32, #tpu.memory_space<vmem>>
    %dma_wait3A_789 = arith.constant 0 : i32
    %dma_wait3A_790 = tpu.memref_slice %arg4[%squeeze3A_64, %dma_wait3A_789] : memref<1000x32xi32, #tpu.memory_space<hbm>> -> memref<1x32xi32, #tpu.memory_space<hbm>>
    %dma_wait3A_791 = tpu.memref_squeeze %dma_wait3A_790 : memref<1x32xi32, #tpu.memory_space<hbm>> -> memref<32xi32, #tpu.memory_space<hbm>>
    %dma_wait3A_792 = arith.constant 0 : i32
    %dma_wait3A_793 = tpu.memref_slice %arg9[%dma_wait3A_785, %dma_wait3A_792] : memref<32x32xi32, #tpu.memory_space<vmem>> -> memref<1x32xi32, #tpu.memory_space<vmem>>
    %dma_wait3A_794 = tpu.memref_squeeze %dma_wait3A_793 : memref<1x32xi32, #tpu.memory_space<vmem>> -> memref<32xi32, #tpu.memory_space<vmem>>
    %dma_wait3A_795 = arith.constant 0 : i32
    %dma_wait3A_796 = tpu.memref_slice %arg4[%squeeze3A_64, %dma_wait3A_795] : memref<1000x32xi32, #tpu.memory_space<hbm>> -> memref<1x32xi32, #tpu.memory_space<hbm>>
    %dma_wait3A_797 = tpu.memref_squeeze %dma_wait3A_796 : memref<1x32xi32, #tpu.memory_space<hbm>> -> memref<32xi32, #tpu.memory_space<hbm>>
    tpu.wait_dma2 semaphore(%arg14 : memref<!tpu.dma_semaphore, #tpu.memory_space<semaphore_mem>>) src(%dma_wait3A_797 : memref<32xi32, #tpu.memory_space<hbm>>) dst(%dma_wait3A_794 : memref<32xi32, #tpu.memory_space<vmem>>)
    %dma_wait3A_798 = arith.constant 2 : i32
    %dma_wait3A_799 = arith.constant 0 : i32
    %dma_wait3A_800 = tpu.memref_slice %arg9[%dma_wait3A_798, %dma_wait3A_799] : memref<32x32xi32, #tpu.memory_space<vmem>> -> memref<1x32xi32, #tpu.memory_space<vmem>>
    %dma_wait3A_801 = tpu.memref_squeeze %dma_wait3A_800 : memref<1x32xi32, #tpu.memory_space<vmem>> -> memref<32xi32, #tpu.memory_space<vmem>>
    %dma_wait3A_802 = arith.constant 0 : i32
    %dma_wait3A_803 = tpu.memref_slice %arg4[%squeeze3A_79, %dma_wait3A_802] : memref<1000x32xi32, #tpu.memory_space<hbm>> -> memref<1x32xi32, #tpu.memory_space<hbm>>
    %dma_wait3A_804 = tpu.memref_squeeze %dma_wait3A_803 : memref<1x32xi32, #tpu.memory_space<hbm>> -> memref<32xi32, #tpu.memory_space<hbm>>
    %dma_wait3A_805 = arith.constant 0 : i32
    %dma_wait3A_806 = tpu.memref_slice %arg9[%dma_wait3A_798, %dma_wait3A_805] : memref<32x32xi32, #tpu.memory_space<vmem>> -> memref<1x32xi32, #tpu.memory_space<vmem>>
    %dma_wait3A_807 = tpu.memref_squeeze %dma_wait3A_806 : memref<1x32xi32, #tpu.memory_space<vmem>> -> memref<32xi32, #tpu.memory_space<vmem>>
    %dma_wait3A_808 = arith.constant 0 : i32
    %dma_wait3A_809 = tpu.memref_slice %arg4[%squeeze3A_79, %dma_wait3A_808] : memref<1000x32xi32, #tpu.memory_space<hbm>> -> memref<1x32xi32, #tpu.memory_space<hbm>>
    %dma_wait3A_810 = tpu.memref_squeeze %dma_wait3A_809 : memref<1x32xi32, #tpu.memory_space<hbm>> -> memref<32xi32, #tpu.memory_space<hbm>>
    tpu.wait_dma2 semaphore(%arg14 : memref<!tpu.dma_semaphore, #tpu.memory_space<semaphore_mem>>) src(%dma_wait3A_810 : memref<32xi32, #tpu.memory_space<hbm>>) dst(%dma_wait3A_807 : memref<32xi32, #tpu.memory_space<vmem>>)
    %dma_wait3A_811 = arith.constant 3 : i32
    %dma_wait3A_812 = arith.constant 0 : i32
    %dma_wait3A_813 = tpu.memref_slice %arg9[%dma_wait3A_811, %dma_wait3A_812] : memref<32x32xi32, #tpu.memory_space<vmem>> -> memref<1x32xi32, #tpu.memory_space<vmem>>
    %dma_wait3A_814 = tpu.memref_squeeze %dma_wait3A_813 : memref<1x32xi32, #tpu.memory_space<vmem>> -> memref<32xi32, #tpu.memory_space<vmem>>
    %dma_wait3A_815 = arith.constant 0 : i32
    %dma_wait3A_816 = tpu.memref_slice %arg4[%squeeze3A_94, %dma_wait3A_815] : memref<1000x32xi32, #tpu.memory_space<hbm>> -> memref<1x32xi32, #tpu.memory_space<hbm>>
    %dma_wait3A_817 = tpu.memref_squeeze %dma_wait3A_816 : memref<1x32xi32, #tpu.memory_space<hbm>> -> memref<32xi32, #tpu.memory_space<hbm>>
    %dma_wait3A_818 = arith.constant 0 : i32
    %dma_wait3A_819 = tpu.memref_slice %arg9[%dma_wait3A_811, %dma_wait3A_818] : memref<32x32xi32, #tpu.memory_space<vmem>> -> memref<1x32xi32, #tpu.memory_space<vmem>>
    %dma_wait3A_820 = tpu.memref_squeeze %dma_wait3A_819 : memref<1x32xi32, #tpu.memory_space<vmem>> -> memref<32xi32, #tpu.memory_space<vmem>>
    %dma_wait3A_821 = arith.constant 0 : i32
    %dma_wait3A_822 = tpu.memref_slice %arg4[%squeeze3A_94, %dma_wait3A_821] : memref<1000x32xi32, #tpu.memory_space<hbm>> -> memref<1x32xi32, #tpu.memory_space<hbm>>
    %dma_wait3A_823 = tpu.memref_squeeze %dma_wait3A_822 : memref<1x32xi32, #tpu.memory_space<hbm>> -> memref<32xi32, #tpu.memory_space<hbm>>
    tpu.wait_dma2 semaphore(%arg14 : memref<!tpu.dma_semaphore, #tpu.memory_space<semaphore_mem>>) src(%dma_wait3A_823 : memref<32xi32, #tpu.memory_space<hbm>>) dst(%dma_wait3A_820 : memref<32xi32, #tpu.memory_space<vmem>>)
    %dma_wait3A_824 = arith.constant 4 : i32
    %dma_wait3A_825 = arith.constant 0 : i32
    %dma_wait3A_826 = tpu.memref_slice %arg9[%dma_wait3A_824, %dma_wait3A_825] : memref<32x32xi32, #tpu.memory_space<vmem>> -> memref<1x32xi32, #tpu.memory_space<vmem>>
    %dma_wait3A_827 = tpu.memref_squeeze %dma_wait3A_826 : memref<1x32xi32, #tpu.memory_space<vmem>> -> memref<32xi32, #tpu.memory_space<vmem>>
    %dma_wait3A_828 = arith.constant 0 : i32
    %dma_wait3A_829 = tpu.memref_slice %arg4[%squeeze3A_109, %dma_wait3A_828] : memref<1000x32xi32, #tpu.memory_space<hbm>> -> memref<1x32xi32, #tpu.memory_space<hbm>>
    %dma_wait3A_830 = tpu.memref_squeeze %dma_wait3A_829 : memref<1x32xi32, #tpu.memory_space<hbm>> -> memref<32xi32, #tpu.memory_space<hbm>>
    %dma_wait3A_831 = arith.constant 0 : i32
    %dma_wait3A_832 = tpu.memref_slice %arg9[%dma_wait3A_824, %dma_wait3A_831] : memref<32x32xi32, #tpu.memory_space<vmem>> -> memref<1x32xi32, #tpu.memory_space<vmem>>
    %dma_wait3A_833 = tpu.memref_squeeze %dma_wait3A_832 : memref<1x32xi32, #tpu.memory_space<vmem>> -> memref<32xi32, #tpu.memory_space<vmem>>
    %dma_wait3A_834 = arith.constant 0 : i32
    %dma_wait3A_835 = tpu.memref_slice %arg4[%squeeze3A_109, %dma_wait3A_834] : memref<1000x32xi32, #tpu.memory_space<hbm>> -> memref<1x32xi32, #tpu.memory_space<hbm>>
    %dma_wait3A_836 = tpu.memref_squeeze %dma_wait3A_835 : memref<1x32xi32, #tpu.memory_space<hbm>> -> memref<32xi32, #tpu.memory_space<hbm>>
    tpu.wait_dma2 semaphore(%arg14 : memref<!tpu.dma_semaphore, #tpu.memory_space<semaphore_mem>>) src(%dma_wait3A_836 : memref<32xi32, #tpu.memory_space<hbm>>) dst(%dma_wait3A_833 : memref<32xi32, #tpu.memory_space<vmem>>)
    %dma_wait3A_837 = arith.constant 5 : i32
    %dma_wait3A_838 = arith.constant 0 : i32
    %dma_wait3A_839 = tpu.memref_slice %arg9[%dma_wait3A_837, %dma_wait3A_838] : memref<32x32xi32, #tpu.memory_space<vmem>> -> memref<1x32xi32, #tpu.memory_space<vmem>>
    %dma_wait3A_840 = tpu.memref_squeeze %dma_wait3A_839 : memref<1x32xi32, #tpu.memory_space<vmem>> -> memref<32xi32, #tpu.memory_space<vmem>>
    %dma_wait3A_841 = arith.constant 0 : i32
    %dma_wait3A_842 = tpu.memref_slice %arg4[%squeeze3A_124, %dma_wait3A_841] : memref<1000x32xi32, #tpu.memory_space<hbm>> -> memref<1x32xi32, #tpu.memory_space<hbm>>
    %dma_wait3A_843 = tpu.memref_squeeze %dma_wait3A_842 : memref<1x32xi32, #tpu.memory_space<hbm>> -> memref<32xi32, #tpu.memory_space<hbm>>
    %dma_wait3A_844 = arith.constant 0 : i32
    %dma_wait3A_845 = tpu.memref_slice %arg9[%dma_wait3A_837, %dma_wait3A_844] : memref<32x32xi32, #tpu.memory_space<vmem>> -> memref<1x32xi32, #tpu.memory_space<vmem>>
    %dma_wait3A_846 = tpu.memref_squeeze %dma_wait3A_845 : memref<1x32xi32, #tpu.memory_space<vmem>> -> memref<32xi32, #tpu.memory_space<vmem>>
    %dma_wait3A_847 = arith.constant 0 : i32
    %dma_wait3A_848 = tpu.memref_slice %arg4[%squeeze3A_124, %dma_wait3A_847] : memref<1000x32xi32, #tpu.memory_space<hbm>> -> memref<1x32xi32, #tpu.memory_space<hbm>>
    %dma_wait3A_849 = tpu.memref_squeeze %dma_wait3A_848 : memref<1x32xi32, #tpu.memory_space<hbm>> -> memref<32xi32, #tpu.memory_space<hbm>>
    tpu.wait_dma2 semaphore(%arg14 : memref<!tpu.dma_semaphore, #tpu.memory_space<semaphore_mem>>) src(%dma_wait3A_849 : memref<32xi32, #tpu.memory_space<hbm>>) dst(%dma_wait3A_846 : memref<32xi32, #tpu.memory_space<vmem>>)
    %dma_wait3A_850 = arith.constant 6 : i32
    %dma_wait3A_851 = arith.constant 0 : i32
    %dma_wait3A_852 = tpu.memref_slice %arg9[%dma_wait3A_850, %dma_wait3A_851] : memref<32x32xi32, #tpu.memory_space<vmem>> -> memref<1x32xi32, #tpu.memory_space<vmem>>
    %dma_wait3A_853 = tpu.memref_squeeze %dma_wait3A_852 : memref<1x32xi32, #tpu.memory_space<vmem>> -> memref<32xi32, #tpu.memory_space<vmem>>
    %dma_wait3A_854 = arith.constant 0 : i32
    %dma_wait3A_855 = tpu.memref_slice %arg4[%squeeze3A_139, %dma_wait3A_854] : memref<1000x32xi32, #tpu.memory_space<hbm>> -> memref<1x32xi32, #tpu.memory_space<hbm>>
    %dma_wait3A_856 = tpu.memref_squeeze %dma_wait3A_855 : memref<1x32xi32, #tpu.memory_space<hbm>> -> memref<32xi32, #tpu.memory_space<hbm>>
    %dma_wait3A_857 = arith.constant 0 : i32
    %dma_wait3A_858 = tpu.memref_slice %arg9[%dma_wait3A_850, %dma_wait3A_857] : memref<32x32xi32, #tpu.memory_space<vmem>> -> memref<1x32xi32, #tpu.memory_space<vmem>>
    %dma_wait3A_859 = tpu.memref_squeeze %dma_wait3A_858 : memref<1x32xi32, #tpu.memory_space<vmem>> -> memref<32xi32, #tpu.memory_space<vmem>>
    %dma_wait3A_860 = arith.constant 0 : i32
    %dma_wait3A_861 = tpu.memref_slice %arg4[%squeeze3A_139, %dma_wait3A_860] : memref<1000x32xi32, #tpu.memory_space<hbm>> -> memref<1x32xi32, #tpu.memory_space<hbm>>
    %dma_wait3A_862 = tpu.memref_squeeze %dma_wait3A_861 : memref<1x32xi32, #tpu.memory_space<hbm>> -> memref<32xi32, #tpu.memory_space<hbm>>
    tpu.wait_dma2 semaphore(%arg14 : memref<!tpu.dma_semaphore, #tpu.memory_space<semaphore_mem>>) src(%dma_wait3A_862 : memref<32xi32, #tpu.memory_space<hbm>>) dst(%dma_wait3A_859 : memref<32xi32, #tpu.memory_space<vmem>>)
    %dma_wait3A_863 = arith.constant 7 : i32
    %dma_wait3A_864 = arith.constant 0 : i32
    %dma_wait3A_865 = tpu.memref_slice %arg9[%dma_wait3A_863, %dma_wait3A_864] : memref<32x32xi32, #tpu.memory_space<vmem>> -> memref<1x32xi32, #tpu.memory_space<vmem>>
    %dma_wait3A_866 = tpu.memref_squeeze %dma_wait3A_865 : memref<1x32xi32, #tpu.memory_space<vmem>> -> memref<32xi32, #tpu.memory_space<vmem>>
    %dma_wait3A_867 = arith.constant 0 : i32
    %dma_wait3A_868 = tpu.memref_slice %arg4[%squeeze3A_154, %dma_wait3A_867] : memref<1000x32xi32, #tpu.memory_space<hbm>> -> memref<1x32xi32, #tpu.memory_space<hbm>>
    %dma_wait3A_869 = tpu.memref_squeeze %dma_wait3A_868 : memref<1x32xi32, #tpu.memory_space<hbm>> -> memref<32xi32, #tpu.memory_space<hbm>>
    %dma_wait3A_870 = arith.constant 0 : i32
    %dma_wait3A_871 = tpu.memref_slice %arg9[%dma_wait3A_863, %dma_wait3A_870] : memref<32x32xi32, #tpu.memory_space<vmem>> -> memref<1x32xi32, #tpu.memory_space<vmem>>
    %dma_wait3A_872 = tpu.memref_squeeze %dma_wait3A_871 : memref<1x32xi32, #tpu.memory_space<vmem>> -> memref<32xi32, #tpu.memory_space<vmem>>
    %dma_wait3A_873 = arith.constant 0 : i32
    %dma_wait3A_874 = tpu.memref_slice %arg4[%squeeze3A_154, %dma_wait3A_873] : memref<1000x32xi32, #tpu.memory_space<hbm>> -> memref<1x32xi32, #tpu.memory_space<hbm>>
    %dma_wait3A_875 = tpu.memref_squeeze %dma_wait3A_874 : memref<1x32xi32, #tpu.memory_space<hbm>> -> memref<32xi32, #tpu.memory_space<hbm>>
    tpu.wait_dma2 semaphore(%arg14 : memref<!tpu.dma_semaphore, #tpu.memory_space<semaphore_mem>>) src(%dma_wait3A_875 : memref<32xi32, #tpu.memory_space<hbm>>) dst(%dma_wait3A_872 : memref<32xi32, #tpu.memory_space<vmem>>)
    %dma_wait3A_876 = arith.constant 8 : i32
    %dma_wait3A_877 = arith.constant 0 : i32
    %dma_wait3A_878 = tpu.memref_slice %arg9[%dma_wait3A_876, %dma_wait3A_877] : memref<32x32xi32, #tpu.memory_space<vmem>> -> memref<1x32xi32, #tpu.memory_space<vmem>>
    %dma_wait3A_879 = tpu.memref_squeeze %dma_wait3A_878 : memref<1x32xi32, #tpu.memory_space<vmem>> -> memref<32xi32, #tpu.memory_space<vmem>>
    %dma_wait3A_880 = arith.constant 0 : i32
    %dma_wait3A_881 = tpu.memref_slice %arg4[%squeeze3A_169, %dma_wait3A_880] : memref<1000x32xi32, #tpu.memory_space<hbm>> -> memref<1x32xi32, #tpu.memory_space<hbm>>
    %dma_wait3A_882 = tpu.memref_squeeze %dma_wait3A_881 : memref<1x32xi32, #tpu.memory_space<hbm>> -> memref<32xi32, #tpu.memory_space<hbm>>
    %dma_wait3A_883 = arith.constant 0 : i32
    %dma_wait3A_884 = tpu.memref_slice %arg9[%dma_wait3A_876, %dma_wait3A_883] : memref<32x32xi32, #tpu.memory_space<vmem>> -> memref<1x32xi32, #tpu.memory_space<vmem>>
    %dma_wait3A_885 = tpu.memref_squeeze %dma_wait3A_884 : memref<1x32xi32, #tpu.memory_space<vmem>> -> memref<32xi32, #tpu.memory_space<vmem>>
    %dma_wait3A_886 = arith.constant 0 : i32
    %dma_wait3A_887 = tpu.memref_slice %arg4[%squeeze3A_169, %dma_wait3A_886] : memref<1000x32xi32, #tpu.memory_space<hbm>> -> memref<1x32xi32, #tpu.memory_space<hbm>>
    %dma_wait3A_888 = tpu.memref_squeeze %dma_wait3A_887 : memref<1x32xi32, #tpu.memory_space<hbm>> -> memref<32xi32, #tpu.memory_space<hbm>>
    tpu.wait_dma2 semaphore(%arg14 : memref<!tpu.dma_semaphore, #tpu.memory_space<semaphore_mem>>) src(%dma_wait3A_888 : memref<32xi32, #tpu.memory_space<hbm>>) dst(%dma_wait3A_885 : memref<32xi32, #tpu.memory_space<vmem>>)
    %dma_wait3A_889 = arith.constant 9 : i32
    %dma_wait3A_890 = arith.constant 0 : i32
    %dma_wait3A_891 = tpu.memref_slice %arg9[%dma_wait3A_889, %dma_wait3A_890] : memref<32x32xi32, #tpu.memory_space<vmem>> -> memref<1x32xi32, #tpu.memory_space<vmem>>
    %dma_wait3A_892 = tpu.memref_squeeze %dma_wait3A_891 : memref<1x32xi32, #tpu.memory_space<vmem>> -> memref<32xi32, #tpu.memory_space<vmem>>
    %dma_wait3A_893 = arith.constant 0 : i32
    %dma_wait3A_894 = tpu.memref_slice %arg4[%squeeze3A_184, %dma_wait3A_893] : memref<1000x32xi32, #tpu.memory_space<hbm>> -> memref<1x32xi32, #tpu.memory_space<hbm>>
    %dma_wait3A_895 = tpu.memref_squeeze %dma_wait3A_894 : memref<1x32xi32, #tpu.memory_space<hbm>> -> memref<32xi32, #tpu.memory_space<hbm>>
    %dma_wait3A_896 = arith.constant 0 : i32
    %dma_wait3A_897 = tpu.memref_slice %arg9[%dma_wait3A_889, %dma_wait3A_896] : memref<32x32xi32, #tpu.memory_space<vmem>> -> memref<1x32xi32, #tpu.memory_space<vmem>>
    %dma_wait3A_898 = tpu.memref_squeeze %dma_wait3A_897 : memref<1x32xi32, #tpu.memory_space<vmem>> -> memref<32xi32, #tpu.memory_space<vmem>>
    %dma_wait3A_899 = arith.constant 0 : i32
    %dma_wait3A_900 = tpu.memref_slice %arg4[%squeeze3A_184, %dma_wait3A_899] : memref<1000x32xi32, #tpu.memory_space<hbm>> -> memref<1x32xi32, #tpu.memory_space<hbm>>
    %dma_wait3A_901 = tpu.memref_squeeze %dma_wait3A_900 : memref<1x32xi32, #tpu.memory_space<hbm>> -> memref<32xi32, #tpu.memory_space<hbm>>
    tpu.wait_dma2 semaphore(%arg14 : memref<!tpu.dma_semaphore, #tpu.memory_space<semaphore_mem>>) src(%dma_wait3A_901 : memref<32xi32, #tpu.memory_space<hbm>>) dst(%dma_wait3A_898 : memref<32xi32, #tpu.memory_space<vmem>>)
    %dma_wait3A_902 = arith.constant 10 : i32
    %dma_wait3A_903 = arith.constant 0 : i32
    %dma_wait3A_904 = tpu.memref_slice %arg9[%dma_wait3A_902, %dma_wait3A_903] : memref<32x32xi32, #tpu.memory_space<vmem>> -> memref<1x32xi32, #tpu.memory_space<vmem>>
    %dma_wait3A_905 = tpu.memref_squeeze %dma_wait3A_904 : memref<1x32xi32, #tpu.memory_space<vmem>> -> memref<32xi32, #tpu.memory_space<vmem>>
    %dma_wait3A_906 = arith.constant 0 : i32
    %dma_wait3A_907 = tpu.memref_slice %arg4[%squeeze3A_199, %dma_wait3A_906] : memref<1000x32xi32, #tpu.memory_space<hbm>> -> memref<1x32xi32, #tpu.memory_space<hbm>>
    %dma_wait3A_908 = tpu.memref_squeeze %dma_wait3A_907 : memref<1x32xi32, #tpu.memory_space<hbm>> -> memref<32xi32, #tpu.memory_space<hbm>>
    %dma_wait3A_909 = arith.constant 0 : i32
    %dma_wait3A_910 = tpu.memref_slice %arg9[%dma_wait3A_902, %dma_wait3A_909] : memref<32x32xi32, #tpu.memory_space<vmem>> -> memref<1x32xi32, #tpu.memory_space<vmem>>
    %dma_wait3A_911 = tpu.memref_squeeze %dma_wait3A_910 : memref<1x32xi32, #tpu.memory_space<vmem>> -> memref<32xi32, #tpu.memory_space<vmem>>
    %dma_wait3A_912 = arith.constant 0 : i32
    %dma_wait3A_913 = tpu.memref_slice %arg4[%squeeze3A_199, %dma_wait3A_912] : memref<1000x32xi32, #tpu.memory_space<hbm>> -> memref<1x32xi32, #tpu.memory_space<hbm>>
    %dma_wait3A_914 = tpu.memref_squeeze %dma_wait3A_913 : memref<1x32xi32, #tpu.memory_space<hbm>> -> memref<32xi32, #tpu.memory_space<hbm>>
    tpu.wait_dma2 semaphore(%arg14 : memref<!tpu.dma_semaphore, #tpu.memory_space<semaphore_mem>>) src(%dma_wait3A_914 : memref<32xi32, #tpu.memory_space<hbm>>) dst(%dma_wait3A_911 : memref<32xi32, #tpu.memory_space<vmem>>)
    %dma_wait3A_915 = arith.constant 11 : i32
    %dma_wait3A_916 = arith.constant 0 : i32
    %dma_wait3A_917 = tpu.memref_slice %arg9[%dma_wait3A_915, %dma_wait3A_916] : memref<32x32xi32, #tpu.memory_space<vmem>> -> memref<1x32xi32, #tpu.memory_space<vmem>>
    %dma_wait3A_918 = tpu.memref_squeeze %dma_wait3A_917 : memref<1x32xi32, #tpu.memory_space<vmem>> -> memref<32xi32, #tpu.memory_space<vmem>>
    %dma_wait3A_919 = arith.constant 0 : i32
    %dma_wait3A_920 = tpu.memref_slice %arg4[%squeeze3A_214, %dma_wait3A_919] : memref<1000x32xi32, #tpu.memory_space<hbm>> -> memref<1x32xi32, #tpu.memory_space<hbm>>
    %dma_wait3A_921 = tpu.memref_squeeze %dma_wait3A_920 : memref<1x32xi32, #tpu.memory_space<hbm>> -> memref<32xi32, #tpu.memory_space<hbm>>
    %dma_wait3A_922 = arith.constant 0 : i32
    %dma_wait3A_923 = tpu.memref_slice %arg9[%dma_wait3A_915, %dma_wait3A_922] : memref<32x32xi32, #tpu.memory_space<vmem>> -> memref<1x32xi32, #tpu.memory_space<vmem>>
    %dma_wait3A_924 = tpu.memref_squeeze %dma_wait3A_923 : memref<1x32xi32, #tpu.memory_space<vmem>> -> memref<32xi32, #tpu.memory_space<vmem>>
    %dma_wait3A_925 = arith.constant 0 : i32
    %dma_wait3A_926 = tpu.memref_slice %arg4[%squeeze3A_214, %dma_wait3A_925] : memref<1000x32xi32, #tpu.memory_space<hbm>> -> memref<1x32xi32, #tpu.memory_space<hbm>>
    %dma_wait3A_927 = tpu.memref_squeeze %dma_wait3A_926 : memref<1x32xi32, #tpu.memory_space<hbm>> -> memref<32xi32, #tpu.memory_space<hbm>>
    tpu.wait_dma2 semaphore(%arg14 : memref<!tpu.dma_semaphore, #tpu.memory_space<semaphore_mem>>) src(%dma_wait3A_927 : memref<32xi32, #tpu.memory_space<hbm>>) dst(%dma_wait3A_924 : memref<32xi32, #tpu.memory_space<vmem>>)
    %dma_wait3A_928 = arith.constant 12 : i32
    %dma_wait3A_929 = arith.constant 0 : i32
    %dma_wait3A_930 = tpu.memref_slice %arg9[%dma_wait3A_928, %dma_wait3A_929] : memref<32x32xi32, #tpu.memory_space<vmem>> -> memref<1x32xi32, #tpu.memory_space<vmem>>
    %dma_wait3A_931 = tpu.memref_squeeze %dma_wait3A_930 : memref<1x32xi32, #tpu.memory_space<vmem>> -> memref<32xi32, #tpu.memory_space<vmem>>
    %dma_wait3A_932 = arith.constant 0 : i32
    %dma_wait3A_933 = tpu.memref_slice %arg4[%squeeze3A_229, %dma_wait3A_932] : memref<1000x32xi32, #tpu.memory_space<hbm>> -> memref<1x32xi32, #tpu.memory_space<hbm>>
    %dma_wait3A_934 = tpu.memref_squeeze %dma_wait3A_933 : memref<1x32xi32, #tpu.memory_space<hbm>> -> memref<32xi32, #tpu.memory_space<hbm>>
    %dma_wait3A_935 = arith.constant 0 : i32
    %dma_wait3A_936 = tpu.memref_slice %arg9[%dma_wait3A_928, %dma_wait3A_935] : memref<32x32xi32, #tpu.memory_space<vmem>> -> memref<1x32xi32, #tpu.memory_space<vmem>>
    %dma_wait3A_937 = tpu.memref_squeeze %dma_wait3A_936 : memref<1x32xi32, #tpu.memory_space<vmem>> -> memref<32xi32, #tpu.memory_space<vmem>>
    %dma_wait3A_938 = arith.constant 0 : i32
    %dma_wait3A_939 = tpu.memref_slice %arg4[%squeeze3A_229, %dma_wait3A_938] : memref<1000x32xi32, #tpu.memory_space<hbm>> -> memref<1x32xi32, #tpu.memory_space<hbm>>
    %dma_wait3A_940 = tpu.memref_squeeze %dma_wait3A_939 : memref<1x32xi32, #tpu.memory_space<hbm>> -> memref<32xi32, #tpu.memory_space<hbm>>
    tpu.wait_dma2 semaphore(%arg14 : memref<!tpu.dma_semaphore, #tpu.memory_space<semaphore_mem>>) src(%dma_wait3A_940 : memref<32xi32, #tpu.memory_space<hbm>>) dst(%dma_wait3A_937 : memref<32xi32, #tpu.memory_space<vmem>>)
    %dma_wait3A_941 = arith.constant 13 : i32
    %dma_wait3A_942 = arith.constant 0 : i32
    %dma_wait3A_943 = tpu.memref_slice %arg9[%dma_wait3A_941, %dma_wait3A_942] : memref<32x32xi32, #tpu.memory_space<vmem>> -> memref<1x32xi32, #tpu.memory_space<vmem>>
    %dma_wait3A_944 = tpu.memref_squeeze %dma_wait3A_943 : memref<1x32xi32, #tpu.memory_space<vmem>> -> memref<32xi32, #tpu.memory_space<vmem>>
    %dma_wait3A_945 = arith.constant 0 : i32
    %dma_wait3A_946 = tpu.memref_slice %arg4[%squeeze3A_244, %dma_wait3A_945] : memref<1000x32xi32, #tpu.memory_space<hbm>> -> memref<1x32xi32, #tpu.memory_space<hbm>>
    %dma_wait3A_947 = tpu.memref_squeeze %dma_wait3A_946 : memref<1x32xi32, #tpu.memory_space<hbm>> -> memref<32xi32, #tpu.memory_space<hbm>>
    %dma_wait3A_948 = arith.constant 0 : i32
    %dma_wait3A_949 = tpu.memref_slice %arg9[%dma_wait3A_941, %dma_wait3A_948] : memref<32x32xi32, #tpu.memory_space<vmem>> -> memref<1x32xi32, #tpu.memory_space<vmem>>
    %dma_wait3A_950 = tpu.memref_squeeze %dma_wait3A_949 : memref<1x32xi32, #tpu.memory_space<vmem>> -> memref<32xi32, #tpu.memory_space<vmem>>
    %dma_wait3A_951 = arith.constant 0 : i32
    %dma_wait3A_952 = tpu.memref_slice %arg4[%squeeze3A_244, %dma_wait3A_951] : memref<1000x32xi32, #tpu.memory_space<hbm>> -> memref<1x32xi32, #tpu.memory_space<hbm>>
    %dma_wait3A_953 = tpu.memref_squeeze %dma_wait3A_952 : memref<1x32xi32, #tpu.memory_space<hbm>> -> memref<32xi32, #tpu.memory_space<hbm>>
    tpu.wait_dma2 semaphore(%arg14 : memref<!tpu.dma_semaphore, #tpu.memory_space<semaphore_mem>>) src(%dma_wait3A_953 : memref<32xi32, #tpu.memory_space<hbm>>) dst(%dma_wait3A_950 : memref<32xi32, #tpu.memory_space<vmem>>)
    %dma_wait3A_954 = arith.constant 14 : i32
    %dma_wait3A_955 = arith.constant 0 : i32
    %dma_wait3A_956 = tpu.memref_slice %arg9[%dma_wait3A_954, %dma_wait3A_955] : memref<32x32xi32, #tpu.memory_space<vmem>> -> memref<1x32xi32, #tpu.memory_space<vmem>>
    %dma_wait3A_957 = tpu.memref_squeeze %dma_wait3A_956 : memref<1x32xi32, #tpu.memory_space<vmem>> -> memref<32xi32, #tpu.memory_space<vmem>>
    %dma_wait3A_958 = arith.constant 0 : i32
    %dma_wait3A_959 = tpu.memref_slice %arg4[%squeeze3A_259, %dma_wait3A_958] : memref<1000x32xi32, #tpu.memory_space<hbm>> -> memref<1x32xi32, #tpu.memory_space<hbm>>
    %dma_wait3A_960 = tpu.memref_squeeze %dma_wait3A_959 : memref<1x32xi32, #tpu.memory_space<hbm>> -> memref<32xi32, #tpu.memory_space<hbm>>
    %dma_wait3A_961 = arith.constant 0 : i32
    %dma_wait3A_962 = tpu.memref_slice %arg9[%dma_wait3A_954, %dma_wait3A_961] : memref<32x32xi32, #tpu.memory_space<vmem>> -> memref<1x32xi32, #tpu.memory_space<vmem>>
    %dma_wait3A_963 = tpu.memref_squeeze %dma_wait3A_962 : memref<1x32xi32, #tpu.memory_space<vmem>> -> memref<32xi32, #tpu.memory_space<vmem>>
    %dma_wait3A_964 = arith.constant 0 : i32
    %dma_wait3A_965 = tpu.memref_slice %arg4[%squeeze3A_259, %dma_wait3A_964] : memref<1000x32xi32, #tpu.memory_space<hbm>> -> memref<1x32xi32, #tpu.memory_space<hbm>>
    %dma_wait3A_966 = tpu.memref_squeeze %dma_wait3A_965 : memref<1x32xi32, #tpu.memory_space<hbm>> -> memref<32xi32, #tpu.memory_space<hbm>>
    tpu.wait_dma2 semaphore(%arg14 : memref<!tpu.dma_semaphore, #tpu.memory_space<semaphore_mem>>) src(%dma_wait3A_966 : memref<32xi32, #tpu.memory_space<hbm>>) dst(%dma_wait3A_963 : memref<32xi32, #tpu.memory_space<vmem>>)
    %dma_wait3A_967 = arith.constant 15 : i32
    %dma_wait3A_968 = arith.constant 0 : i32
    %dma_wait3A_969 = tpu.memref_slice %arg9[%dma_wait3A_967, %dma_wait3A_968] : memref<32x32xi32, #tpu.memory_space<vmem>> -> memref<1x32xi32, #tpu.memory_space<vmem>>
    %dma_wait3A_970 = tpu.memref_squeeze %dma_wait3A_969 : memref<1x32xi32, #tpu.memory_space<vmem>> -> memref<32xi32, #tpu.memory_space<vmem>>
    %dma_wait3A_971 = arith.constant 0 : i32
    %dma_wait3A_972 = tpu.memref_slice %arg4[%squeeze3A_274, %dma_wait3A_971] : memref<1000x32xi32, #tpu.memory_space<hbm>> -> memref<1x32xi32, #tpu.memory_space<hbm>>
    %dma_wait3A_973 = tpu.memref_squeeze %dma_wait3A_972 : memref<1x32xi32, #tpu.memory_space<hbm>> -> memref<32xi32, #tpu.memory_space<hbm>>
    %dma_wait3A_974 = arith.constant 0 : i32
    %dma_wait3A_975 = tpu.memref_slice %arg9[%dma_wait3A_967, %dma_wait3A_974] : memref<32x32xi32, #tpu.memory_space<vmem>> -> memref<1x32xi32, #tpu.memory_space<vmem>>
    %dma_wait3A_976 = tpu.memref_squeeze %dma_wait3A_975 : memref<1x32xi32, #tpu.memory_space<vmem>> -> memref<32xi32, #tpu.memory_space<vmem>>
    %dma_wait3A_977 = arith.constant 0 : i32
    %dma_wait3A_978 = tpu.memref_slice %arg4[%squeeze3A_274, %dma_wait3A_977] : memref<1000x32xi32, #tpu.memory_space<hbm>> -> memref<1x32xi32, #tpu.memory_space<hbm>>
    %dma_wait3A_979 = tpu.memref_squeeze %dma_wait3A_978 : memref<1x32xi32, #tpu.memory_space<hbm>> -> memref<32xi32, #tpu.memory_space<hbm>>
    tpu.wait_dma2 semaphore(%arg14 : memref<!tpu.dma_semaphore, #tpu.memory_space<semaphore_mem>>) src(%dma_wait3A_979 : memref<32xi32, #tpu.memory_space<hbm>>) dst(%dma_wait3A_976 : memref<32xi32, #tpu.memory_space<vmem>>)
    %dma_wait3A_980 = arith.constant 16 : i32
    %dma_wait3A_981 = arith.constant 0 : i32
    %dma_wait3A_982 = tpu.memref_slice %arg9[%dma_wait3A_980, %dma_wait3A_981] : memref<32x32xi32, #tpu.memory_space<vmem>> -> memref<1x32xi32, #tpu.memory_space<vmem>>
    %dma_wait3A_983 = tpu.memref_squeeze %dma_wait3A_982 : memref<1x32xi32, #tpu.memory_space<vmem>> -> memref<32xi32, #tpu.memory_space<vmem>>
    %dma_wait3A_984 = arith.constant 0 : i32
    %dma_wait3A_985 = tpu.memref_slice %arg4[%squeeze3A_292, %dma_wait3A_984] : memref<1000x32xi32, #tpu.memory_space<hbm>> -> memref<1x32xi32, #tpu.memory_space<hbm>>
    %dma_wait3A_986 = tpu.memref_squeeze %dma_wait3A_985 : memref<1x32xi32, #tpu.memory_space<hbm>> -> memref<32xi32, #tpu.memory_space<hbm>>
    %dma_wait3A_987 = arith.constant 0 : i32
    %dma_wait3A_988 = tpu.memref_slice %arg9[%dma_wait3A_980, %dma_wait3A_987] : memref<32x32xi32, #tpu.memory_space<vmem>> -> memref<1x32xi32, #tpu.memory_space<vmem>>
    %dma_wait3A_989 = tpu.memref_squeeze %dma_wait3A_988 : memref<1x32xi32, #tpu.memory_space<vmem>> -> memref<32xi32, #tpu.memory_space<vmem>>
    %dma_wait3A_990 = arith.constant 0 : i32
    %dma_wait3A_991 = tpu.memref_slice %arg4[%squeeze3A_292, %dma_wait3A_990] : memref<1000x32xi32, #tpu.memory_space<hbm>> -> memref<1x32xi32, #tpu.memory_space<hbm>>
    %dma_wait3A_992 = tpu.memref_squeeze %dma_wait3A_991 : memref<1x32xi32, #tpu.memory_space<hbm>> -> memref<32xi32, #tpu.memory_space<hbm>>
    tpu.wait_dma2 semaphore(%arg14 : memref<!tpu.dma_semaphore, #tpu.memory_space<semaphore_mem>>) src(%dma_wait3A_992 : memref<32xi32, #tpu.memory_space<hbm>>) dst(%dma_wait3A_989 : memref<32xi32, #tpu.memory_space<vmem>>)
    %dma_wait3A_993 = arith.constant 17 : i32
    %dma_wait3A_994 = arith.constant 0 : i32
    %dma_wait3A_995 = tpu.memref_slice %arg9[%dma_wait3A_993, %dma_wait3A_994] : memref<32x32xi32, #tpu.memory_space<vmem>> -> memref<1x32xi32, #tpu.memory_space<vmem>>
    %dma_wait3A_996 = tpu.memref_squeeze %dma_wait3A_995 : memref<1x32xi32, #tpu.memory_space<vmem>> -> memref<32xi32, #tpu.memory_space<vmem>>
    %dma_wait3A_997 = arith.constant 0 : i32
    %dma_wait3A_998 = tpu.memref_slice %arg4[%squeeze3A_307, %dma_wait3A_997] : memref<1000x32xi32, #tpu.memory_space<hbm>> -> memref<1x32xi32, #tpu.memory_space<hbm>>
    %dma_wait3A_999 = tpu.memref_squeeze %dma_wait3A_998 : memref<1x32xi32, #tpu.memory_space<hbm>> -> memref<32xi32, #tpu.memory_space<hbm>>
    %dma_wait3A_1000 = arith.constant 0 : i32
    %dma_wait3A_1001 = tpu.memref_slice %arg9[%dma_wait3A_993, %dma_wait3A_1000] : memref<32x32xi32, #tpu.memory_space<vmem>> -> memref<1x32xi32, #tpu.memory_space<vmem>>
    %dma_wait3A_1002 = tpu.memref_squeeze %dma_wait3A_1001 : memref<1x32xi32, #tpu.memory_space<vmem>> -> memref<32xi32, #tpu.memory_space<vmem>>
    %dma_wait3A_1003 = arith.constant 0 : i32
    %dma_wait3A_1004 = tpu.memref_slice %arg4[%squeeze3A_307, %dma_wait3A_1003] : memref<1000x32xi32, #tpu.memory_space<hbm>> -> memref<1x32xi32, #tpu.memory_space<hbm>>
    %dma_wait3A_1005 = tpu.memref_squeeze %dma_wait3A_1004 : memref<1x32xi32, #tpu.memory_space<hbm>> -> memref<32xi32, #tpu.memory_space<hbm>>
    tpu.wait_dma2 semaphore(%arg14 : memref<!tpu.dma_semaphore, #tpu.memory_space<semaphore_mem>>) src(%dma_wait3A_1005 : memref<32xi32, #tpu.memory_space<hbm>>) dst(%dma_wait3A_1002 : memref<32xi32, #tpu.memory_space<vmem>>)
    %dma_wait3A_1006 = arith.constant 18 : i32
    %dma_wait3A_1007 = arith.constant 0 : i32
    %dma_wait3A_1008 = tpu.memref_slice %arg9[%dma_wait3A_1006, %dma_wait3A_1007] : memref<32x32xi32, #tpu.memory_space<vmem>> -> memref<1x32xi32, #tpu.memory_space<vmem>>
    %dma_wait3A_1009 = tpu.memref_squeeze %dma_wait3A_1008 : memref<1x32xi32, #tpu.memory_space<vmem>> -> memref<32xi32, #tpu.memory_space<vmem>>
    %dma_wait3A_1010 = arith.constant 0 : i32
    %dma_wait3A_1011 = tpu.memref_slice %arg4[%squeeze3A_322, %dma_wait3A_1010] : memref<1000x32xi32, #tpu.memory_space<hbm>> -> memref<1x32xi32, #tpu.memory_space<hbm>>
    %dma_wait3A_1012 = tpu.memref_squeeze %dma_wait3A_1011 : memref<1x32xi32, #tpu.memory_space<hbm>> -> memref<32xi32, #tpu.memory_space<hbm>>
    %dma_wait3A_1013 = arith.constant 0 : i32
    %dma_wait3A_1014 = tpu.memref_slice %arg9[%dma_wait3A_1006, %dma_wait3A_1013] : memref<32x32xi32, #tpu.memory_space<vmem>> -> memref<1x32xi32, #tpu.memory_space<vmem>>
    %dma_wait3A_1015 = tpu.memref_squeeze %dma_wait3A_1014 : memref<1x32xi32, #tpu.memory_space<vmem>> -> memref<32xi32, #tpu.memory_space<vmem>>
    %dma_wait3A_1016 = arith.constant 0 : i32
    %dma_wait3A_1017 = tpu.memref_slice %arg4[%squeeze3A_322, %dma_wait3A_1016] : memref<1000x32xi32, #tpu.memory_space<hbm>> -> memref<1x32xi32, #tpu.memory_space<hbm>>
    %dma_wait3A_1018 = tpu.memref_squeeze %dma_wait3A_1017 : memref<1x32xi32, #tpu.memory_space<hbm>> -> memref<32xi32, #tpu.memory_space<hbm>>
    tpu.wait_dma2 semaphore(%arg14 : memref<!tpu.dma_semaphore, #tpu.memory_space<semaphore_mem>>) src(%dma_wait3A_1018 : memref<32xi32, #tpu.memory_space<hbm>>) dst(%dma_wait3A_1015 : memref<32xi32, #tpu.memory_space<vmem>>)
    %dma_wait3A_1019 = arith.constant 19 : i32
    %dma_wait3A_1020 = arith.constant 0 : i32
    %dma_wait3A_1021 = tpu.memref_slice %arg9[%dma_wait3A_1019, %dma_wait3A_1020] : memref<32x32xi32, #tpu.memory_space<vmem>> -> memref<1x32xi32, #tpu.memory_space<vmem>>
    %dma_wait3A_1022 = tpu.memref_squeeze %dma_wait3A_1021 : memref<1x32xi32, #tpu.memory_space<vmem>> -> memref<32xi32, #tpu.memory_space<vmem>>
    %dma_wait3A_1023 = arith.constant 0 : i32
    %dma_wait3A_1024 = tpu.memref_slice %arg4[%squeeze3A_337, %dma_wait3A_1023] : memref<1000x32xi32, #tpu.memory_space<hbm>> -> memref<1x32xi32, #tpu.memory_space<hbm>>
    %dma_wait3A_1025 = tpu.memref_squeeze %dma_wait3A_1024 : memref<1x32xi32, #tpu.memory_space<hbm>> -> memref<32xi32, #tpu.memory_space<hbm>>
    %dma_wait3A_1026 = arith.constant 0 : i32
    %dma_wait3A_1027 = tpu.memref_slice %arg9[%dma_wait3A_1019, %dma_wait3A_1026] : memref<32x32xi32, #tpu.memory_space<vmem>> -> memref<1x32xi32, #tpu.memory_space<vmem>>
    %dma_wait3A_1028 = tpu.memref_squeeze %dma_wait3A_1027 : memref<1x32xi32, #tpu.memory_space<vmem>> -> memref<32xi32, #tpu.memory_space<vmem>>
    %dma_wait3A_1029 = arith.constant 0 : i32
    %dma_wait3A_1030 = tpu.memref_slice %arg4[%squeeze3A_337, %dma_wait3A_1029] : memref<1000x32xi32, #tpu.memory_space<hbm>> -> memref<1x32xi32, #tpu.memory_space<hbm>>
    %dma_wait3A_1031 = tpu.memref_squeeze %dma_wait3A_1030 : memref<1x32xi32, #tpu.memory_space<hbm>> -> memref<32xi32, #tpu.memory_space<hbm>>
    tpu.wait_dma2 semaphore(%arg14 : memref<!tpu.dma_semaphore, #tpu.memory_space<semaphore_mem>>) src(%dma_wait3A_1031 : memref<32xi32, #tpu.memory_space<hbm>>) dst(%dma_wait3A_1028 : memref<32xi32, #tpu.memory_space<vmem>>)
    %dma_wait3A_1032 = arith.constant 20 : i32
    %dma_wait3A_1033 = arith.constant 0 : i32
    %dma_wait3A_1034 = tpu.memref_slice %arg9[%dma_wait3A_1032, %dma_wait3A_1033] : memref<32x32xi32, #tpu.memory_space<vmem>> -> memref<1x32xi32, #tpu.memory_space<vmem>>
    %dma_wait3A_1035 = tpu.memref_squeeze %dma_wait3A_1034 : memref<1x32xi32, #tpu.memory_space<vmem>> -> memref<32xi32, #tpu.memory_space<vmem>>
    %dma_wait3A_1036 = arith.constant 0 : i32
    %dma_wait3A_1037 = tpu.memref_slice %arg4[%squeeze3A_352, %dma_wait3A_1036] : memref<1000x32xi32, #tpu.memory_space<hbm>> -> memref<1x32xi32, #tpu.memory_space<hbm>>
    %dma_wait3A_1038 = tpu.memref_squeeze %dma_wait3A_1037 : memref<1x32xi32, #tpu.memory_space<hbm>> -> memref<32xi32, #tpu.memory_space<hbm>>
    %dma_wait3A_1039 = arith.constant 0 : i32
    %dma_wait3A_1040 = tpu.memref_slice %arg9[%dma_wait3A_1032, %dma_wait3A_1039] : memref<32x32xi32, #tpu.memory_space<vmem>> -> memref<1x32xi32, #tpu.memory_space<vmem>>
    %dma_wait3A_1041 = tpu.memref_squeeze %dma_wait3A_1040 : memref<1x32xi32, #tpu.memory_space<vmem>> -> memref<32xi32, #tpu.memory_space<vmem>>
    %dma_wait3A_1042 = arith.constant 0 : i32
    %dma_wait3A_1043 = tpu.memref_slice %arg4[%squeeze3A_352, %dma_wait3A_1042] : memref<1000x32xi32, #tpu.memory_space<hbm>> -> memref<1x32xi32, #tpu.memory_space<hbm>>
    %dma_wait3A_1044 = tpu.memref_squeeze %dma_wait3A_1043 : memref<1x32xi32, #tpu.memory_space<hbm>> -> memref<32xi32, #tpu.memory_space<hbm>>
    tpu.wait_dma2 semaphore(%arg14 : memref<!tpu.dma_semaphore, #tpu.memory_space<semaphore_mem>>) src(%dma_wait3A_1044 : memref<32xi32, #tpu.memory_space<hbm>>) dst(%dma_wait3A_1041 : memref<32xi32, #tpu.memory_space<vmem>>)
    %dma_wait3A_1045 = arith.constant 21 : i32
    %dma_wait3A_1046 = arith.constant 0 : i32
    %dma_wait3A_1047 = tpu.memref_slice %arg9[%dma_wait3A_1045, %dma_wait3A_1046] : memref<32x32xi32, #tpu.memory_space<vmem>> -> memref<1x32xi32, #tpu.memory_space<vmem>>
    %dma_wait3A_1048 = tpu.memref_squeeze %dma_wait3A_1047 : memref<1x32xi32, #tpu.memory_space<vmem>> -> memref<32xi32, #tpu.memory_space<vmem>>
    %dma_wait3A_1049 = arith.constant 0 : i32
    %dma_wait3A_1050 = tpu.memref_slice %arg4[%squeeze3A_367, %dma_wait3A_1049] : memref<1000x32xi32, #tpu.memory_space<hbm>> -> memref<1x32xi32, #tpu.memory_space<hbm>>
    %dma_wait3A_1051 = tpu.memref_squeeze %dma_wait3A_1050 : memref<1x32xi32, #tpu.memory_space<hbm>> -> memref<32xi32, #tpu.memory_space<hbm>>
    %dma_wait3A_1052 = arith.constant 0 : i32
    %dma_wait3A_1053 = tpu.memref_slice %arg9[%dma_wait3A_1045, %dma_wait3A_1052] : memref<32x32xi32, #tpu.memory_space<vmem>> -> memref<1x32xi32, #tpu.memory_space<vmem>>
    %dma_wait3A_1054 = tpu.memref_squeeze %dma_wait3A_1053 : memref<1x32xi32, #tpu.memory_space<vmem>> -> memref<32xi32, #tpu.memory_space<vmem>>
    %dma_wait3A_1055 = arith.constant 0 : i32
    %dma_wait3A_1056 = tpu.memref_slice %arg4[%squeeze3A_367, %dma_wait3A_1055] : memref<1000x32xi32, #tpu.memory_space<hbm>> -> memref<1x32xi32, #tpu.memory_space<hbm>>
    %dma_wait3A_1057 = tpu.memref_squeeze %dma_wait3A_1056 : memref<1x32xi32, #tpu.memory_space<hbm>> -> memref<32xi32, #tpu.memory_space<hbm>>
    tpu.wait_dma2 semaphore(%arg14 : memref<!tpu.dma_semaphore, #tpu.memory_space<semaphore_mem>>) src(%dma_wait3A_1057 : memref<32xi32, #tpu.memory_space<hbm>>) dst(%dma_wait3A_1054 : memref<32xi32, #tpu.memory_space<vmem>>)
    %dma_wait3A_1058 = arith.constant 22 : i32
    %dma_wait3A_1059 = arith.constant 0 : i32
    %dma_wait3A_1060 = tpu.memref_slice %arg9[%dma_wait3A_1058, %dma_wait3A_1059] : memref<32x32xi32, #tpu.memory_space<vmem>> -> memref<1x32xi32, #tpu.memory_space<vmem>>
    %dma_wait3A_1061 = tpu.memref_squeeze %dma_wait3A_1060 : memref<1x32xi32, #tpu.memory_space<vmem>> -> memref<32xi32, #tpu.memory_space<vmem>>
    %dma_wait3A_1062 = arith.constant 0 : i32
    %dma_wait3A_1063 = tpu.memref_slice %arg4[%squeeze3A_382, %dma_wait3A_1062] : memref<1000x32xi32, #tpu.memory_space<hbm>> -> memref<1x32xi32, #tpu.memory_space<hbm>>
    %dma_wait3A_1064 = tpu.memref_squeeze %dma_wait3A_1063 : memref<1x32xi32, #tpu.memory_space<hbm>> -> memref<32xi32, #tpu.memory_space<hbm>>
    %dma_wait3A_1065 = arith.constant 0 : i32
    %dma_wait3A_1066 = tpu.memref_slice %arg9[%dma_wait3A_1058, %dma_wait3A_1065] : memref<32x32xi32, #tpu.memory_space<vmem>> -> memref<1x32xi32, #tpu.memory_space<vmem>>
    %dma_wait3A_1067 = tpu.memref_squeeze %dma_wait3A_1066 : memref<1x32xi32, #tpu.memory_space<vmem>> -> memref<32xi32, #tpu.memory_space<vmem>>
    %dma_wait3A_1068 = arith.constant 0 : i32
    %dma_wait3A_1069 = tpu.memref_slice %arg4[%squeeze3A_382, %dma_wait3A_1068] : memref<1000x32xi32, #tpu.memory_space<hbm>> -> memref<1x32xi32, #tpu.memory_space<hbm>>
    %dma_wait3A_1070 = tpu.memref_squeeze %dma_wait3A_1069 : memref<1x32xi32, #tpu.memory_space<hbm>> -> memref<32xi32, #tpu.memory_space<hbm>>
    tpu.wait_dma2 semaphore(%arg14 : memref<!tpu.dma_semaphore, #tpu.memory_space<semaphore_mem>>) src(%dma_wait3A_1070 : memref<32xi32, #tpu.memory_space<hbm>>) dst(%dma_wait3A_1067 : memref<32xi32, #tpu.memory_space<vmem>>)
    %dma_wait3A_1071 = arith.constant 23 : i32
    %dma_wait3A_1072 = arith.constant 0 : i32
    %dma_wait3A_1073 = tpu.memref_slice %arg9[%dma_wait3A_1071, %dma_wait3A_1072] : memref<32x32xi32, #tpu.memory_space<vmem>> -> memref<1x32xi32, #tpu.memory_space<vmem>>
    %dma_wait3A_1074 = tpu.memref_squeeze %dma_wait3A_1073 : memref<1x32xi32, #tpu.memory_space<vmem>> -> memref<32xi32, #tpu.memory_space<vmem>>
    %dma_wait3A_1075 = arith.constant 0 : i32
    %dma_wait3A_1076 = tpu.memref_slice %arg4[%squeeze3A_397, %dma_wait3A_1075] : memref<1000x32xi32, #tpu.memory_space<hbm>> -> memref<1x32xi32, #tpu.memory_space<hbm>>
    %dma_wait3A_1077 = tpu.memref_squeeze %dma_wait3A_1076 : memref<1x32xi32, #tpu.memory_space<hbm>> -> memref<32xi32, #tpu.memory_space<hbm>>
    %dma_wait3A_1078 = arith.constant 0 : i32
    %dma_wait3A_1079 = tpu.memref_slice %arg9[%dma_wait3A_1071, %dma_wait3A_1078] : memref<32x32xi32, #tpu.memory_space<vmem>> -> memref<1x32xi32, #tpu.memory_space<vmem>>
    %dma_wait3A_1080 = tpu.memref_squeeze %dma_wait3A_1079 : memref<1x32xi32, #tpu.memory_space<vmem>> -> memref<32xi32, #tpu.memory_space<vmem>>
    %dma_wait3A_1081 = arith.constant 0 : i32
    %dma_wait3A_1082 = tpu.memref_slice %arg4[%squeeze3A_397, %dma_wait3A_1081] : memref<1000x32xi32, #tpu.memory_space<hbm>> -> memref<1x32xi32, #tpu.memory_space<hbm>>
    %dma_wait3A_1083 = tpu.memref_squeeze %dma_wait3A_1082 : memref<1x32xi32, #tpu.memory_space<hbm>> -> memref<32xi32, #tpu.memory_space<hbm>>
    tpu.wait_dma2 semaphore(%arg14 : memref<!tpu.dma_semaphore, #tpu.memory_space<semaphore_mem>>) src(%dma_wait3A_1083 : memref<32xi32, #tpu.memory_space<hbm>>) dst(%dma_wait3A_1080 : memref<32xi32, #tpu.memory_space<vmem>>)
    %dma_wait3A_1084 = arith.constant 24 : i32
    %dma_wait3A_1085 = arith.constant 0 : i32
    %dma_wait3A_1086 = tpu.memref_slice %arg9[%dma_wait3A_1084, %dma_wait3A_1085] : memref<32x32xi32, #tpu.memory_space<vmem>> -> memref<1x32xi32, #tpu.memory_space<vmem>>
    %dma_wait3A_1087 = tpu.memref_squeeze %dma_wait3A_1086 : memref<1x32xi32, #tpu.memory_space<vmem>> -> memref<32xi32, #tpu.memory_space<vmem>>
    %dma_wait3A_1088 = arith.constant 0 : i32
    %dma_wait3A_1089 = tpu.memref_slice %arg4[%squeeze3A_412, %dma_wait3A_1088] : memref<1000x32xi32, #tpu.memory_space<hbm>> -> memref<1x32xi32, #tpu.memory_space<hbm>>
    %dma_wait3A_1090 = tpu.memref_squeeze %dma_wait3A_1089 : memref<1x32xi32, #tpu.memory_space<hbm>> -> memref<32xi32, #tpu.memory_space<hbm>>
    %dma_wait3A_1091 = arith.constant 0 : i32
    %dma_wait3A_1092 = tpu.memref_slice %arg9[%dma_wait3A_1084, %dma_wait3A_1091] : memref<32x32xi32, #tpu.memory_space<vmem>> -> memref<1x32xi32, #tpu.memory_space<vmem>>
    %dma_wait3A_1093 = tpu.memref_squeeze %dma_wait3A_1092 : memref<1x32xi32, #tpu.memory_space<vmem>> -> memref<32xi32, #tpu.memory_space<vmem>>
    %dma_wait3A_1094 = arith.constant 0 : i32
    %dma_wait3A_1095 = tpu.memref_slice %arg4[%squeeze3A_412, %dma_wait3A_1094] : memref<1000x32xi32, #tpu.memory_space<hbm>> -> memref<1x32xi32, #tpu.memory_space<hbm>>
    %dma_wait3A_1096 = tpu.memref_squeeze %dma_wait3A_1095 : memref<1x32xi32, #tpu.memory_space<hbm>> -> memref<32xi32, #tpu.memory_space<hbm>>
    tpu.wait_dma2 semaphore(%arg14 : memref<!tpu.dma_semaphore, #tpu.memory_space<semaphore_mem>>) src(%dma_wait3A_1096 : memref<32xi32, #tpu.memory_space<hbm>>) dst(%dma_wait3A_1093 : memref<32xi32, #tpu.memory_space<vmem>>)
    %dma_wait3A_1097 = arith.constant 25 : i32
    %dma_wait3A_1098 = arith.constant 0 : i32
    %dma_wait3A_1099 = tpu.memref_slice %arg9[%dma_wait3A_1097, %dma_wait3A_1098] : memref<32x32xi32, #tpu.memory_space<vmem>> -> memref<1x32xi32, #tpu.memory_space<vmem>>
    %dma_wait3A_1100 = tpu.memref_squeeze %dma_wait3A_1099 : memref<1x32xi32, #tpu.memory_space<vmem>> -> memref<32xi32, #tpu.memory_space<vmem>>
    %dma_wait3A_1101 = arith.constant 0 : i32
    %dma_wait3A_1102 = tpu.memref_slice %arg4[%squeeze3A_427, %dma_wait3A_1101] : memref<1000x32xi32, #tpu.memory_space<hbm>> -> memref<1x32xi32, #tpu.memory_space<hbm>>
    %dma_wait3A_1103 = tpu.memref_squeeze %dma_wait3A_1102 : memref<1x32xi32, #tpu.memory_space<hbm>> -> memref<32xi32, #tpu.memory_space<hbm>>
    %dma_wait3A_1104 = arith.constant 0 : i32
    %dma_wait3A_1105 = tpu.memref_slice %arg9[%dma_wait3A_1097, %dma_wait3A_1104] : memref<32x32xi32, #tpu.memory_space<vmem>> -> memref<1x32xi32, #tpu.memory_space<vmem>>
    %dma_wait3A_1106 = tpu.memref_squeeze %dma_wait3A_1105 : memref<1x32xi32, #tpu.memory_space<vmem>> -> memref<32xi32, #tpu.memory_space<vmem>>
    %dma_wait3A_1107 = arith.constant 0 : i32
    %dma_wait3A_1108 = tpu.memref_slice %arg4[%squeeze3A_427, %dma_wait3A_1107] : memref<1000x32xi32, #tpu.memory_space<hbm>> -> memref<1x32xi32, #tpu.memory_space<hbm>>
    %dma_wait3A_1109 = tpu.memref_squeeze %dma_wait3A_1108 : memref<1x32xi32, #tpu.memory_space<hbm>> -> memref<32xi32, #tpu.memory_space<hbm>>
    tpu.wait_dma2 semaphore(%arg14 : memref<!tpu.dma_semaphore, #tpu.memory_space<semaphore_mem>>) src(%dma_wait3A_1109 : memref<32xi32, #tpu.memory_space<hbm>>) dst(%dma_wait3A_1106 : memref<32xi32, #tpu.memory_space<vmem>>)
    %dma_wait3A_1110 = arith.constant 26 : i32
    %dma_wait3A_1111 = arith.constant 0 : i32
    %dma_wait3A_1112 = tpu.memref_slice %arg9[%dma_wait3A_1110, %dma_wait3A_1111] : memref<32x32xi32, #tpu.memory_space<vmem>> -> memref<1x32xi32, #tpu.memory_space<vmem>>
    %dma_wait3A_1113 = tpu.memref_squeeze %dma_wait3A_1112 : memref<1x32xi32, #tpu.memory_space<vmem>> -> memref<32xi32, #tpu.memory_space<vmem>>
    %dma_wait3A_1114 = arith.constant 0 : i32
    %dma_wait3A_1115 = tpu.memref_slice %arg4[%squeeze3A_442, %dma_wait3A_1114] : memref<1000x32xi32, #tpu.memory_space<hbm>> -> memref<1x32xi32, #tpu.memory_space<hbm>>
    %dma_wait3A_1116 = tpu.memref_squeeze %dma_wait3A_1115 : memref<1x32xi32, #tpu.memory_space<hbm>> -> memref<32xi32, #tpu.memory_space<hbm>>
    %dma_wait3A_1117 = arith.constant 0 : i32
    %dma_wait3A_1118 = tpu.memref_slice %arg9[%dma_wait3A_1110, %dma_wait3A_1117] : memref<32x32xi32, #tpu.memory_space<vmem>> -> memref<1x32xi32, #tpu.memory_space<vmem>>
    %dma_wait3A_1119 = tpu.memref_squeeze %dma_wait3A_1118 : memref<1x32xi32, #tpu.memory_space<vmem>> -> memref<32xi32, #tpu.memory_space<vmem>>
    %dma_wait3A_1120 = arith.constant 0 : i32
    %dma_wait3A_1121 = tpu.memref_slice %arg4[%squeeze3A_442, %dma_wait3A_1120] : memref<1000x32xi32, #tpu.memory_space<hbm>> -> memref<1x32xi32, #tpu.memory_space<hbm>>
    %dma_wait3A_1122 = tpu.memref_squeeze %dma_wait3A_1121 : memref<1x32xi32, #tpu.memory_space<hbm>> -> memref<32xi32, #tpu.memory_space<hbm>>
    tpu.wait_dma2 semaphore(%arg14 : memref<!tpu.dma_semaphore, #tpu.memory_space<semaphore_mem>>) src(%dma_wait3A_1122 : memref<32xi32, #tpu.memory_space<hbm>>) dst(%dma_wait3A_1119 : memref<32xi32, #tpu.memory_space<vmem>>)
    %dma_wait3A_1123 = arith.constant 27 : i32
    %dma_wait3A_1124 = arith.constant 0 : i32
    %dma_wait3A_1125 = tpu.memref_slice %arg9[%dma_wait3A_1123, %dma_wait3A_1124] : memref<32x32xi32, #tpu.memory_space<vmem>> -> memref<1x32xi32, #tpu.memory_space<vmem>>
    %dma_wait3A_1126 = tpu.memref_squeeze %dma_wait3A_1125 : memref<1x32xi32, #tpu.memory_space<vmem>> -> memref<32xi32, #tpu.memory_space<vmem>>
    %dma_wait3A_1127 = arith.constant 0 : i32
    %dma_wait3A_1128 = tpu.memref_slice %arg4[%squeeze3A_457, %dma_wait3A_1127] : memref<1000x32xi32, #tpu.memory_space<hbm>> -> memref<1x32xi32, #tpu.memory_space<hbm>>
    %dma_wait3A_1129 = tpu.memref_squeeze %dma_wait3A_1128 : memref<1x32xi32, #tpu.memory_space<hbm>> -> memref<32xi32, #tpu.memory_space<hbm>>
    %dma_wait3A_1130 = arith.constant 0 : i32
    %dma_wait3A_1131 = tpu.memref_slice %arg9[%dma_wait3A_1123, %dma_wait3A_1130] : memref<32x32xi32, #tpu.memory_space<vmem>> -> memref<1x32xi32, #tpu.memory_space<vmem>>
    %dma_wait3A_1132 = tpu.memref_squeeze %dma_wait3A_1131 : memref<1x32xi32, #tpu.memory_space<vmem>> -> memref<32xi32, #tpu.memory_space<vmem>>
    %dma_wait3A_1133 = arith.constant 0 : i32
    %dma_wait3A_1134 = tpu.memref_slice %arg4[%squeeze3A_457, %dma_wait3A_1133] : memref<1000x32xi32, #tpu.memory_space<hbm>> -> memref<1x32xi32, #tpu.memory_space<hbm>>
    %dma_wait3A_1135 = tpu.memref_squeeze %dma_wait3A_1134 : memref<1x32xi32, #tpu.memory_space<hbm>> -> memref<32xi32, #tpu.memory_space<hbm>>
    tpu.wait_dma2 semaphore(%arg14 : memref<!tpu.dma_semaphore, #tpu.memory_space<semaphore_mem>>) src(%dma_wait3A_1135 : memref<32xi32, #tpu.memory_space<hbm>>) dst(%dma_wait3A_1132 : memref<32xi32, #tpu.memory_space<vmem>>)
    %dma_wait3A_1136 = arith.constant 28 : i32
    %dma_wait3A_1137 = arith.constant 0 : i32
    %dma_wait3A_1138 = tpu.memref_slice %arg9[%dma_wait3A_1136, %dma_wait3A_1137] : memref<32x32xi32, #tpu.memory_space<vmem>> -> memref<1x32xi32, #tpu.memory_space<vmem>>
    %dma_wait3A_1139 = tpu.memref_squeeze %dma_wait3A_1138 : memref<1x32xi32, #tpu.memory_space<vmem>> -> memref<32xi32, #tpu.memory_space<vmem>>
    %dma_wait3A_1140 = arith.constant 0 : i32
    %dma_wait3A_1141 = tpu.memref_slice %arg4[%squeeze3A_472, %dma_wait3A_1140] : memref<1000x32xi32, #tpu.memory_space<hbm>> -> memref<1x32xi32, #tpu.memory_space<hbm>>
    %dma_wait3A_1142 = tpu.memref_squeeze %dma_wait3A_1141 : memref<1x32xi32, #tpu.memory_space<hbm>> -> memref<32xi32, #tpu.memory_space<hbm>>
    %dma_wait3A_1143 = arith.constant 0 : i32
    %dma_wait3A_1144 = tpu.memref_slice %arg9[%dma_wait3A_1136, %dma_wait3A_1143] : memref<32x32xi32, #tpu.memory_space<vmem>> -> memref<1x32xi32, #tpu.memory_space<vmem>>
    %dma_wait3A_1145 = tpu.memref_squeeze %dma_wait3A_1144 : memref<1x32xi32, #tpu.memory_space<vmem>> -> memref<32xi32, #tpu.memory_space<vmem>>
    %dma_wait3A_1146 = arith.constant 0 : i32
    %dma_wait3A_1147 = tpu.memref_slice %arg4[%squeeze3A_472, %dma_wait3A_1146] : memref<1000x32xi32, #tpu.memory_space<hbm>> -> memref<1x32xi32, #tpu.memory_space<hbm>>
    %dma_wait3A_1148 = tpu.memref_squeeze %dma_wait3A_1147 : memref<1x32xi32, #tpu.memory_space<hbm>> -> memref<32xi32, #tpu.memory_space<hbm>>
    tpu.wait_dma2 semaphore(%arg14 : memref<!tpu.dma_semaphore, #tpu.memory_space<semaphore_mem>>) src(%dma_wait3A_1148 : memref<32xi32, #tpu.memory_space<hbm>>) dst(%dma_wait3A_1145 : memref<32xi32, #tpu.memory_space<vmem>>)
    %dma_wait3A_1149 = arith.constant 29 : i32
    %dma_wait3A_1150 = arith.constant 0 : i32
    %dma_wait3A_1151 = tpu.memref_slice %arg9[%dma_wait3A_1149, %dma_wait3A_1150] : memref<32x32xi32, #tpu.memory_space<vmem>> -> memref<1x32xi32, #tpu.memory_space<vmem>>
    %dma_wait3A_1152 = tpu.memref_squeeze %dma_wait3A_1151 : memref<1x32xi32, #tpu.memory_space<vmem>> -> memref<32xi32, #tpu.memory_space<vmem>>
    %dma_wait3A_1153 = arith.constant 0 : i32
    %dma_wait3A_1154 = tpu.memref_slice %arg4[%squeeze3A_487, %dma_wait3A_1153] : memref<1000x32xi32, #tpu.memory_space<hbm>> -> memref<1x32xi32, #tpu.memory_space<hbm>>
    %dma_wait3A_1155 = tpu.memref_squeeze %dma_wait3A_1154 : memref<1x32xi32, #tpu.memory_space<hbm>> -> memref<32xi32, #tpu.memory_space<hbm>>
    %dma_wait3A_1156 = arith.constant 0 : i32
    %dma_wait3A_1157 = tpu.memref_slice %arg9[%dma_wait3A_1149, %dma_wait3A_1156] : memref<32x32xi32, #tpu.memory_space<vmem>> -> memref<1x32xi32, #tpu.memory_space<vmem>>
    %dma_wait3A_1158 = tpu.memref_squeeze %dma_wait3A_1157 : memref<1x32xi32, #tpu.memory_space<vmem>> -> memref<32xi32, #tpu.memory_space<vmem>>
    %dma_wait3A_1159 = arith.constant 0 : i32
    %dma_wait3A_1160 = tpu.memref_slice %arg4[%squeeze3A_487, %dma_wait3A_1159] : memref<1000x32xi32, #tpu.memory_space<hbm>> -> memref<1x32xi32, #tpu.memory_space<hbm>>
    %dma_wait3A_1161 = tpu.memref_squeeze %dma_wait3A_1160 : memref<1x32xi32, #tpu.memory_space<hbm>> -> memref<32xi32, #tpu.memory_space<hbm>>
    tpu.wait_dma2 semaphore(%arg14 : memref<!tpu.dma_semaphore, #tpu.memory_space<semaphore_mem>>) src(%dma_wait3A_1161 : memref<32xi32, #tpu.memory_space<hbm>>) dst(%dma_wait3A_1158 : memref<32xi32, #tpu.memory_space<vmem>>)
    %dma_wait3A_1162 = arith.constant 30 : i32
    %dma_wait3A_1163 = arith.constant 0 : i32
    %dma_wait3A_1164 = tpu.memref_slice %arg9[%dma_wait3A_1162, %dma_wait3A_1163] : memref<32x32xi32, #tpu.memory_space<vmem>> -> memref<1x32xi32, #tpu.memory_space<vmem>>
    %dma_wait3A_1165 = tpu.memref_squeeze %dma_wait3A_1164 : memref<1x32xi32, #tpu.memory_space<vmem>> -> memref<32xi32, #tpu.memory_space<vmem>>
    %dma_wait3A_1166 = arith.constant 0 : i32
    %dma_wait3A_1167 = tpu.memref_slice %arg4[%squeeze3A_502, %dma_wait3A_1166] : memref<1000x32xi32, #tpu.memory_space<hbm>> -> memref<1x32xi32, #tpu.memory_space<hbm>>
    %dma_wait3A_1168 = tpu.memref_squeeze %dma_wait3A_1167 : memref<1x32xi32, #tpu.memory_space<hbm>> -> memref<32xi32, #tpu.memory_space<hbm>>
    %dma_wait3A_1169 = arith.constant 0 : i32
    %dma_wait3A_1170 = tpu.memref_slice %arg9[%dma_wait3A_1162, %dma_wait3A_1169] : memref<32x32xi32, #tpu.memory_space<vmem>> -> memref<1x32xi32, #tpu.memory_space<vmem>>
    %dma_wait3A_1171 = tpu.memref_squeeze %dma_wait3A_1170 : memref<1x32xi32, #tpu.memory_space<vmem>> -> memref<32xi32, #tpu.memory_space<vmem>>
    %dma_wait3A_1172 = arith.constant 0 : i32
    %dma_wait3A_1173 = tpu.memref_slice %arg4[%squeeze3A_502, %dma_wait3A_1172] : memref<1000x32xi32, #tpu.memory_space<hbm>> -> memref<1x32xi32, #tpu.memory_space<hbm>>
    %dma_wait3A_1174 = tpu.memref_squeeze %dma_wait3A_1173 : memref<1x32xi32, #tpu.memory_space<hbm>> -> memref<32xi32, #tpu.memory_space<hbm>>
    tpu.wait_dma2 semaphore(%arg14 : memref<!tpu.dma_semaphore, #tpu.memory_space<semaphore_mem>>) src(%dma_wait3A_1174 : memref<32xi32, #tpu.memory_space<hbm>>) dst(%dma_wait3A_1171 : memref<32xi32, #tpu.memory_space<vmem>>)
    %dma_wait3A_1175 = arith.constant 31 : i32
    %dma_wait3A_1176 = arith.constant 0 : i32
    %dma_wait3A_1177 = tpu.memref_slice %arg9[%dma_wait3A_1175, %dma_wait3A_1176] : memref<32x32xi32, #tpu.memory_space<vmem>> -> memref<1x32xi32, #tpu.memory_space<vmem>>
    %dma_wait3A_1178 = tpu.memref_squeeze %dma_wait3A_1177 : memref<1x32xi32, #tpu.memory_space<vmem>> -> memref<32xi32, #tpu.memory_space<vmem>>
    %dma_wait3A_1179 = arith.constant 0 : i32
    %dma_wait3A_1180 = tpu.memref_slice %arg4[%squeeze3A_517, %dma_wait3A_1179] : memref<1000x32xi32, #tpu.memory_space<hbm>> -> memref<1x32xi32, #tpu.memory_space<hbm>>
    %dma_wait3A_1181 = tpu.memref_squeeze %dma_wait3A_1180 : memref<1x32xi32, #tpu.memory_space<hbm>> -> memref<32xi32, #tpu.memory_space<hbm>>
    %dma_wait3A_1182 = arith.constant 0 : i32
    %dma_wait3A_1183 = tpu.memref_slice %arg9[%dma_wait3A_1175, %dma_wait3A_1182] : memref<32x32xi32, #tpu.memory_space<vmem>> -> memref<1x32xi32, #tpu.memory_space<vmem>>
    %dma_wait3A_1184 = tpu.memref_squeeze %dma_wait3A_1183 : memref<1x32xi32, #tpu.memory_space<vmem>> -> memref<32xi32, #tpu.memory_space<vmem>>
    %dma_wait3A_1185 = arith.constant 0 : i32
    %dma_wait3A_1186 = tpu.memref_slice %arg4[%squeeze3A_517, %dma_wait3A_1185] : memref<1000x32xi32, #tpu.memory_space<hbm>> -> memref<1x32xi32, #tpu.memory_space<hbm>>
    %dma_wait3A_1187 = tpu.memref_squeeze %dma_wait3A_1186 : memref<1x32xi32, #tpu.memory_space<hbm>> -> memref<32xi32, #tpu.memory_space<hbm>>
    tpu.wait_dma2 semaphore(%arg14 : memref<!tpu.dma_semaphore, #tpu.memory_space<semaphore_mem>>) src(%dma_wait3A_1187 : memref<32xi32, #tpu.memory_space<hbm>>) dst(%dma_wait3A_1184 : memref<32xi32, #tpu.memory_space<vmem>>)
    "tpu.region"() ({
      %run_scoped3A = tpu.sem_alloc : memref<!tpu.dma_semaphore, #tpu.memory_space<semaphore_mem>>
      %dma_start3A_1188 = arith.constant 0 : i32
      %dma_start3A_1189 = tpu.memref_slice %arg6[%mul3A_47, %dma_start3A_1188] : memref<1024x32xi32, #tpu.memory_space<hbm>> -> memref<32x32xi32, #tpu.memory_space<hbm>>
      %dma_start3A_1190 = arith.constant 0 : i32
      %dma_start3A_1191 = tpu.memref_slice %arg6[%mul3A_47, %dma_start3A_1190] : memref<1024x32xi32, #tpu.memory_space<hbm>> -> memref<32x32xi32, #tpu.memory_space<hbm>>
      tpu.enqueue_dma source(%arg9 : memref<32x32xi32, #tpu.memory_space<vmem>>) target(%dma_start3A_1191 : memref<32x32xi32, #tpu.memory_space<hbm>>) target_semaphore(%run_scoped3A : memref<!tpu.dma_semaphore, #tpu.memory_space<semaphore_mem>>)
      %dma_wait3A_1192 = arith.constant 0 : i32
      %dma_wait3A_1193 = tpu.memref_slice %arg6[%mul3A_47, %dma_wait3A_1192] : memref<1024x32xi32, #tpu.memory_space<hbm>> -> memref<32x32xi32, #tpu.memory_space<hbm>>
      %dma_wait3A_1194 = arith.constant 0 : i32
      %dma_wait3A_1195 = tpu.memref_slice %arg6[%mul3A_47, %dma_wait3A_1194] : memref<1024x32xi32, #tpu.memory_space<hbm>> -> memref<32x32xi32, #tpu.memory_space<hbm>>
      tpu.wait_dma2 semaphore(%run_scoped3A : memref<!tpu.dma_semaphore, #tpu.memory_space<semaphore_mem>>) src(%arg9 : memref<32x32xi32, #tpu.memory_space<vmem>>) dst(%dma_wait3A_1195 : memref<32x32xi32, #tpu.memory_space<hbm>>)
      tpu.yield
    }) : () -> ()
    return
  }
}

</mosaic_0001>

<sc_bundles>
// kernel: kernel.3.cloned.1.call-start
scs
__scs_entry_jumppad:
0x0: {  	(pc) =	sbr.rel $0x88, $3  }
0x1: {  	(tag) =	ssettag $0x0;
	lr =	simm.s32 $0x1  }
0x2: {  	[smem:$0x3F9E] =	sst lr;
	_ =	strace $0xD0000000  }
0x3: {  	_ = 	snop  }
0x4: {  	_ = 	snop  }
0x5: {  	_ = 	snop  }
0x6: {  	_ = 	snop  }
0x7: {  	_ = 	snop  }
__scs_overlays_trampoline_lowered:
0x8: {  	[smem:$0x3FAD] =	sst s0  }
0x9: {  	[smem:$0x3FAE] =	sst s1  }
0xa: {  	[smem:$0x3FAF] =	sst s2  }
0xb: {  	[smem:$0x3FB0] =	sst s3  }
0xc: {  	[smem:$0x3FB1] =	sst s4  }
0xd: {  	[smem:$0x3FB2] =	sst s5  }
0xe: {  	[smem:$0x3FB3] =	sst s6  }
0xf: {  	[smem:$0x3FB4] =	sst s7  }
0x10: {  	[smem:$0x3FB5] =	sst s8  }
0x11: {  	[smem:$0x3FB6] =	sst s9;
	s0 =	simm.s32 @!p0 $0x0  }
0x12: {  	s1 =	sld [smem:$0x3F9C];
	s0 =	simm.s32 @p0 $0x1  }
0x13: {  	[smem:$0x3FB7] =	sst s0;
	s0 =	simm.s32 @!p1 $0x0  }
0x14: {  	s2 =	sld [smem:$0x3F9B];
	s0 =	simm.s32 @p1 $0x1  }
0x15: {  	[smem:$0x3FB8] =	sst s0;
	s0 =	simm.s32 @!p2 $0x0  }
0x16: {  	s3 =	sld [smem:$0x3FDB];
	s0 =	simm.s32 @p2 $0x1  }
0x17: {  	s4 =	simm.s32 $0x1BF5;
	[smem:$0x3FBA] =	sst s0  }
0x18: {  	s0 =	sld [smem:$0x3F9D];
	_ =	swait.ge [sflag:s4], $0x0  }
0x19: {  	s7 =	sld [smem:$0x3F9E]  }
0x1a: {  	s8 =	sadd.s32 $0xFFFFE003, lr  }
0x1b: {  	s9 =	sadd.s32 $0xFFFFFEF7, lr;
	s5 =	simm.s32 $0xFFFFFFFF;
	p2 =	slt.u32 s8, $0xFFFFF086  }
0x1c: {  	p1 =	slt.u32 s9, $0xF7A;
	s5 =	simm.s32 @!p2 $0x0  }
0x1d: {  	s5 =	simm.s32 @p1 $0x1;
	p0 =	seq.s32 s7, s2  }
0x1e: {  	s7 =	smul.u32 @!p0 $0xF7A, s2;
	p2 =	seq.s32 @!p0 s5, $0x0  }
0x1f: {  	s9 =	smul.u32 $0xF7A, s1;
	s8 =	simm.s32 @!p0 $0x1BF5;
	p2 =	por !p2, p0  }
0x20: {  	[sflag:s8] =	ssyncset.s32 @!p0 $0xFFFFF086;
	s6 =	sadd.s32 @!p0 s3, s7;
	s7 =	simm.s32 @!p0 $0x108  }
0x21: {  	s3 =	sadd.s32 s3, s9;
	s6 =	sadd.s32 @!p0 $0x88, s6;
	s7 =	simm.s32 @p2 $0x1082  }
0x22: {  	[simem:s7], [sflag:s8] =	dma.local @!p0 [hbm:s6], $0xF7A  }
0x23: {  	s9 =	sor.u32 $0xD0000000, s2;
	s6 =	simm.s32 $0x108;
	_ =	swait.ge @!p0 [sflag:s8], $0x0  }
0x24: {  	s3 =	sadd.s32 $0x88, s3;
	s6 =	simm.s32 @!p1 $0x1082;
	[sflag:s4] =	ssyncset.s32 $0xFFFFF086  }
0x25: {  	[simem:s6], [sflag:s4] =	dma.local [hbm:s3], $0xF7A  }
0x26: {  	[smem:$0x3F9E] =	sst s1;
	(tag) =	ssettag s2;
	_ =	strace s9  }
0x27: {  	s1 =	sld [smem:$0x3FAE]  }
0x28: {  	s2 =	sld [smem:$0x3FAF]  }
0x29: {  	s4 =	sld [smem:$0x3FB1]  }
0x2a: {  	p0 =	seq.s32 s5, $0x0;
	s5 =	sld [smem:$0x3FB2]  }
0x2b: {  	s6 =	sld [smem:$0x3FB3]  }
0x2c: {  	s7 =	sld [smem:$0x3FB4]  }
0x2d: {  	s3 =	simm.s32 $0x108;
	s8 =	sld [smem:$0x3FB5]  }
0x2e: {  	s3 =	simm.s32 @!p0 $0x1082;
	s9 =	sld [smem:$0x3FB6]  }
0x2f: {  	lr =	sadd.s32 s0, s3;
	s0 =	sld [smem:$0x3FAD]  }
0x30: {  	s3 =	sld [smem:$0x3FB0]  }
0x31: {  	[smem:$0x3FB9] =	sst s10  }
0x32: {  	s10 =	sld [smem:$0x3FB7];
	_ =	sdelay $0x3  }
0x33: {  	p0 =	seq.s32 s10, $0x1;
	s10 =	sld [smem:$0x3FB9];
	_ =	sdelay $0x3  }
0x34: {  	[smem:$0x3FB9] =	sst s10  }
0x35: {  	s10 =	sld [smem:$0x3FB8];
	_ =	sdelay $0x3  }
0x36: {  	p1 =	seq.s32 s10, $0x1;
	s10 =	sld [smem:$0x3FB9];
	_ =	sdelay $0x3  }
0x37: {  	[smem:$0x3FB9] =	sst s10  }
0x38: {  	s10 =	sld [smem:$0x3FBA]  }
0x39: {  	_ = 	snop;
	(pc) =	sbr.ind lr, $3  }
0x3a: {  	_ = 	snop  }
0x3b: {  	_ = 	snop  }
0x3c: {  	p2 =	seq.s32 s10, $0x1;
	s10 =	sld [smem:$0x3FB9]  }
0x3d: {  	_ =	shalt  }
0x3e: {  	_ =	shalt  }
0x3f: {  	_ =	shalt  }
0x40: {  	_ =	shalt  }
0x41: {  	_ =	shalt  }
0x42: {  	_ =	shalt  }
0x43: {  	_ =	shalt  }
0x44: {  	_ =	shalt  }
0x45: {  	_ =	shalt  }
0x46: {  	_ =	shalt  }
0x47: {  	_ =	shalt  }
0x48: {  	_ =	shalt  }
0x49: {  	_ =	shalt  }
0x4a: {  	_ =	shalt  }
0x4b: {  	_ =	shalt  }
0x4c: {  	_ =	shalt  }
0x4d: {  	_ =	shalt  }
0x4e: {  	_ =	shalt  }
0x4f: {  	_ =	shalt  }
0x50: {  	_ =	shalt  }
0x51: {  	_ =	shalt  }
0x52: {  	_ =	shalt  }
0x53: {  	_ =	shalt  }
0x54: {  	_ =	shalt  }
0x55: {  	_ =	shalt  }
0x56: {  	_ =	shalt  }
0x57: {  	_ =	shalt  }
0x58: {  	_ =	shalt  }
0x59: {  	_ =	shalt  }
0x5a: {  	_ =	shalt  }
0x5b: {  	_ =	shalt  }
0x5c: {  	_ =	shalt  }
0x5d: {  	_ =	shalt  }
0x5e: {  	_ =	shalt  }
0x5f: {  	_ =	shalt  }
0x60: {  	_ =	shalt  }
0x61: {  	_ =	shalt  }
0x62: {  	_ =	shalt  }
0x63: {  	_ =	shalt  }
0x64: {  	_ =	shalt  }
0x65: {  	_ =	shalt  }
0x66: {  	_ =	shalt  }
0x67: {  	_ =	shalt  }
0x68: {  	_ =	shalt  }
0x69: {  	_ =	shalt  }
0x6a: {  	_ =	shalt  }
0x6b: {  	_ =	shalt  }
0x6c: {  	_ =	shalt  }
0x6d: {  	_ =	shalt  }
0x6e: {  	_ =	shalt  }
0x6f: {  	_ =	shalt  }
0x70: {  	_ =	shalt  }
0x71: {  	_ =	shalt  }
0x72: {  	_ =	shalt  }
0x73: {  	_ =	shalt  }
0x74: {  	_ =	shalt  }
0x75: {  	_ =	shalt  }
0x76: {  	_ =	shalt  }
0x77: {  	_ =	shalt  }
0x78: {  	_ =	shalt  }
0x79: {  	_ =	shalt  }
0x7a: {  	_ =	shalt  }
0x7b: {  	_ =	shalt  }
0x7c: {  	_ =	shalt  }
0x7d: {  	_ =	shalt  }
0x7e: {  	_ =	shalt  }
0x7f: {  	_ =	shalt  }
0x80: {  	_ =	shalt  }
0x81: {  	_ =	shalt  }
0x82: {  	_ =	shalt  }
0x83: {  	_ =	shalt  }
0x84: {  	_ =	shalt  }
0x85: {  	_ =	shalt  }
0x86: {  	_ =	shalt  }
0x87: {  	_ =	shalt  }
.Lfunc_end0:
.L_simem_size_0:
called_computation_lowered:
.L_overlay_start_0:
0x88: {  	s2 =	sld [smem:$0x3FD9]  }
0x89: {  	s3 =	sld [smem:$0x3FFE];
	_ =	sdelay $0x1  }
0x8a: {  	s1 =	srdreg.scid  }
0x8b: {  	s0 =	sand.u32 $0x1, s1  }
0x8c: {  	s14 =	sshll.u32 s0, $0xA;
	s2 =	sadd.s32 s3, s2  }
0x8d: {  	s2 =	sadd.s32 s2, s14  }
0x8e: {  	[smem:$0x3FC5] =	sst s2  }
0x8f: {  	_ = 	snop  }
0x90: {  	s2 =	sld [smem:$0x3FD0];
	_ =	sdelay $0x1  }
0x91: {  	s15 =	sld [smem:$0x3FC9]  }
0x92: {  	s5 =	simm.s32 $0xA;
	s6 =	simm.s32 $0x10;
	s4 =	sld [smem:$0x3FC8]  }
0x93: {  	[smem:s6], [sflag:s5] =	dma.local [hbm:s2], $0x1  }
0x94: {  	_ =	swait.eq [sflag:s5], $0x1  }
0x95: {  	[sflag:s5] =	ssyncset.done $0x0  }
0x96: {  	[sflag:s5] =	ssyncadd.s32 $0xFFFFFFFF  }
0x97: {  	s16 =	sld [smem:$0x10];
	(tm) =	ssettm $0x1  }
0x98: {  	s17 =	sld [smem:$0x3FFB];
	_ =	sdelay $0x3  }
0x99: {  	_ =	strace s17  }
0x9a: {  	s5 =	sld [smem:$0x3FFC];
	_ =	sdelay $0x3  }
0x9b: {  	_ =	strace s5  }
0x9c: {  	s5 =	sld [smem:$0x3FFD];
	_ =	sdelay $0x3  }
0x9d: {  	_ =	strace s5  }
0x9e: {  	_ =	strace $0x8FFFFFFF  }
0x9f: {  	s18 =	sld [smem:$0x3FDB];
	_ =	sdelay $0x1  }
0xa0: {  	s19 =	simm.s32 $_scs_section_size  }
0xa1: {  	s7 =	simm.s32 $_size__tile_overlayer_lowered;
	s8 =	simm.s32 $_tile_overlayer_lowered  }
0xa2: {  	s22 =	simm.s32 $0x1BFF;
	s21 =	sshll.u32 s8, $0x1;
	s5 =	sadd.s32 s19, s18  }
0xa3: {  	s9 =	simm.s32 $0x0;
	s20 =	sshll.u32 s7, $0x1;
	s7 =	sadd.s32 s21, s5  }
0xa4: {  	[timem:s9], [sflag:s22] =	dma.local [hbm:s7], s20  }
0xa5: {  	_ =	swait.ge [sflag:s22], s20  }
0xa6: {  	s6 =	ssub.s32 $0x0, s20;
	[sflag:s22] =	ssyncset.done $0x0  }
0xa7: {  	[sflag:s22] =	ssyncadd.s32 s6;
	_ =	sdelay $0x1  }
0xa8: {  	s23 =	simm.s32 $0x1B8B  }
0xa9: {  	_ =	swait.ge [sflag:s23], $0x1  }
0xaa: {  	[sflag:s23] =	ssyncset.done $0x0  }
0xab: {  	s25 =	simm.s32 $0x1B8E;
	s24 =	sld [smem:$0x3FFE];
	[sflag:s23] =	ssyncadd.s32 $0xFFFFFFFF  }
0xac: {  	s26 =	simm.s32 $execute0_lowered;
	[smem:$0x3FD2] =	sst s25  }
0xad: {  	s7 =	sshll.u32 s26, $0x1;
	_ =	strace $0x80000046;
	[dreg:$0x1] =	wrdreg $0xFFFFFFFF  }
0xae: {  	s28 =	simm.s32 $_size_execute0_lowered;
	s5 =	sadd.s32 s5, s7;
	[dreg:$0x0] =	wrdreg $0x0  }
0xaf: {  	s7 =	sshll.u32 s28, $0x1;
	[dreg:$0x2] =	wrdreg s5  }
0xb0: {  	[dreg:$0x3] =	wrdreg s7  }
0xb1: {  	[dreg:$0x4] =	wrdreg $0xC0  }
0xb2: {  	_ =	task [dreg:s9], $0x5FFFF  }
0xb3: {  	[dreg:$0x1] =	wrdreg $0xFFFFFFFF  }
0xb4: {  	[dreg:$0x0] =	wrdreg $0x60  }
0xb5: {  	[dreg:$0x2] =	wrdreg s4  }
0xb6: {  	[dreg:$0x3] =	wrdreg s15  }
0xb7: {  	[dreg:$0x4] =	wrdreg s24  }
0xb8: {  	[dreg:$0x5] =	wrdreg s16  }
0xb9: {  	[dreg:$0x6] =	wrdreg $0x9  }
0xba: {  	_ =	task.clear_ibuf [dreg:s9], $0x7FFFF;
	_ =	strace $0x90000046  }
0xbb: {  	s29 =	simm.s32 $0x9;
	_ =	strace $0x80000048  }
0xbc: {  	_ =	swait.ge [sflag:s29], $0x1  }
0xbd: {  	[sflag:s29] =	ssyncadd.s32 $0xFFFFFFFF  }
0xbe: {  	_ =	strace $0x90000048  }
0xbf: {  	_ =	sfence  }
0xc0: {  	s30 =	sld [smem:$0x0];
	_ =	sdelay $0x2  }
0xc1: {  	s31 =	sshll.u32 s1, $0xD;
	s1 =	sshrl.u32 s1, $0x2  }
0xc2: {  	s3 =	sand.u32 $0x4000, s31;
	s1 =	sadd.s32 s1, s30  }
0xc3: {  	s0 =	sor.u32 s3, s0;
	s1 =	sshll.u32 s1, $0x11  }
0xc4: {  	s0 =	sor.u32 s1, s0  }
0xc5: {  	s0 =	sadd.s32 $0x8F2B, s0  }
0xc6: {  	[sflag:s0] =	ssyncadd.remote.s32 $0x1  }
0xc7: {  	_ =	sfence.sel $0xFFFF  }
0xc8: {  	[dreg:$0x0] =	wrdreg $0xFFFFFFFF;
	(pc) =	sbr.abs _section_cstart, $3  }
0xc9: {  	[dreg:$0x1] =	wrdreg $0xFFFFFFFF  }
0xca: {  	_ =	task.clear_ibuf [dreg:s9], $0x2FFFF;
	_ =	strace $0x9FFFFFFF  }
0xcb: {  	(tm) =	ssettm $0x7FFFFFFF  }
tec
execute0_lowered:
.L_overlay_start_1:
0x0: {  	(tag) =	ssettag $0x1  }
0x1: {  	s0 =	srdreg.scid  }
0x2: {  	s5 =	sand.u32 $0x1, s0  }
0x3: {  	s6 =	rddreg [dreg:$0x0];
	s0 =	stileid.u32;
	s1 =	sshll.u32 s5, $0x4  }
0x4: {  	s3 =	rddreg [dreg:$0x1];
	s11 =	sand.u32 $0x3, s0;
	s9 =	sor.u32 s0, s1  }
0x5: {  	s4 =	rddreg [dreg:$0x2];
	p1 =	sne.s32 s11, $0x0;
	p0 =	seq.s32 s9, $0x0  }
0x6: {  	s8 =	rddreg [dreg:$0x3];
	p0 =	por !p1, !p0  }
0x7: {  	s2 =	simm.s32 $0x1;
	s1 =	rddreg [dreg:$0x4];
	p0 =	por !p0, !p0  }
0x8: {  	s7 =	sshrl.u32 s9, $0x2;
	s12 =	sshll.u32 s9, $0x2;
	s2 =	simm.s32 @!p0 $0x0  }
0x9: {  	s10 =	ssub.s32 s7, s2;
	s7 =	smul.u32 $0x1800, s11;
	s2 =	simm.s32 $0x0  }
0xa: {  	s11 =	smul.u32 $0x300000, s10;
	[smem:$0x7FF] =	sst s2;
	s10 =	sshll.u32 s10, $0x4  }
0xb: {  	s12 =	sadd.s32 s3, s12;
	_ =	strace $0x80000047;
	s10 =	sand.u32 $0x1FFFFFF0, s10  }
0xc: {  	[dreg:$0x6] =	wrdreg s12;
	s11 =	sor.u32 s7, s11;
	s10 =	sadd.s32 s3, s10  }
0xd: {  	s13 =	sshrl.u32 s11, $0x3;
	[dreg:$0x5] =	wrdreg s10  }
0xe: {  	s20 =	sadd.s32 $0x150000, s11;
	s23 =	sadd.s32 $0x1B0000, s11;
	s28 =	sadd.s32 $0x1E0000, s11  }
0xf: {  	s3 =	sadd.s32 s8, s13;
	s21 =	sshrl.u32 s20, $0x3;
	s20 =	simm.s32 $0x80  }
0x10: {  	s25 =	sshrl.u32 s23, $0x3;
	s23 =	simm.s32 $0x280;
	[dreg:$0x17] =	wrdreg s20  }
0x11: {  	s29 =	sshrl.u32 s28, $0x3;
	s28 =	simm.s32 $0x480;
	[dreg:$0x1a] =	wrdreg s23  }
0x12: {  	s13 =	sadd.s32 $0x6000, s3;
	[dreg:$0x1e] =	wrdreg s28  }
0x13: {  	s14 =	sadd.s32 $0xC000, s3;
	[dreg:$0x7] =	wrdreg s13  }
0x14: {  	s15 =	sadd.s32 $0x12000, s3;
	[dreg:$0x8] =	wrdreg s14  }
0x15: {  	s17 =	sadd.s32 $0x120000, s11;
	s16 =	sadd.s32 $0x18000, s3;
	[dreg:$0x9] =	wrdreg s15  }
0x16: {  	s12 =	sshrl.u32 s17, $0x3;
	s18 =	sadd.s32 $0x1E000, s3;
	[dreg:$0xa] =	wrdreg s16  }
0x17: {  	s19 =	sadd.s32 s8, s12;
	[dreg:$0xb] =	wrdreg s18  }
0x18: {  	s10 =	sadd.s32 s8, s21;
	[dreg:$0xc] =	wrdreg s19  }
0x19: {  	s26 =	sadd.s32 s8, s25;
	[dreg:$0xd] =	wrdreg s10  }
0x1a: {  	s22 =	sadd.s32 $0x180000, s11;
	s21 =	simm.s32 $0x180;
	[dreg:$0xf] =	wrdreg s26  }
0x1b: {  	s12 =	sshrl.u32 s22, $0x3;
	s22 =	simm.s32 $0x200;
	[dreg:$0x18] =	wrdreg s21  }
0x1c: {  	s25 =	simm.s32 $0x380;
	[dreg:$0x19] =	wrdreg s22  }
0x1d: {  	s20 =	simm.s32 $0xC00;
	[dreg:$0x1c] =	wrdreg s25  }
0x1e: {  	s23 =	simm.s32 $0xD00;
	[smem:$0x7F4] =	sst s20  }
0x1f: {  	s28 =	simm.s32 $0xF00;
	[smem:$0x7F6] =	sst s23  }
0x20: {  	s9 =	sshll.u32 s9, $0x9;
	s24 =	sadd.s32 s8, s12;
	[smem:$0x7FA] =	sst s28  }
0x21: {  	s9 =	sadd.s32 s9, s4;
	s10 =	sadd.s32 s8, s29;
	[dreg:$0xe] =	wrdreg s24  }
0x22: {  	s19 =	sadd.s32 $0x4800, s9;
	[dreg:$0x10] =	wrdreg s10  }
0x23: {  	s30 =	sadd.s32 $0x210000, s11;
	s26 =	simm.s32 $0x400;
	[dreg:$0x16] =	wrdreg s19  }
0x24: {  	s31 =	sadd.s32 $0x240000, s11;
	s29 =	simm.s32 $0x500;
	[dreg:$0x1d] =	wrdreg s26  }
0x25: {  	s12 =	sshrl.u32 s30, $0x3;
	s30 =	simm.s32 $0x580;
	[dreg:$0x1f] =	wrdreg s29  }
0x26: {  	s13 =	sshrl.u32 s31, $0x3;
	s31 =	simm.s32 $0x600;
	[smem:$0x7E7] =	sst s30  }
0x27: {  	s9 =	simm.s32 $0x680;
	[smem:$0x7E8] =	sst s31  }
0x28: {  	s22 =	simm.s32 $0xC80;
	[smem:$0x7E9] =	sst s9  }
0x29: {  	s25 =	simm.s32 $0xE00;
	[smem:$0x7F5] =	sst s22  }
0x2a: {  	s12 =	sadd.s32 s8, s12;
	[smem:$0x7F8] =	sst s25  }
0x2b: {  	s14 =	sadd.s32 s8, s13;
	[dreg:$0x11] =	wrdreg s12  }
0x2c: {  	s24 =	simm.s32 $0x300;
	[dreg:$0x12] =	wrdreg s14  }
0x2d: {  	s15 =	sadd.s32 $0x270000, s11;
	s13 =	simm.s32 $0x880;
	[dreg:$0x1b] =	wrdreg s24  }
0x2e: {  	s16 =	sshrl.u32 s15, $0x3;
	s15 =	simm.s32 $0x980;
	[smem:$0x7ED] =	sst s13  }
0x2f: {  	s19 =	simm.s32 $0xB80;
	[smem:$0x7EF] =	sst s15  }
0x30: {  	s5 =	ssub.s32 $0x2, s5;
	s26 =	simm.s32 $0xE80;
	[smem:$0x7F3] =	sst s19  }
0x31: {  	s4 =	sadd.s32 $0x800, s4;
	s29 =	simm.s32 $0xF80;
	[smem:$0x7F9] =	sst s26  }
0x32: {  	s7 =	sshrl.u32 s7, $0x3;
	s30 =	simm.s32 $0x1000;
	[smem:$0x7FB] =	sst s29  }
0x33: {  	s6 =	sadd.s32 s6, s7;
	s31 =	simm.s32 $0x1080;
	[smem:$0x7FC] =	sst s30  }
0x34: {  	s17 =	sadd.s32 $0x2A0000, s11;
	s10 =	sadd.s32 s8, s16;
	[smem:$0x7FD] =	sst s31  }
0x35: {  	s11 =	sadd.s32 $0x2D0000, s11;
	s14 =	simm.s32 $0x900;
	[dreg:$0x13] =	wrdreg s10  }
0x36: {  	s21 =	sshrl.u32 s5, $0x1;
	s16 =	simm.s32 $0xA00;
	[smem:$0x7EE] =	sst s14  }
0x37: {  	s12 =	sshrl.u32 s17, $0x3;
	s17 =	simm.s32 $0xA80;
	[smem:$0x7F0] =	sst s16  }
0x38: {  	s11 =	sshrl.u32 s11, $0x3;
	s24 =	simm.s32 $0xD80;
	[smem:$0x7F1] =	sst s17  }
0x39: {  	s9 =	ssub.s32 s5, s21;
	s18 =	sadd.s32 s8, s12;
	[smem:$0x7F7] =	sst s24  }
0x3a: {  	s5 =	simm.s32 $0x1;
	s8 =	sadd.s32 s8, s11;
	[dreg:$0x14] =	wrdreg s18  }
0x3b: {  	s7 =	smax.u32 s9, $0x1;
	s10 =	simm.s32 $0x700;
	[dreg:$0x15] =	wrdreg s8  }
0x3c: {  	s9 =	simm.s32 $0x1100;
	s11 =	simm.s32 $0x780;
	[smem:$0x7EA] =	sst s10  }
0x3d: {  	s13 =	simm.s32 $0x6000;
	s12 =	simm.s32 $0x800;
	[smem:$0x7EB] =	sst s11  }
0x3e: {  	s15 =	simm.s32 $0x3;
	s14 =	simm.s32 $0x2;
	[smem:$0x7EC] =	sst s12  }
0x3f: {  	s18 =	simm.s32 $0xB00;
	s8 =	simm.s32 $0x4;
	s10 =	simm.s32 $0xD100  }
0x40: {  	vm0 =	vmmov $0xff;
	v0 =	vlaneseq.u32;
	s11 =	simm.s32 $0x100;
	s12 =	simm.s32 $0x1800;
	[smem:$0x7F2] =	sst s18  }
.LBB2_1:
0x41: {  	s16 =	rddreg [dreg:$0x5]  }
0x42: {  	[tilespmem:s2], [sflag:$0x4] =	stream.linear.gather [hbm4b:s16+s2], $0x80, $0x38;
	[tilespmem:$0x19100] =	vst v63  }
0x43: {  	_ =	swait.ge [sflag:s8], $0x80  }
0x44: {  	[sflag:s8] =	ssyncset.done $0x0  }
0x45: {  	[sflag:s8] =	ssyncadd.s32 $0xFFFFFF80  }
0x46: {  	v1 =	vld.msk [tilespmem:$0x0], $0xff;
	_ =	sdelay $0x4  }
0x47: {  	v1 =	vmul.u32 $0x6000, v1;
	_ =	sdelay $0x1  }
0x48: {  	v1 =	vperm.xlane v1, v0;
	_ =	sdelay $0x5  }
0x49: {  	[tilespmem:s9], [sflag:$0x1] =	stream.indirect_vreg.gather [hbm4b:s6+s2], $0x1800, v1, vm0, $0x38;
	[tilespmem:$0x19100] =	vst v63  }
0x4a: {  	v1 =	vld.msk [tilespmem:$0x8], $0xff;
	_ =	sdelay $0x4  }
0x4b: {  	v1 =	vmul.u32 $0x6000, v1;
	_ =	sdelay $0x1  }
0x4c: {  	v1 =	vperm.xlane v1, v0;
	_ =	sdelay $0x4  }
0x4d: {  	s21 =	rddreg [dreg:$0x6]  }
0x4e: {  	[tilespmem:s10], [sflag:$0x2] =	stream.indirect_vreg.gather [hbm4b:s6+s2], $0x1800, v1, vm0, $0x38;
	[tilespmem:$0x19100] =	vst v63  }
0x4f: {  	s17 =	rddreg [dreg:$0x17]  }
0x50: {  	[tilespmem:s17], [sflag:$0x4] =	stream.linear.gather [hbm4b:s21+s2], $0x20, $0x38;
	[tilespmem:$0x19100] =	vst v63  }
0x51: {  	_ =	swait.ge [sflag:s8], $0x20  }
0x52: {  	[sflag:s8] =	ssyncset.done $0x0  }
0x53: {  	[sflag:s8] =	ssyncadd.s32 $0xFFFFFFE0  }
0x54: {  	v1 =	vld [tilespmem:$0x80];
	_ =	sdelay $0x4  }
0x55: {  	v1 =	vshll.u32 v1, $0x4  }
0x56: {  	(v2sf) =	vpush v1, $0x0;
	_ =	sdelay $0x1  }
0x57: {  	(v2sf) =	vpush v1, $0x1;
	_ =	sdelay $0x1  }
0x58: {  	(v2sf) =	vpush v1, $0x2;
	_ =	sdelay $0x2  }
0x59: {  	(v2sf) =	vpush v1, $0x3;
	_ =	sdelay $0x7  }
0x5a: {  	s22 =	spop (v2sf);
	(v2sf) =	vpush v1, $0x4;
	_ =	sdelay $0x1  }
0x5b: {  	s23 =	spop (v2sf);
	(v2sf) =	vpush v1, $0x5;
	_ =	sdelay $0x1  }
0x5c: {  	s25 =	spop (v2sf);
	(v2sf) =	vpush v1, $0x6;
	_ =	sdelay $0x1  }
0x5d: {  	s16 =	sand.u32 $0x1FFFFFF0, s22  }
0x5e: {  	s16 =	sadd.s32 s4, s16;
	s28 =	spop (v2sf);
	(v2sf) =	vpush v1, $0x7  }
0x5f: {  	[tilespmem:s11], [sflag:$0x3] =	stream.linear.gather [hbm4b:s16+s2], $0x80, $0x38;
	[tilespmem:$0x19100] =	vst v63  }
0x60: {  	s16 =	sand.u32 $0x1FFFFFF0, s23  }
0x61: {  	s24 =	rddreg [dreg:$0x18];
	s16 =	sadd.s32 s4, s16  }
0x62: {  	[tilespmem:s24], [sflag:$0x3] =	stream.linear.gather [hbm4b:s16+s2], $0x80, $0x38;
	[tilespmem:$0x19100] =	vst v63  }
0x63: {  	s16 =	sand.u32 $0x1FFFFFF0, s25  }
0x64: {  	s26 =	rddreg [dreg:$0x19];
	s16 =	sadd.s32 s4, s16  }
0x65: {  	[tilespmem:s26], [sflag:$0x3] =	stream.linear.gather [hbm4b:s16+s2], $0x80, $0x38;
	[tilespmem:$0x19100] =	vst v63  }
0x66: {  	s30 =	spop (v2sf);
	(v2sf) =	vpush v1, $0x8  }
0x67: {  	s16 =	sand.u32 $0x1FFFFFF0, s28  }
0x68: {  	s29 =	rddreg [dreg:$0x1a];
	s16 =	sadd.s32 s4, s16;
	s17 =	spop (v2sf);
	(v2sf) =	vpush v1, $0x9  }
0x69: {  	[tilespmem:s29], [sflag:$0x3] =	stream.linear.gather [hbm4b:s16+s2], $0x80, $0x38;
	[tilespmem:$0x19100] =	vst v63  }
0x6a: {  	s16 =	sand.u32 $0x1FFFFFF0, s30;
	s19 =	spop (v2sf);
	(v2sf) =	vpush v1, $0xA  }
0x6b: {  	s31 =	rddreg [dreg:$0x1b];
	s16 =	sadd.s32 s4, s16  }
0x6c: {  	[tilespmem:s31], [sflag:$0x3] =	stream.linear.gather [hbm4b:s16+s2], $0x80, $0x38;
	[tilespmem:$0x19100] =	vst v63  }
0x6d: {  	s21 =	spop (v2sf);
	(v2sf) =	vpush v1, $0xB  }
0x6e: {  	s16 =	sand.u32 $0x1FFFFFF0, s17  }
0x6f: {  	s18 =	rddreg [dreg:$0x1c];
	s16 =	sadd.s32 s4, s16  }
0x70: {  	[tilespmem:s18], [sflag:$0x3] =	stream.linear.gather [hbm4b:s16+s2], $0x80, $0x38;
	[tilespmem:$0x19100] =	vst v63  }
0x71: {  	s16 =	sand.u32 $0x1FFFFFF0, s19  }
0x72: {  	s20 =	rddreg [dreg:$0x1d];
	s16 =	sadd.s32 s4, s16  }
0x73: {  	[tilespmem:s20], [sflag:$0x3] =	stream.linear.gather [hbm4b:s16+s2], $0x80, $0x38;
	[tilespmem:$0x19100] =	vst v63  }
0x74: {  	s16 =	sand.u32 $0x1FFFFFF0, s21  }
0x75: {  	s22 =	rddreg [dreg:$0x1e];
	s16 =	sadd.s32 s4, s16;
	s23 =	spop (v2sf);
	(v2sf) =	vpush v1, $0xC  }
0x76: {  	[tilespmem:s22], [sflag:$0x3] =	stream.linear.gather [hbm4b:s16+s2], $0x80, $0x38;
	[tilespmem:$0x19100] =	vst v63  }
0x77: {  	s25 =	spop (v2sf);
	(v2sf) =	vpush v1, $0xD  }
0x78: {  	s24 =	rddreg [dreg:$0x1f];
	s16 =	sand.u32 $0x1FFFFFF0, s23  }
0x79: {  	s26 =	sld [smem:$0x7E7];
	s16 =	sadd.s32 s4, s16;
	s28 =	spop (v2sf)  }
0x7a: {  	(v2sf) =	vpush v1, $0xE;
	[tilespmem:s24], [sflag:$0x3] =	stream.linear.gather [hbm4b:s16+s2], $0x80, $0x38;
	[tilespmem:$0x19100] =	vst v63  }
0x7b: {  	s16 =	sand.u32 $0x1FFFFFF0, s25  }
0x7c: {  	s29 =	sld [smem:$0x7E8];
	s30 =	spop (v2sf);
	s16 =	sadd.s32 s4, s16  }
0x7d: {  	(v2sf) =	vpush v1, $0xF;
	[tilespmem:s26], [sflag:$0x3] =	stream.linear.gather [hbm4b:s16+s2], $0x80, $0x38;
	[tilespmem:$0x19100] =	vst v63  }
0x7e: {  	s16 =	sand.u32 $0x1FFFFFF0, s28  }
0x7f: {  	s31 =	sld [smem:$0x7E9];
	s16 =	sadd.s32 s4, s16  }
0x80: {  	[tilespmem:s29], [sflag:$0x3] =	stream.linear.gather [hbm4b:s16+s2], $0x80, $0x38;
	[tilespmem:$0x19100] =	vst v63  }
0x81: {  	s16 =	sand.u32 $0x1FFFFFF0, s30  }
0x82: {  	s16 =	sadd.s32 s4, s16  }
0x83: {  	[tilespmem:s31], [sflag:$0x3] =	stream.linear.gather [hbm4b:s16+s2], $0x80, $0x38;
	[tilespmem:$0x19100] =	vst v63  }
0x84: {  	s18 =	sld [smem:$0x7EA];
	s17 =	spop (v2sf)  }
0x85: {  	s16 =	sand.u32 $0x1FFFFFF0, s17  }
0x86: {  	s20 =	sld [smem:$0x7EB];
	s19 =	spop (v2sf);
	s16 =	sadd.s32 s4, s16  }
0x87: {  	[tilespmem:s18], [sflag:$0x3] =	stream.linear.gather [hbm4b:s16+s2], $0x80, $0x38;
	[tilespmem:$0x19100] =	vst v63  }
0x88: {  	s16 =	sand.u32 $0x1FFFFFF0, s19  }
0x89: {  	s22 =	sld [smem:$0x7EC];
	s21 =	spop (v2sf);
	s16 =	sadd.s32 s4, s16  }
0x8a: {  	[tilespmem:s20], [sflag:$0x3] =	stream.linear.gather [hbm4b:s16+s2], $0x80, $0x38;
	[tilespmem:$0x19100] =	vst v63  }
0x8b: {  	s16 =	sand.u32 $0x1FFFFFF0, s21  }
0x8c: {  	s24 =	sld [smem:$0x7ED];
	s23 =	spop (v2sf);
	s16 =	sadd.s32 s4, s16  }
0x8d: {  	[tilespmem:s22], [sflag:$0x3] =	stream.linear.gather [hbm4b:s16+s2], $0x80, $0x38;
	[tilespmem:$0x19100] =	vst v63  }
0x8e: {  	s16 =	sand.u32 $0x1FFFFFF0, s23  }
0x8f: {  	s16 =	sadd.s32 s4, s16  }
0x90: {  	[tilespmem:s24], [sflag:$0x3] =	stream.linear.gather [hbm4b:s16+s2], $0x80, $0x38;
	[tilespmem:$0x19100] =	vst v63  }
0x91: {  	v1 =	vld [tilespmem:$0x90];
	_ =	sdelay $0x4  }
0x92: {  	v1 =	vshll.u32 v1, $0x4  }
0x93: {  	(v2sf) =	vpush v1, $0x0;
	_ =	sdelay $0x1  }
0x94: {  	(v2sf) =	vpush v1, $0x1;
	_ =	sdelay $0x1  }
0x95: {  	(v2sf) =	vpush v1, $0x2;
	_ =	sdelay $0x2  }
0x96: {  	(v2sf) =	vpush v1, $0x3;
	_ =	sdelay $0x7  }
0x97: {  	s25 =	spop (v2sf);
	(v2sf) =	vpush v1, $0x4;
	_ =	sdelay $0x1  }
0x98: {  	s28 =	spop (v2sf);
	(v2sf) =	vpush v1, $0x5;
	_ =	sdelay $0x1  }
0x99: {  	s30 =	spop (v2sf);
	(v2sf) =	vpush v1, $0x6  }
0x9a: {  	s26 =	sld [smem:$0x7EE]  }
0x9b: {  	s16 =	sand.u32 $0x1FFFFFF0, s25  }
0x9c: {  	s29 =	sld [smem:$0x7EF];
	s16 =	sadd.s32 s4, s16;
	s17 =	spop (v2sf);
	(v2sf) =	vpush v1, $0x7  }
0x9d: {  	[tilespmem:s26], [sflag:$0x3] =	stream.linear.gather [hbm4b:s16+s2], $0x80, $0x38;
	[tilespmem:$0x19100] =	vst v63  }
0x9e: {  	s16 =	sand.u32 $0x1FFFFFF0, s28  }
0x9f: {  	s31 =	sld [smem:$0x7F0];
	s16 =	sadd.s32 s4, s16  }
0xa0: {  	[tilespmem:s29], [sflag:$0x3] =	stream.linear.gather [hbm4b:s16+s2], $0x80, $0x38;
	[tilespmem:$0x19100] =	vst v63  }
0xa1: {  	s16 =	sand.u32 $0x1FFFFFF0, s30  }
0xa2: {  	s16 =	sadd.s32 s4, s16  }
0xa3: {  	[tilespmem:s31], [sflag:$0x3] =	stream.linear.gather [hbm4b:s16+s2], $0x80, $0x38;
	[tilespmem:$0x19100] =	vst v63  }
0xa4: {  	s18 =	sld [smem:$0x7F1];
	s19 =	spop (v2sf);
	(v2sf) =	vpush v1, $0x8  }
0xa5: {  	s16 =	sand.u32 $0x1FFFFFF0, s17  }
0xa6: {  	s20 =	sld [smem:$0x7F2];
	s16 =	sadd.s32 s4, s16;
	s21 =	spop (v2sf);
	(v2sf) =	vpush v1, $0x9  }
0xa7: {  	[tilespmem:s18], [sflag:$0x3] =	stream.linear.gather [hbm4b:s16+s2], $0x80, $0x38;
	[tilespmem:$0x19100] =	vst v63  }
0xa8: {  	s16 =	sand.u32 $0x1FFFFFF0, s19;
	s23 =	spop (v2sf);
	(v2sf) =	vpush v1, $0xA  }
0xa9: {  	s16 =	sadd.s32 s4, s16  }
0xaa: {  	[tilespmem:s20], [sflag:$0x3] =	stream.linear.gather [hbm4b:s16+s2], $0x80, $0x38;
	[tilespmem:$0x19100] =	vst v63  }
0xab: {  	s22 =	sld [smem:$0x7F3];
	s25 =	spop (v2sf);
	(v2sf) =	vpush v1, $0xB  }
0xac: {  	s16 =	sand.u32 $0x1FFFFFF0, s21  }
0xad: {  	s24 =	sld [smem:$0x7F4];
	s16 =	sadd.s32 s4, s16  }
0xae: {  	[tilespmem:s22], [sflag:$0x3] =	stream.linear.gather [hbm4b:s16+s2], $0x80, $0x38;
	[tilespmem:$0x19100] =	vst v63  }
0xaf: {  	s16 =	sand.u32 $0x1FFFFFF0, s23  }
0xb0: {  	s26 =	sld [smem:$0x7F5];
	s16 =	sadd.s32 s4, s16  }
0xb1: {  	[tilespmem:s24], [sflag:$0x3] =	stream.linear.gather [hbm4b:s16+s2], $0x80, $0x38;
	[tilespmem:$0x19100] =	vst v63  }
0xb2: {  	s16 =	sand.u32 $0x1FFFFFF0, s25  }
0xb3: {  	s16 =	sadd.s32 s4, s16;
	s28 =	spop (v2sf);
	(v2sf) =	vpush v1, $0xC  }
0xb4: {  	[tilespmem:s26], [sflag:$0x3] =	stream.linear.gather [hbm4b:s16+s2], $0x80, $0x38;
	[tilespmem:$0x19100] =	vst v63  }
0xb5: {  	s29 =	sld [smem:$0x7F6];
	s30 =	spop (v2sf);
	(v2sf) =	vpush v1, $0xD  }
0xb6: {  	s16 =	sand.u32 $0x1FFFFFF0, s28  }
0xb7: {  	s31 =	sld [smem:$0x7F7];
	s16 =	sadd.s32 s4, s16;
	s17 =	spop (v2sf)  }
0xb8: {  	(v2sf) =	vpush v1, $0xE;
	[tilespmem:s29], [sflag:$0x3] =	stream.linear.gather [hbm4b:s16+s2], $0x80, $0x38;
	[tilespmem:$0x19100] =	vst v63  }
0xb9: {  	s16 =	sand.u32 $0x1FFFFFF0, s30  }
0xba: {  	s18 =	sld [smem:$0x7F8];
	s19 =	spop (v2sf);
	s16 =	sadd.s32 s4, s16  }
0xbb: {  	(v2sf) =	vpush v1, $0xF;
	[tilespmem:s31], [sflag:$0x3] =	stream.linear.gather [hbm4b:s16+s2], $0x80, $0x38;
	[tilespmem:$0x19100] =	vst v63  }
0xbc: {  	s16 =	sand.u32 $0x1FFFFFF0, s17  }
0xbd: {  	s20 =	sld [smem:$0x7F9];
	s16 =	sadd.s32 s4, s16  }
0xbe: {  	[tilespmem:s18], [sflag:$0x3] =	stream.linear.gather [hbm4b:s16+s2], $0x80, $0x38;
	[tilespmem:$0x19100] =	vst v63  }
0xbf: {  	s16 =	sand.u32 $0x1FFFFFF0, s19  }
0xc0: {  	s16 =	sadd.s32 s4, s16  }
0xc1: {  	[tilespmem:s20], [sflag:$0x3] =	stream.linear.gather [hbm4b:s16+s2], $0x80, $0x38;
	[tilespmem:$0x19100] =	vst v63  }
0xc2: {  	s22 =	sld [smem:$0x7FA];
	s21 =	spop (v2sf)  }
0xc3: {  	s16 =	sand.u32 $0x1FFFFFF0, s21  }
0xc4: {  	s24 =	sld [smem:$0x7FB];
	s23 =	spop (v2sf);
	s16 =	sadd.s32 s4, s16  }
0xc5: {  	[tilespmem:s22], [sflag:$0x3] =	stream.linear.gather [hbm4b:s16+s2], $0x80, $0x38;
	[tilespmem:$0x19100] =	vst v63  }
0xc6: {  	s16 =	sand.u32 $0x1FFFFFF0, s23  }
0xc7: {  	s26 =	sld [smem:$0x7FC];
	s25 =	spop (v2sf);
	s16 =	sadd.s32 s4, s16  }
0xc8: {  	[tilespmem:s24], [sflag:$0x3] =	stream.linear.gather [hbm4b:s16+s2], $0x80, $0x38;
	[tilespmem:$0x19100] =	vst v63  }
0xc9: {  	s16 =	sand.u32 $0x1FFFFFF0, s25  }
0xca: {  	s29 =	sld [smem:$0x7FD];
	s28 =	spop (v2sf);
	s16 =	sadd.s32 s4, s16  }
0xcb: {  	[tilespmem:s26], [sflag:$0x3] =	stream.linear.gather [hbm4b:s16+s2], $0x80, $0x38;
	[tilespmem:$0x19100] =	vst v63  }
0xcc: {  	s16 =	sand.u32 $0x1FFFFFF0, s28  }
0xcd: {  	s16 =	sadd.s32 s4, s16  }
0xce: {  	[tilespmem:s29], [sflag:$0x3] =	stream.linear.gather [hbm4b:s16+s2], $0x80, $0x38;
	[tilespmem:$0x19100] =	vst v63  }
0xcf: {  	_ =	swait.ge [sflag:s5], $0xC000  }
0xd0: {  	[sflag:s5] =	ssyncset.done $0x0  }
0xd1: {  	[sflag:s5] =	ssyncadd.s32 $0xFFFF4000  }
0xd2: {  	[hbm4b:s3+s12] =	stream.strided.scatter [tilespmem:s9], [sflag:$0x4], $0xC000, s13, s12, $0x38;
	[tilespmem:$0x19100] =	vst v63  }
0xd3: {  	_ =	swait.ge [sflag:s8], $0xC000  }
0xd4: {  	[sflag:s8] =	ssyncset.done $0x0  }
0xd5: {  	[sflag:s8] =	ssyncadd.s32 $0xFFFF4000  }
0xd6: {  	v1 =	vld.msk [tilespmem:$0x10], $0xff;
	_ =	sdelay $0x4  }
0xd7: {  	v1 =	vmul.u32 $0x6000, v1;
	_ =	sdelay $0x1  }
0xd8: {  	v1 =	vperm.xlane v1, v0;
	_ =	sdelay $0x5  }
0xd9: {  	[tilespmem:s9], [sflag:$0x1] =	stream.indirect_vreg.gather [hbm4b:s6+s2], $0x1800, v1, vm0, $0x38;
	[tilespmem:$0x19100] =	vst v63  }
0xda: {  	_ =	swait.ge [sflag:s14], $0xC000  }
0xdb: {  	[sflag:s14] =	ssyncset.done $0x0  }
0xdc: {  	s30 =	rddreg [dreg:$0x7];
	[sflag:s14] =	ssyncadd.s32 $0xFFFF4000  }
0xdd: {  	[hbm4b:s30+s12] =	stream.strided.scatter [tilespmem:s10], [sflag:$0x4], $0xC000, s13, s12, $0x38;
	[tilespmem:$0x19100] =	vst v63  }
0xde: {  	_ =	swait.ge [sflag:s8], $0xC000  }
0xdf: {  	[sflag:s8] =	ssyncset.done $0x0  }
0xe0: {  	[sflag:s8] =	ssyncadd.s32 $0xFFFF4000  }
0xe1: {  	v1 =	vld.msk [tilespmem:$0x18], $0xff;
	_ =	sdelay $0x4  }
0xe2: {  	v1 =	vmul.u32 $0x6000, v1;
	_ =	sdelay $0x1  }
0xe3: {  	v1 =	vperm.xlane v1, v0;
	_ =	sdelay $0x5  }
0xe4: {  	[tilespmem:s10], [sflag:$0x2] =	stream.indirect_vreg.gather [hbm4b:s6+s2], $0x1800, v1, vm0, $0x38;
	[tilespmem:$0x19100] =	vst v63  }
0xe5: {  	_ =	swait.ge [sflag:s5], $0xC000  }
0xe6: {  	[sflag:s5] =	ssyncset.done $0x0  }
0xe7: {  	s31 =	rddreg [dreg:$0x8];
	[sflag:s5] =	ssyncadd.s32 $0xFFFF4000  }
0xe8: {  	[hbm4b:s31+s12] =	stream.strided.scatter [tilespmem:s9], [sflag:$0x4], $0xC000, s13, s12, $0x38;
	[tilespmem:$0x19100] =	vst v63  }
0xe9: {  	_ =	swait.ge [sflag:s8], $0xC000  }
0xea: {  	[sflag:s8] =	ssyncset.done $0x0  }
0xeb: {  	[sflag:s8] =	ssyncadd.s32 $0xFFFF4000  }
0xec: {  	v1 =	vld.msk [tilespmem:$0x20], $0xff;
	_ =	sdelay $0x4  }
0xed: {  	v1 =	vmul.u32 $0x6000, v1;
	_ =	sdelay $0x1  }
0xee: {  	v1 =	vperm.xlane v1, v0;
	_ =	sdelay $0x5  }
0xef: {  	[tilespmem:s9], [sflag:$0x1] =	stream.indirect_vreg.gather [hbm4b:s6+s2], $0x1800, v1, vm0, $0x38;
	[tilespmem:$0x19100] =	vst v63  }
0xf0: {  	_ =	swait.ge [sflag:s14], $0xC000  }
0xf1: {  	[sflag:s14] =	ssyncset.done $0x0  }
0xf2: {  	s17 =	rddreg [dreg:$0x9];
	[sflag:s14] =	ssyncadd.s32 $0xFFFF4000  }
0xf3: {  	[hbm4b:s17+s12] =	stream.strided.scatter [tilespmem:s10], [sflag:$0x4], $0xC000, s13, s12, $0x38;
	[tilespmem:$0x19100] =	vst v63  }
0xf4: {  	_ =	swait.ge [sflag:s8], $0xC000  }
0xf5: {  	[sflag:s8] =	ssyncset.done $0x0  }
0xf6: {  	[sflag:s8] =	ssyncadd.s32 $0xFFFF4000  }
0xf7: {  	v1 =	vld.msk [tilespmem:$0x28], $0xff;
	_ =	sdelay $0x4  }
0xf8: {  	v1 =	vmul.u32 $0x6000, v1;
	_ =	sdelay $0x1  }
0xf9: {  	v1 =	vperm.xlane v1, v0;
	_ =	sdelay $0x5  }
0xfa: {  	[tilespmem:s10], [sflag:$0x2] =	stream.indirect_vreg.gather [hbm4b:s6+s2], $0x1800, v1, vm0, $0x38;
	[tilespmem:$0x19100] =	vst v63  }
0xfb: {  	_ =	swait.ge [sflag:s5], $0xC000  }
0xfc: {  	[sflag:s5] =	ssyncset.done $0x0  }
0xfd: {  	s18 =	rddreg [dreg:$0xa];
	[sflag:s5] =	ssyncadd.s32 $0xFFFF4000  }
0xfe: {  	[hbm4b:s18+s12] =	stream.strided.scatter [tilespmem:s9], [sflag:$0x4], $0xC000, s13, s12, $0x38;
	[tilespmem:$0x19100] =	vst v63  }
0xff: {  	_ =	swait.ge [sflag:s8], $0xC000  }
0x100: {  	[sflag:s8] =	ssyncset.done $0x0  }
0x101: {  	[sflag:s8] =	ssyncadd.s32 $0xFFFF4000  }
0x102: {  	v1 =	vld.msk [tilespmem:$0x30], $0xff;
	_ =	sdelay $0x4  }
0x103: {  	v1 =	vmul.u32 $0x6000, v1;
	_ =	sdelay $0x1  }
0x104: {  	v1 =	vperm.xlane v1, v0;
	_ =	sdelay $0x5  }
0x105: {  	[tilespmem:s9], [sflag:$0x1] =	stream.indirect_vreg.gather [hbm4b:s6+s2], $0x1800, v1, vm0, $0x38;
	[tilespmem:$0x19100] =	vst v63  }
0x106: {  	_ =	swait.ge [sflag:s14], $0xC000  }
0x107: {  	[sflag:s14] =	ssyncset.done $0x0  }
0x108: {  	s19 =	rddreg [dreg:$0xb];
	[sflag:s14] =	ssyncadd.s32 $0xFFFF4000  }
0x109: {  	[hbm4b:s19+s12] =	stream.strided.scatter [tilespmem:s10], [sflag:$0x4], $0xC000, s13, s12, $0x38;
	[tilespmem:$0x19100] =	vst v63  }
0x10a: {  	_ =	swait.ge [sflag:s8], $0xC000  }
0x10b: {  	[sflag:s8] =	ssyncset.done $0x0  }
0x10c: {  	[sflag:s8] =	ssyncadd.s32 $0xFFFF4000  }
0x10d: {  	v1 =	vld.msk [tilespmem:$0x38], $0xff;
	_ =	sdelay $0x4  }
0x10e: {  	v1 =	vmul.u32 $0x6000, v1;
	_ =	sdelay $0x1  }
0x10f: {  	v1 =	vperm.xlane v1, v0;
	_ =	sdelay $0x5  }
0x110: {  	[tilespmem:s10], [sflag:$0x2] =	stream.indirect_vreg.gather [hbm4b:s6+s2], $0x1800, v1, vm0, $0x38;
	[tilespmem:$0x19100] =	vst v63  }
0x111: {  	_ =	swait.ge [sflag:s5], $0xC000  }
0x112: {  	[sflag:s5] =	ssyncset.done $0x0  }
0x113: {  	s20 =	rddreg [dreg:$0xc];
	[sflag:s5] =	ssyncadd.s32 $0xFFFF4000  }
0x114: {  	[hbm4b:s20+s12] =	stream.strided.scatter [tilespmem:s9], [sflag:$0x4], $0xC000, s13, s12, $0x38;
	[tilespmem:$0x19100] =	vst v63  }
0x115: {  	_ =	swait.ge [sflag:s8], $0xC000  }
0x116: {  	[sflag:s8] =	ssyncset.done $0x0  }
0x117: {  	[sflag:s8] =	ssyncadd.s32 $0xFFFF4000  }
0x118: {  	v1 =	vld.msk [tilespmem:$0x40], $0xff;
	_ =	sdelay $0x4  }
0x119: {  	v1 =	vmul.u32 $0x6000, v1;
	_ =	sdelay $0x1  }
0x11a: {  	v1 =	vperm.xlane v1, v0;
	_ =	sdelay $0x5  }
0x11b: {  	[tilespmem:s9], [sflag:$0x1] =	stream.indirect_vreg.gather [hbm4b:s6+s2], $0x1800, v1, vm0, $0x38;
	[tilespmem:$0x19100] =	vst v63  }
0x11c: {  	_ =	swait.ge [sflag:s14], $0xC000  }
0x11d: {  	[sflag:s14] =	ssyncset.done $0x0  }
0x11e: {  	s21 =	rddreg [dreg:$0xd];
	[sflag:s14] =	ssyncadd.s32 $0xFFFF4000  }
0x11f: {  	[hbm4b:s21+s12] =	stream.strided.scatter [tilespmem:s10], [sflag:$0x4], $0xC000, s13, s12, $0x38;
	[tilespmem:$0x19100] =	vst v63  }
0x120: {  	_ =	swait.ge [sflag:s8], $0xC000  }
0x121: {  	[sflag:s8] =	ssyncset.done $0x0  }
0x122: {  	[sflag:s8] =	ssyncadd.s32 $0xFFFF4000  }
0x123: {  	v1 =	vld.msk [tilespmem:$0x48], $0xff;
	_ =	sdelay $0x4  }
0x124: {  	v1 =	vmul.u32 $0x6000, v1;
	_ =	sdelay $0x1  }
0x125: {  	v1 =	vperm.xlane v1, v0;
	_ =	sdelay $0x5  }
0x126: {  	[tilespmem:s10], [sflag:$0x2] =	stream.indirect_vreg.gather [hbm4b:s6+s2], $0x1800, v1, vm0, $0x38;
	[tilespmem:$0x19100] =	vst v63  }
0x127: {  	_ =	swait.ge [sflag:s5], $0xC000  }
0x128: {  	[sflag:s5] =	ssyncset.done $0x0  }
0x129: {  	s22 =	rddreg [dreg:$0xe];
	[sflag:s5] =	ssyncadd.s32 $0xFFFF4000  }
0x12a: {  	[hbm4b:s22+s12] =	stream.strided.scatter [tilespmem:s9], [sflag:$0x4], $0xC000, s13, s12, $0x38;
	[tilespmem:$0x19100] =	vst v63  }
0x12b: {  	_ =	swait.ge [sflag:s8], $0xC000  }
0x12c: {  	[sflag:s8] =	ssyncset.done $0x0  }
0x12d: {  	[sflag:s8] =	ssyncadd.s32 $0xFFFF4000  }
0x12e: {  	v1 =	vld.msk [tilespmem:$0x50], $0xff;
	_ =	sdelay $0x4  }
0x12f: {  	v1 =	vmul.u32 $0x6000, v1;
	_ =	sdelay $0x1  }
0x130: {  	v1 =	vperm.xlane v1, v0;
	_ =	sdelay $0x5  }
0x131: {  	[tilespmem:s9], [sflag:$0x1] =	stream.indirect_vreg.gather [hbm4b:s6+s2], $0x1800, v1, vm0, $0x38;
	[tilespmem:$0x19100] =	vst v63  }
0x132: {  	_ =	swait.ge [sflag:s14], $0xC000  }
0x133: {  	[sflag:s14] =	ssyncset.done $0x0  }
0x134: {  	s23 =	rddreg [dreg:$0xf];
	[sflag:s14] =	ssyncadd.s32 $0xFFFF4000  }
0x135: {  	[hbm4b:s23+s12] =	stream.strided.scatter [tilespmem:s10], [sflag:$0x4], $0xC000, s13, s12, $0x38;
	[tilespmem:$0x19100] =	vst v63  }
0x136: {  	_ =	swait.ge [sflag:s8], $0xC000  }
0x137: {  	[sflag:s8] =	ssyncset.done $0x0  }
0x138: {  	[sflag:s8] =	ssyncadd.s32 $0xFFFF4000  }
0x139: {  	v1 =	vld.msk [tilespmem:$0x58], $0xff;
	_ =	sdelay $0x4  }
0x13a: {  	v1 =	vmul.u32 $0x6000, v1;
	_ =	sdelay $0x1  }
0x13b: {  	v1 =	vperm.xlane v1, v0;
	_ =	sdelay $0x5  }
0x13c: {  	[tilespmem:s10], [sflag:$0x2] =	stream.indirect_vreg.gather [hbm4b:s6+s2], $0x1800, v1, vm0, $0x38;
	[tilespmem:$0x19100] =	vst v63  }
0x13d: {  	_ =	swait.ge [sflag:s5], $0xC000  }
0x13e: {  	[sflag:s5] =	ssyncset.done $0x0  }
0x13f: {  	s24 =	rddreg [dreg:$0x10];
	[sflag:s5] =	ssyncadd.s32 $0xFFFF4000  }
0x140: {  	[hbm4b:s24+s12] =	stream.strided.scatter [tilespmem:s9], [sflag:$0x4], $0xC000, s13, s12, $0x38;
	[tilespmem:$0x19100] =	vst v63  }
0x141: {  	_ =	swait.ge [sflag:s8], $0xC000  }
0x142: {  	[sflag:s8] =	ssyncset.done $0x0  }
0x143: {  	[sflag:s8] =	ssyncadd.s32 $0xFFFF4000  }
0x144: {  	v1 =	vld.msk [tilespmem:$0x60], $0xff;
	_ =	sdelay $0x4  }
0x145: {  	v1 =	vmul.u32 $0x6000, v1;
	_ =	sdelay $0x1  }
0x146: {  	v1 =	vperm.xlane v1, v0;
	_ =	sdelay $0x5  }
0x147: {  	[tilespmem:s9], [sflag:$0x1] =	stream.indirect_vreg.gather [hbm4b:s6+s2], $0x1800, v1, vm0, $0x38;
	[tilespmem:$0x19100] =	vst v63  }
0x148: {  	_ =	swait.ge [sflag:s14], $0xC000  }
0x149: {  	[sflag:s14] =	ssyncset.done $0x0  }
0x14a: {  	s25 =	rddreg [dreg:$0x11];
	[sflag:s14] =	ssyncadd.s32 $0xFFFF4000  }
0x14b: {  	[hbm4b:s25+s12] =	stream.strided.scatter [tilespmem:s10], [sflag:$0x4], $0xC000, s13, s12, $0x38;
	[tilespmem:$0x19100] =	vst v63  }
0x14c: {  	_ =	swait.ge [sflag:s8], $0xC000  }
0x14d: {  	[sflag:s8] =	ssyncset.done $0x0  }
0x14e: {  	[sflag:s8] =	ssyncadd.s32 $0xFFFF4000  }
0x14f: {  	v1 =	vld.msk [tilespmem:$0x68], $0xff;
	_ =	sdelay $0x4  }
0x150: {  	v1 =	vmul.u32 $0x6000, v1;
	_ =	sdelay $0x1  }
0x151: {  	v1 =	vperm.xlane v1, v0;
	_ =	sdelay $0x5  }
0x152: {  	[tilespmem:s10], [sflag:$0x2] =	stream.indirect_vreg.gather [hbm4b:s6+s2], $0x1800, v1, vm0, $0x38;
	[tilespmem:$0x19100] =	vst v63  }
0x153: {  	_ =	swait.ge [sflag:s5], $0xC000  }
0x154: {  	[sflag:s5] =	ssyncset.done $0x0  }
0x155: {  	s26 =	rddreg [dreg:$0x12];
	[sflag:s5] =	ssyncadd.s32 $0xFFFF4000  }
0x156: {  	[hbm4b:s26+s12] =	stream.strided.scatter [tilespmem:s9], [sflag:$0x4], $0xC000, s13, s12, $0x38;
	[tilespmem:$0x19100] =	vst v63  }
0x157: {  	_ =	swait.ge [sflag:s8], $0xC000  }
0x158: {  	[sflag:s8] =	ssyncset.done $0x0  }
0x159: {  	[sflag:s8] =	ssyncadd.s32 $0xFFFF4000  }
0x15a: {  	v1 =	vld.msk [tilespmem:$0x70], $0xff;
	_ =	sdelay $0x4  }
0x15b: {  	v1 =	vmul.u32 $0x6000, v1;
	_ =	sdelay $0x1  }
0x15c: {  	v1 =	vperm.xlane v1, v0;
	_ =	sdelay $0x5  }
0x15d: {  	[tilespmem:s9], [sflag:$0x1] =	stream.indirect_vreg.gather [hbm4b:s6+s2], $0x1800, v1, vm0, $0x38;
	[tilespmem:$0x19100] =	vst v63  }
0x15e: {  	_ =	swait.ge [sflag:s14], $0xC000  }
0x15f: {  	[sflag:s14] =	ssyncset.done $0x0  }
0x160: {  	s28 =	rddreg [dreg:$0x13];
	[sflag:s14] =	ssyncadd.s32 $0xFFFF4000  }
0x161: {  	[hbm4b:s28+s12] =	stream.strided.scatter [tilespmem:s10], [sflag:$0x4], $0xC000, s13, s12, $0x38;
	[tilespmem:$0x19100] =	vst v63  }
0x162: {  	_ =	swait.ge [sflag:s8], $0xC000  }
0x163: {  	[sflag:s8] =	ssyncset.done $0x0  }
0x164: {  	[sflag:s8] =	ssyncadd.s32 $0xFFFF4000  }
0x165: {  	v1 =	vld.msk [tilespmem:$0x78], $0xff;
	_ =	sdelay $0x4  }
0x166: {  	v1 =	vmul.u32 $0x6000, v1;
	_ =	sdelay $0x1  }
0x167: {  	v1 =	vperm.xlane v1, v0;
	_ =	sdelay $0x5  }
0x168: {  	[tilespmem:s10], [sflag:$0x2] =	stream.indirect_vreg.gather [hbm4b:s6+s2], $0x1800, v1, vm0, $0x38;
	[tilespmem:$0x19100] =	vst v63  }
0x169: {  	_ =	swait.ge [sflag:s5], $0xC000  }
0x16a: {  	[sflag:s5] =	ssyncset.done $0x0  }
0x16b: {  	s29 =	rddreg [dreg:$0x14];
	[sflag:s5] =	ssyncadd.s32 $0xFFFF4000  }
0x16c: {  	[hbm4b:s29+s12] =	stream.strided.scatter [tilespmem:s9], [sflag:$0x4], $0xC000, s13, s12, $0x38;
	[tilespmem:$0x19100] =	vst v63  }
0x16d: {  	_ =	swait.ge [sflag:s8], $0xC000  }
0x16e: {  	[sflag:s8] =	ssyncset.done $0x0  }
0x16f: {  	[sflag:s8] =	ssyncadd.s32 $0xFFFF4000  }
0x170: {  	_ =	swait.ge [sflag:s14], $0xC000  }
0x171: {  	[sflag:s14] =	ssyncset.done $0x0  }
0x172: {  	s30 =	rddreg [dreg:$0x15];
	[sflag:s14] =	ssyncadd.s32 $0xFFFF4000  }
0x173: {  	[hbm4b:s30+s12] =	stream.strided.scatter [tilespmem:s10], [sflag:$0x4], $0xC000, s13, s12, $0x38;
	[tilespmem:$0x19100] =	vst v63  }
0x174: {  	_ =	swait.ge [sflag:s8], $0xC000  }
0x175: {  	[sflag:s8] =	ssyncset.done $0x0  }
0x176: {  	[sflag:s8] =	ssyncadd.s32 $0xFFFF4000  }
0x177: {  	_ =	swait.ge [sflag:s15], $0x80  }
0x178: {  	[sflag:s15] =	ssyncset.done $0x0  }
0x179: {  	[sflag:s15] =	ssyncadd.s32 $0xFFFFFF80  }
0x17a: {  	_ =	swait.ge [sflag:s15], $0x80  }
0x17b: {  	[sflag:s15] =	ssyncset.done $0x0  }
0x17c: {  	[sflag:s15] =	ssyncadd.s32 $0xFFFFFF80  }
0x17d: {  	_ =	swait.ge [sflag:s15], $0x80  }
0x17e: {  	[sflag:s15] =	ssyncset.done $0x0  }
0x17f: {  	[sflag:s15] =	ssyncadd.s32 $0xFFFFFF80  }
0x180: {  	_ =	swait.ge [sflag:s15], $0x80  }
0x181: {  	[sflag:s15] =	ssyncset.done $0x0  }
0x182: {  	[sflag:s15] =	ssyncadd.s32 $0xFFFFFF80  }
0x183: {  	_ =	swait.ge [sflag:s15], $0x80  }
0x184: {  	[sflag:s15] =	ssyncset.done $0x0  }
0x185: {  	[sflag:s15] =	ssyncadd.s32 $0xFFFFFF80  }
0x186: {  	_ =	swait.ge [sflag:s15], $0x80  }
0x187: {  	[sflag:s15] =	ssyncset.done $0x0  }
0x188: {  	[sflag:s15] =	ssyncadd.s32 $0xFFFFFF80  }
0x189: {  	_ =	swait.ge [sflag:s15], $0x80  }
0x18a: {  	[sflag:s15] =	ssyncset.done $0x0  }
0x18b: {  	[sflag:s15] =	ssyncadd.s32 $0xFFFFFF80  }
0x18c: {  	_ =	swait.ge [sflag:s15], $0x80  }
0x18d: {  	[sflag:s15] =	ssyncset.done $0x0  }
0x18e: {  	[sflag:s15] =	ssyncadd.s32 $0xFFFFFF80  }
0x18f: {  	_ =	swait.ge [sflag:s15], $0x80  }
0x190: {  	[sflag:s15] =	ssyncset.done $0x0  }
0x191: {  	[sflag:s15] =	ssyncadd.s32 $0xFFFFFF80  }
0x192: {  	_ =	swait.ge [sflag:s15], $0x80  }
0x193: {  	[sflag:s15] =	ssyncset.done $0x0  }
0x194: {  	[sflag:s15] =	ssyncadd.s32 $0xFFFFFF80  }
0x195: {  	_ =	swait.ge [sflag:s15], $0x80  }
0x196: {  	[sflag:s15] =	ssyncset.done $0x0  }
0x197: {  	[sflag:s15] =	ssyncadd.s32 $0xFFFFFF80  }
0x198: {  	_ =	swait.ge [sflag:s15], $0x80  }
0x199: {  	[sflag:s15] =	ssyncset.done $0x0  }
0x19a: {  	[sflag:s15] =	ssyncadd.s32 $0xFFFFFF80  }
0x19b: {  	_ =	swait.ge [sflag:s15], $0x80  }
0x19c: {  	[sflag:s15] =	ssyncset.done $0x0  }
0x19d: {  	[sflag:s15] =	ssyncadd.s32 $0xFFFFFF80  }
0x19e: {  	_ =	swait.ge [sflag:s15], $0x80  }
0x19f: {  	[sflag:s15] =	ssyncset.done $0x0  }
0x1a0: {  	[sflag:s15] =	ssyncadd.s32 $0xFFFFFF80  }
0x1a1: {  	_ =	swait.ge [sflag:s15], $0x80  }
0x1a2: {  	[sflag:s15] =	ssyncset.done $0x0  }
0x1a3: {  	[sflag:s15] =	ssyncadd.s32 $0xFFFFFF80  }
0x1a4: {  	_ =	swait.ge [sflag:s15], $0x80  }
0x1a5: {  	[sflag:s15] =	ssyncset.done $0x0  }
0x1a6: {  	[sflag:s15] =	ssyncadd.s32 $0xFFFFFF80  }
0x1a7: {  	_ =	swait.ge [sflag:s15], $0x80  }
0x1a8: {  	[sflag:s15] =	ssyncset.done $0x0  }
0x1a9: {  	[sflag:s15] =	ssyncadd.s32 $0xFFFFFF80  }
0x1aa: {  	_ =	swait.ge [sflag:s15], $0x80  }
0x1ab: {  	[sflag:s15] =	ssyncset.done $0x0  }
0x1ac: {  	[sflag:s15] =	ssyncadd.s32 $0xFFFFFF80  }
0x1ad: {  	_ =	swait.ge [sflag:s15], $0x80  }
0x1ae: {  	[sflag:s15] =	ssyncset.done $0x0  }
0x1af: {  	[sflag:s15] =	ssyncadd.s32 $0xFFFFFF80  }
0x1b0: {  	_ =	swait.ge [sflag:s15], $0x80  }
0x1b1: {  	[sflag:s15] =	ssyncset.done $0x0  }
0x1b2: {  	[sflag:s15] =	ssyncadd.s32 $0xFFFFFF80  }
0x1b3: {  	_ =	swait.ge [sflag:s15], $0x80  }
0x1b4: {  	[sflag:s15] =	ssyncset.done $0x0  }
0x1b5: {  	[sflag:s15] =	ssyncadd.s32 $0xFFFFFF80  }
0x1b6: {  	_ =	swait.ge [sflag:s15], $0x80  }
0x1b7: {  	[sflag:s15] =	ssyncset.done $0x0  }
0x1b8: {  	[sflag:s15] =	ssyncadd.s32 $0xFFFFFF80  }
0x1b9: {  	_ =	swait.ge [sflag:s15], $0x80  }
0x1ba: {  	[sflag:s15] =	ssyncset.done $0x0  }
0x1bb: {  	[sflag:s15] =	ssyncadd.s32 $0xFFFFFF80  }
0x1bc: {  	_ =	swait.ge [sflag:s15], $0x80  }
0x1bd: {  	[sflag:s15] =	ssyncset.done $0x0  }
0x1be: {  	[sflag:s15] =	ssyncadd.s32 $0xFFFFFF80  }
0x1bf: {  	_ =	swait.ge [sflag:s15], $0x80  }
0x1c0: {  	[sflag:s15] =	ssyncset.done $0x0  }
0x1c1: {  	[sflag:s15] =	ssyncadd.s32 $0xFFFFFF80  }
0x1c2: {  	_ =	swait.ge [sflag:s15], $0x80  }
0x1c3: {  	[sflag:s15] =	ssyncset.done $0x0  }
0x1c4: {  	[sflag:s15] =	ssyncadd.s32 $0xFFFFFF80  }
0x1c5: {  	_ =	swait.ge [sflag:s15], $0x80  }
0x1c6: {  	[sflag:s15] =	ssyncset.done $0x0  }
0x1c7: {  	[sflag:s15] =	ssyncadd.s32 $0xFFFFFF80  }
0x1c8: {  	_ =	swait.ge [sflag:s15], $0x80  }
0x1c9: {  	[sflag:s15] =	ssyncset.done $0x0  }
0x1ca: {  	[sflag:s15] =	ssyncadd.s32 $0xFFFFFF80  }
0x1cb: {  	_ =	swait.ge [sflag:s15], $0x80  }
0x1cc: {  	[sflag:s15] =	ssyncset.done $0x0  }
0x1cd: {  	[sflag:s15] =	ssyncadd.s32 $0xFFFFFF80  }
0x1ce: {  	_ =	swait.ge [sflag:s15], $0x80  }
0x1cf: {  	[sflag:s15] =	ssyncset.done $0x0  }
0x1d0: {  	[sflag:s15] =	ssyncadd.s32 $0xFFFFFF80  }
0x1d1: {  	_ =	swait.ge [sflag:s15], $0x80  }
0x1d2: {  	[sflag:s15] =	ssyncset.done $0x0  }
0x1d3: {  	[sflag:s15] =	ssyncadd.s32 $0xFFFFFF80  }
0x1d4: {  	_ =	swait.ge [sflag:s15], $0x80  }
0x1d5: {  	p0 =	sne.s32 s7, $0x1;
	[sflag:s15] =	ssyncset.done $0x0  }
.Ltmp0:
0x1d6: {  	s31 =	rddreg [dreg:$0x16];
	[sflag:s15] =	ssyncadd.s32 $0xFFFFFF80;
	(pc) =	sbr.rel @p0 .LBB2_1-.Ltmp0, $4  }
0x1d7: {  	[hbm4b:s31+s2] =	stream.linear.scatter [tilespmem:s11], [sflag:$0x4], $0x1000, $0x38;
	[tilespmem:$0x19100] =	vst v63  }
0x1d8: {  	_ =	swait.ge [sflag:s8], $0x1000  }
0x1d9: {  	[sflag:s8] =	ssyncset.done $0x0  }
0x1da: {  	s7 =	sadd.s32 $0xFFFFFFFF, s7;
	[sflag:s8] =	ssyncadd.s32 $0xFFFFF000  }
0x1db: {  	_ =	sfence.sel $0x180000  }
0x1dc: {  	[bflag:$0x0] =	sbarrier.arrive $0xFFFF  }
0x1dd: {  	p0 =	sne.s32 s0, $0x0;
	_ =	strace $0x90000047  }
0x1de: {  	s0 =	sadd.s32 @!p0 $0x100000, s1;
	[bflag:$0x2] =	sbarrier.arrive $0xFFFF  }
0x1df: {  	[sflag:s0] =	ssyncadd.tile.s32 @!p0 $0x1;
	_ =	shalt  }
.Lfunc_end2:
_tile_overlayer_lowered:
.L_overlay_start_2:
0x1e0: {  	(tag) =	ssettag $0x2  }
0x1e1: {  	s0 =	rddreg [dreg:$0x0];
	s2 =	stileid.u32  }
0x1e2: {  	s1 =	rddreg [dreg:$0x1];
	p0 =	sne.s32 s2, $0x0  }
0x1e3: {  	s3 =	rddreg [dreg:$0x2];
	[bflag:$0x3] =	sbarrier.arrive $0xFFFF;
	s2 =	simm.s32 @!p0 $0x1C04  }
0x1e4: {  	[timem:s3], [sflag:s2] =	dma.local @!p0 [hbm:s0], s1  }
0x1e5: {  	s0 =	simm.s32 @!p0 $0x4  }
0x1e6: {  	_ =	swait.ge @!p0 [sflag:s0], s1  }
0x1e7: {  	s1 =	ssub.s32 @!p0 $0x0, s1;
	[sflag:s0] =	ssyncset.done @!p0 $0x0  }
0x1e8: {  	[sflag:s0] =	ssyncadd.s32 @!p0 s1  }
0x1e9: {  	[bflag:$0x3] =	sbarrier.arrive $0xFFFF  }
0x1ea: {  	_ =	shalt  }

</sc_bundles>
